<compile_context>
chip_gen: v7x
topology: tpu7x:2x2x1
jax: 0.10.2.dev20260603
libtpu: 0.0.44.dev20260713+nightly
codegen_flags: <defaults>
</compile_context>

<pallas_src>
import functools
import math

import jax
import jax.numpy as jnp
from jax import lax
from jax.experimental import pallas as pl
from jax.experimental.pallas import tpu as pltpu
from jax.experimental.pallas import tpu_sc as plsc

F32 = jnp.float32
I32 = jnp.int32
HI = jax.lax.Precision.HIGHEST


def _dot(a, b):
    return jax.lax.dot(a, b, precision=HI)
EPS = 1e-5
NB = 2000
DB = 256
DBM = 1024
NC, NS = 2, 16
NW = NC * NS
CE = 128
CM = 128


def _full(spec_shape):
    nd = len(spec_shape)
    return pl.BlockSpec(spec_shape, lambda i, _n=nd: (0,) * _n)


def _rows(blk, d):
    return pl.BlockSpec((blk, d), lambda i: (i, 0))


def _gate_kernel(feat_ref, batch_ref, w1_ref, b1_ref, w2_ref, b2_ref, sf_ref):
    pid = pl.program_id(0)
    h = jnp.maximum(_dot(feat_ref[...], w1_ref[...]) + b1_ref[...], 0.0)
    h = jnp.maximum(_dot(h, w2_ref[...]) + b2_ref[...], 0.0)
    bb = batch_ref[...]
    neg = jnp.float32(-jnp.inf)
    rows = [jnp.max(jnp.where(bb == b, h, neg), axis=0, keepdims=True)
            for b in range(8)]
    cur = jnp.concatenate(rows, axis=0)

    @pl.when(pid == 0)
    def _():
        sf_ref[...] = jnp.full_like(sf_ref, neg)

    sf_ref[...] = jnp.maximum(sf_ref[...], cur)


def _gate_call(feat8, batch2d, p):
    w1 = jnp.zeros((8, 68), F32).at[:4].set(p['gate_W1'])
    return pl.pallas_call(
        _gate_kernel,
        grid=(feat8.shape[0] // NB,),
        in_specs=[_rows(NB, 8), _rows(NB, 1), _full((8, 68)), _full((1, 68)),
                  _full((68, 68)), _full((1, 68))],
        out_specs=_full((8, 68)),
        out_shape=jax.ShapeDtypeStruct((8, 68), F32),
    )(feat8, batch2d, w1, p['gate_b1'][None], p['gate_W2'], p['gate_b2'][None])


def _feat_kernel(x_ref, feat_ref, batch_ref, sf_ref, gum_ref, wg_ref, bg_ref,
                 wx_ref, wr8_ref, z_ref, aux_ref):
    logits = _dot(sf_ref[...], wg_ref[...]) + bg_ref[...] + gum_ref[...]
    m = jnp.max(logits, axis=1, keepdims=True)
    e = jnp.exp(logits - m)
    g2 = e[:, 1:2] / (e[:, 0:1] + e[:, 1:2])
    bb = batch_ref[...]
    onehot = (bb == lax.broadcasted_iota(I32, (1, 8), 1)).astype(F32)
    refl_g = _dot(onehot, g2) * feat_ref[:, 3:4]
    lane = lax.broadcasted_iota(I32, feat_ref.shape, 1)
    pos48 = jnp.where(lane == 3, refl_g, feat_ref[...])
    z = _dot(x_ref[...], wx_ref[...]) + _dot(pos48, wr8_ref[...])
    batf = bb.astype(F32)
    z_ref[...] = z.astype(jnp.bfloat16)
    aux_ref[...] = jnp.where(lane == 3, refl_g,
                             jnp.where(lane == 4, batf, feat_ref[...]))


def _feat_call(x, feat8, batch2d, sf, gum, p):
    wr8 = jnp.zeros((8, 64), F32).at[:4].set(p['loc_W'][64:68])
    return pl.pallas_call(
        _feat_kernel,
        grid=(x.shape[0] // NB,),
        in_specs=[_rows(NB, 64), _rows(NB, 8), _rows(NB, 1), _full((8, 68)),
                  _full((8, 2)), _full((68, 2)), _full((1, 2)),
                  _full((64, 64)), _full((8, 64))],
        out_specs=[_rows(NB, 64), _rows(NB, 8)],
        out_shape=[jax.ShapeDtypeStruct((x.shape[0], 64), jnp.bfloat16),
                   jax.ShapeDtypeStruct((x.shape[0], 8), F32)],
    )(x, feat8, batch2d, sf, gum, p['gate_Wg'], p['gate_bg'][None],
      p['loc_W'][:64], wr8)


def _sc_gather(Z, aux, srcp, idxp, Epad, Mpad):
    epw = Epad // NW
    mpw = Mpad // NW
    SUP = 1024
    tsup = epw // SUP
    mesh = plsc.VectorSubcoreMesh(core_axis_name="c", subcore_axis_name="s")

    @functools.partial(
        pl.kernel, mesh=mesh,
        compiler_params=pltpu.CompilerParams(use_tc_tiling_on_sc=False),
        out_type=[jax.ShapeDtypeStruct((Epad, 64), jnp.bfloat16),
                  jax.ShapeDtypeStruct((Mpad, 8), F32)],
        scratch_types=[pltpu.VMEM((SUP,), I32),
                       pltpu.VMEM((SUP, 64), jnp.bfloat16),
                       pltpu.VMEM((mpw,), I32), pltpu.VMEM((mpw, 8), F32),
                       pltpu.SemaphoreType.DMA],
    )
    def k(z_hbm, aux_hbm, src_hbm, idx_hbm, g_out, auxs_out,
          eidx_v, erows_v, midx_v, mrows_v, sem):
        wid = lax.axis_index("s") * NC + lax.axis_index("c")

        mb = pl.multiple_of(wid * mpw, CM)
        pltpu.sync_copy(idx_hbm.at[pl.ds(mb, mpw)], midx_v)
        for a in range(mpw // CM):
            pltpu.async_copy(aux_hbm.at[midx_v.at[pl.ds(a * CM, CM)]],
                             mrows_v.at[pl.ds(a * CM, CM)], sem)
        for a in range(mpw // CM):
            pltpu.make_async_copy(aux_hbm.at[midx_v.at[pl.ds(a * CM, CM)]],
                                  mrows_v.at[pl.ds(a * CM, CM)], sem).wait()
        pltpu.sync_copy(mrows_v, auxs_out.at[pl.ds(mb, mpw)])

        def ebody(i, _):
            b = pl.multiple_of(wid * epw + i * SUP, CE)
            pltpu.sync_copy(src_hbm.at[pl.ds(b, SUP)], eidx_v)
            for a in range(SUP // CE):
                pltpu.async_copy(z_hbm.at[eidx_v.at[pl.ds(a * CE, CE)]],
                                 erows_v.at[pl.ds(a * CE, CE)], sem)
            for a in range(SUP // CE):
                pltpu.make_async_copy(z_hbm.at[eidx_v.at[pl.ds(a * CE, CE)]],
                                      erows_v.at[pl.ds(a * CE, CE)], sem).wait()
            pltpu.sync_copy(erows_v, g_out.at[pl.ds(b, SUP)])
            return 0

        lax.fori_loop(0, tsup, ebody, 0)

    return k(Z, aux, srcp, idxp)


def _conv_kernel(g_ref, auxs_ref, wr8_ref, locb_ref, a1_ref, ab1_ref,
                 pk_ref, ab2_ref, rep_ref, sel_ref, expw_ref, expb_ref,
                 out_ref, aout_ref, st_ref, *, M):
    pid = pl.program_id(0)
    o = locb_ref[...] - _dot(auxs_ref[...], wr8_ref[...])
    t = _dot(o, a1_ref[...]) + ab1_ref[...]
    gf = g_ref[...].astype(F32)
    a = jnp.zeros((DB, 16), F32)
    for k in range(16):
        pre = jnp.maximum(_dot(gf[:, 64 * k:64 * (k + 1)], a1_ref[...]) + t, 0.0)
        a = a + _dot(pre, pk_ref[32 * k:32 * (k + 1), :])
    a = a + ab2_ref[0, 0]
    amax = jnp.max(a, axis=1, keepdims=True)
    ex = jnp.exp(a - amax)
    w = ex / jnp.sum(ex, axis=1, keepdims=True)
    w_wide = _dot(w, rep_ref[...])
    out = _dot(w_wide * gf, sel_ref[...]) + o
    out_ref[...] = out
    av = _dot(out, expw_ref[...]) + expb_ref[...]
    aout_ref[...] = av
    valid = (pid * DB + lax.broadcasted_iota(I32, (DB, 1), 0)) < M
    am = jnp.where(valid, av, 0.0)
    s0 = jnp.sum(am, axis=0, keepdims=True)
    s1 = jnp.sum(am * am, axis=0, keepdims=True)
    r = lax.broadcasted_iota(I32, (8, 256), 0)
    contrib = jnp.where(r == 0, s0, 0.0) + jnp.where(r == 1, s1, 0.0)

    @pl.when(pid == 0)
    def _():
        st_ref[...] = jnp.zeros_like(st_ref)

    st_ref[...] = st_ref[...] + contrib


def _conv_call(G, auxs, p, M, Mpad):
    wr8 = jnp.zeros((8, 64), F32).at[:4].set(p['loc_W'][64:68])
    eye16 = jnp.eye(16, dtype=F32)
    pk = jnp.kron(eye16, p['attn_W2'][:, 0:1])
    rep = jnp.kron(eye16, jnp.ones((1, 64), F32))
    sel = jnp.kron(jnp.ones((16, 1), F32), jnp.eye(64, dtype=F32))
    return pl.pallas_call(
        functools.partial(_conv_kernel, M=M),
        grid=(Mpad // DB,),
        in_specs=[_rows(DB, 1024), _rows(DB, 8), _full((8, 64)),
                  _full((1, 64)), _full((64, 32)), _full((1, 32)),
                  _full((512, 16)), _full((1, 1)), _full((16, 1024)),
                  _full((1024, 64)), _full((64, 256)), _full((1, 256))],
        out_specs=[_rows(DB, 64), _rows(DB, 256), _full((8, 256))],
        out_shape=[jax.ShapeDtypeStruct((Mpad, 64), F32),
                   jax.ShapeDtypeStruct((Mpad, 256), F32),
                   jax.ShapeDtypeStruct((8, 256), F32)],
    )(G, auxs, wr8, p['loc_b'][None], p['attn_W1'], p['attn_b1'][None],
      pk, p['attn_b2'][None, :], rep, sel, p['exp_W'], p['exp_b'][None])


def _ab_from_stats(st_ref, g, b, M):
    mu = st_ref[0:1, :] / M
    var = st_ref[1:2, :] / M - mu * mu
    alpha = g / jnp.sqrt(var + EPS)
    return alpha, b - alpha * mu


def _accum_stats(st_ref, pid, val, M, d):
    valid = (pid * DBM + lax.broadcasted_iota(I32, (DBM, 1), 0)) < M
    vm = jnp.where(valid, val, 0.0)
    s0 = jnp.sum(vm, axis=0, keepdims=True)
    s1 = jnp.sum(vm * vm, axis=0, keepdims=True)
    r = lax.broadcasted_iota(I32, (8, d), 0)
    contrib = jnp.where(r == 0, s0, 0.0) + jnp.where(r == 1, s1, 0.0)

    @pl.when(pid == 0)
    def _():
        st_ref[...] = jnp.zeros_like(st_ref)

    st_ref[...] = st_ref[...] + contrib


def _h1_stats_kernel(a_ref, sta_ref, g_ref, b_ref, st_ref, *, M):
    pid = pl.program_id(0)
    al, be = _ab_from_stats(sta_ref, g_ref[...], b_ref[...], M)
    h1 = jnp.maximum(a_ref[...] * al + be, 0.0)
    _accum_stats(st_ref, pid, h1, M, 256)


def _c_kernel(a_ref, sta_ref, sth1_ref, eg_ref, eb_ref, dw_ref, dbb_ref,
              dg_ref, db2_ref, pw_ref, pb_ref, c_ref, st_ref, *, M):
    pid = pl.program_id(0)
    al, be = _ab_from_stats(sta_ref, eg_ref[...], eb_ref[...], M)
    h1 = jnp.maximum(a_ref[...] * al + be, 0.0)
    mu1 = sth1_ref[0:1, :] / M
    va1 = sth1_ref[1:2, :] / M - mu1 * mu1
    dw = dw_ref[...]
    muB = dw * mu1 + dbb_ref[...]
    inv = dg_ref[...] * lax.rsqrt(dw * dw * va1 + EPS)
    a2 = dw * inv
    b2 = (dbb_ref[...] - muB) * inv + db2_ref[...]
    h2 = jnp.maximum(h1 * a2 + b2, 0.0)
    c = _dot(h2, pw_ref[...]) + pb_ref[...]
    c_ref[...] = c
    _accum_stats(st_ref, pid, c, M, 256)


def _e_kernel(c_ref, stc_ref, pg_ref, pb_ref, g1_ref, b1_ref, dw_ref,
              dbb_ref, dg_ref, db2_ref, pw_ref, pwb_ref, e_ref, st_ref, *, M):
    pid = pl.program_id(0)
    muC = stc_ref[0:1, :] / M
    vaC = stc_ref[1:2, :] / M - muC * muC
    ac = pg_ref[...] * lax.rsqrt(vaC + EPS)
    bc = pb_ref[...] - ac * muC
    mu2 = ac * muC + bc
    var2 = ac * ac * vaC
    k1 = g1_ref[...] * lax.rsqrt(var2 + EPS)
    ad = ac * k1
    bd = (bc - mu2) * k1 + b1_ref[...]
    ae = ad * dw_ref[...]
    be = bd * dw_ref[...] + dbb_ref[...]
    muD = ae * muC + be
    vaD = ae * ae * vaC
    kD = dg_ref[...] * lax.rsqrt(vaD + EPS)
    af = ae * kD
    bf = (be - muD) * kD + db2_ref[...]
    h3 = jnp.maximum(c_ref[...] * af + bf, 0.0)
    ev = _dot(h3, pw_ref[...]) + pwb_ref[...]
    e_ref[...] = ev
    _accum_stats(st_ref, pid, ev, M, 256)


def _p_kernel(e_ref, ste_ref, pg_ref, pb_ref, g2_ref, b2_ref, pw_ref,
              pwb_ref, p_ref, st_ref, *, M):
    pid = pl.program_id(0)
    muE = ste_ref[0:1, :] / M
    vaE = ste_ref[1:2, :] / M - muE * muE
    ag = pg_ref[...] * lax.rsqrt(vaE + EPS)
    bg = pb_ref[...] - ag * muE
    muE2 = ag * muE + bg
    varE2 = ag * ag * vaE
    k2 = g2_ref[...] * lax.rsqrt(varE2 + EPS)
    ah = ag * k2
    bh = (bg - muE2) * k2 + b2_ref[...]
    pv = _dot(e_ref[...] * ah + bh, pw_ref[...]) + pwb_ref[...]
    p_ref[...] = pv
    _accum_stats(st_ref, pid, pv, M, 64)


def _final_kernel(p_ref, out_ref, stp_ref, g_ref, b_ref, xo_ref, *, M):
    al, be = _ab_from_stats(stp_ref, g_ref[...], b_ref[...], M)
    xo_ref[...] = jnp.maximum(p_ref[...] * al + be + out_ref[...], 0.0)


def _mlp_calls(out, A, stA, p, M, Mpad):
    grid = (Mpad // DBM,)
    stH1 = pl.pallas_call(
        functools.partial(_h1_stats_kernel, M=M), grid=grid,
        in_specs=[_rows(DBM, 256), _full((8, 256)), _full((1, 256)),
                  _full((1, 256))],
        out_specs=_full((8, 256)),
        out_shape=jax.ShapeDtypeStruct((8, 256), F32),
    )(A, stA, p['exp_bn_g'][None], p['exp_bn_b'][None])
    C, stC = pl.pallas_call(
        functools.partial(_c_kernel, M=M), grid=grid,
        in_specs=[_rows(DBM, 256), _full((8, 256)), _full((8, 256)),
                  _full((1, 256)), _full((1, 256)), _full((1, 256)),
                  _full((1, 256)), _full((1, 256)), _full((1, 256)),
                  _full((256, 256)), _full((1, 256))],
        out_specs=[_rows(DBM, 256), _full((8, 256))],
        out_shape=[jax.ShapeDtypeStruct((Mpad, 256), F32),
                   jax.ShapeDtypeStruct((8, 256), F32)],
    )(A, stA, stH1, p['exp_bn_g'][None], p['exp_bn_b'][None],
      p['ds1_dw_w'][None], p['ds1_dw_b'][None], p['ds1_dwbn_g'][None],
      p['ds1_dwbn_b'][None], p['ds1_pw_W'], p['ds1_pw_b'][None])
    Earr, stE = pl.pallas_call(
        functools.partial(_e_kernel, M=M), grid=grid,
        in_specs=[_rows(DBM, 256), _full((8, 256)), _full((1, 256)),
                  _full((1, 256)), _full((1, 256)), _full((1, 256)),
                  _full((1, 256)), _full((1, 256)), _full((1, 256)),
                  _full((1, 256)), _full((256, 256)), _full((1, 256))],
        out_specs=[_rows(DBM, 256), _full((8, 256))],
        out_shape=[jax.ShapeDtypeStruct((Mpad, 256), F32),
                   jax.ShapeDtypeStruct((8, 256), F32)],
    )(C, stC, p['ds1_pwbn_g'][None], p['ds1_pwbn_b'][None], p['bn1_g'][None],
      p['bn1_b'][None], p['ds2_dw_w'][None], p['ds2_dw_b'][None],
      p['ds2_dwbn_g'][None], p['ds2_dwbn_b'][None], p['ds2_pw_W'],
      p['ds2_pw_b'][None])
    P, stP = pl.pallas_call(
        functools.partial(_p_kernel, M=M), grid=grid,
        in_specs=[_rows(DBM, 256), _full((8, 256)), _full((1, 256)),
                  _full((1, 256)), _full((1, 256)), _full((1, 256)),
                  _full((256, 64)), _full((1, 64))],
        out_specs=[_rows(DBM, 64), _full((8, 64))],
        out_shape=[jax.ShapeDtypeStruct((Mpad, 64), F32),
                   jax.ShapeDtypeStruct((8, 64), F32)],
    )(Earr, stE, p['ds2_pwbn_g'][None], p['ds2_pwbn_b'][None],
      p['bn2_g'][None], p['bn2_b'][None], p['proj_W'], p['proj_b'][None])
    return pl.pallas_call(
        functools.partial(_final_kernel, M=M), grid=grid,
        in_specs=[_rows(DBM, 64), _rows(DBM, 64), _full((8, 64)),
                  _full((1, 64)), _full((1, 64))],
        out_specs=_rows(DBM, 64),
        out_shape=jax.ShapeDtypeStruct((Mpad, 64), F32),
    )(P, out, stP, p['proj_bn_g'][None], p['proj_bn_b'][None])


def kernel(x, pos, reflectance, batch, idx, edge_index, params):
    p = params
    N = x.shape[0]
    M = idx.shape[0]
    E = edge_index.shape[1]
    assert E == 16 * M
    Mpad = ((M + 4095) // 4096) * 4096
    Epad = 16 * Mpad

    batch = batch.astype(I32)
    batch2d = batch[:, None]
    feat8 = jnp.concatenate(
        [pos, reflectance[:, None], jnp.zeros((N, 4), F32)], axis=1)
    gum = -jnp.log(jax.random.exponential(
        jax.random.PRNGKey(42), (8, 2), dtype=F32))

    sf = _gate_call(feat8, batch2d, p)
    Z, aux = _feat_call(x, feat8, batch2d, sf, gum, p)

    srcp = jnp.pad(edge_index[0].astype(I32), (0, Epad - E))
    idxp = jnp.pad(idx.astype(I32), (0, Mpad - M))
    G, auxs = _sc_gather(Z, aux, srcp, idxp, Epad, Mpad)
    G2 = G.reshape(Mpad, 1024)

    out, A, stA = _conv_call(G2, auxs, p, M, Mpad)
    xo = _mlp_calls(out, A, stA, p, M, Mpad)

    return (xo[:M], auxs[:M, :3], auxs[:M, 4].astype(I32), auxs[:M, 3])

# --- scband reference (transcript-rebuilt; emitter-appended) ---
"""Pipeline reference for scband-samodule-21809843929149 (READ-ONLY COPY).

The authoritative reference and input builder live on the scoring server;
editing this copy changes nothing except your own understanding.
"""

import jax, jax.numpy as jnp
import numpy as np

N = 100000
B = 8
D = 64
K = 16
RES = 0.05
HID = 68

def _build_np():
    rng = np.random.default_rng(0)
    pos = rng.random((N, 3)).astype(np.float32)
    batch = np.sort(rng.integers(0, B, size=N)).astype(np.int64)
    x = rng.standard_normal((N, D)).astype(np.float32)
    refl = rng.standard_normal((N,)).astype(np.float32)
    v = np.floor(pos / RES).astype(np.int64)
    G = 64
    vkey = ((batch * G + v[:, 0]) * G + v[:, 1]) * G + v[:, 2]
    _, idx = np.unique(vkey, return_index=True)
    idx = np.sort(idx).astype(np.int64)
    rows = []
    cols = []
    for b in range(B):
        xb = np.nonzero(batch == b)[0]
        yb_mask = batch[idx] == b
        y_rows = np.nonzero(yb_mask)[0]
        yb = idx[yb_mask]
        px = pos[xb]
        px2 = (px ** 2).sum(1)
        for s in range(0, yb.shape[0], 2048):
            py = pos[yb[s:s + 2048]]
            d2 = (py ** 2).sum(1)[:, None] + px2[None, :] - 2.0 * (py @ px.T)
            nn = np.argpartition(d2, K - 1, axis=1)[:, :K]
            rows.append(np.repeat(y_rows[s:s + 2048], K))
            cols.append(xb[nn].reshape(-1))
    row = np.concatenate(rows)
    col = np.concatenate(cols)
    edge_index = np.stack([col, row]).astype(np.int64)

    def rn(*s, sc=0.05):
        return (rng.standard_normal(s) * sc).astype(np.float32)

    E4 = 4 * D
    params = {
        'gate_W1': rn(4, HID, sc=0.3), 'gate_b1': np.zeros(HID, np.float32),
        'gate_W2': rn(HID, HID, sc=0.1), 'gate_b2': np.zeros(HID, np.float32),
        'gate_Wg': rn(HID, 2, sc=0.1), 'gate_bg': np.array([0.0, 2.0], np.float32),
        'loc_W': rn(HID, D, sc=0.08), 'loc_b': np.zeros(D, np.float32),
        'attn_W1': rn(D, 32, sc=0.1), 'attn_b1': np.zeros(32, np.float32),
        'attn_W2': rn(32, 1, sc=0.1), 'attn_b2': np.zeros(1, np.float32),
        'exp_W': rn(D, E4, sc=0.08), 'exp_b': np.zeros(E4, np.float32),
        'exp_bn_g': np.ones(E4, np.float32), 'exp_bn_b': np.zeros(E4, np.float32),
        'proj_W': rn(E4, D, sc=0.05), 'proj_b': np.zeros(D, np.float32),
        'proj_bn_g': np.ones(D, np.float32), 'proj_bn_b': np.zeros(D, np.float32),
        'bn1_g': np.ones(E4, np.float32), 'bn1_b': np.zeros(E4, np.float32),
        'bn2_g': np.ones(E4, np.float32), 'bn2_b': np.zeros(E4, np.float32),
    }
    for pre in ('ds1', 'ds2'):
        params[pre + '_dw_w'] = rn(E4, sc=0.3)
        params[pre + '_dw_b'] = np.zeros(E4, np.float32)
        params[pre + '_dwbn_g'] = np.ones(E4, np.float32)
        params[pre + '_dwbn_b'] = np.zeros(E4, np.float32)
        params[pre + '_pw_W'] = rn(E4, E4, sc=0.04)
        params[pre + '_pw_b'] = np.zeros(E4, np.float32)
        params[pre + '_pwbn_g'] = np.ones(E4, np.float32)
        params[pre + '_pwbn_b'] = np.zeros(E4, np.float32)
    return x, pos, batch, refl, idx, edge_index, params

def setup_inputs():
    x, pos, batch, refl, idx, edge_index, params = _build_np()
    return {
        'x': jnp.asarray(x), 'pos': jnp.asarray(pos),
        'reflectance': jnp.asarray(refl), 'batch': jnp.asarray(batch),
        'idx': jnp.asarray(idx), 'edge_index': jnp.asarray(edge_index),
        'params': jax.tree_util.tree_map(jnp.asarray, params),
    }

def _bn(x, g, b):
    mu = jnp.mean(x, 0)
    var = jnp.var(x, 0)
    return (x - mu) / jnp.sqrt(var + 1e-5) * g + b

def _ds(x, p, pre):
    h = x * p[pre + '_dw_w'] + p[pre + '_dw_b']
    h = _bn(h, p[pre + '_dwbn_g'], p[pre + '_dwbn_b'])
    h = jax.nn.relu(h)
    h = h @ p[pre + '_pw_W'] + p[pre + '_pw_b']
    h = _bn(h, p[pre + '_pwbn_g'], p[pre + '_pwbn_b'])
    return h

def _forward(x, pos, reflectance, params, batch, idx, edge_index):
    p = params
    # BinaryReflectanceGate
    feat = jnp.concatenate([pos, reflectance[:, None]], axis=-1)
    h = jax.nn.relu(feat @ p['gate_W1'] + p['gate_b1'])
    h = jax.nn.relu(h @ p['gate_W2'] + p['gate_b2'])
    sf = jax.ops.segment_max(h, batch, num_segments=B)
    logits = sf @ p['gate_Wg'] + p['gate_bg']
    gum = -jnp.log(jax.random.exponential(jax.random.PRNGKey(42), logits.shape, dtype=logits.dtype))
    y_soft = jax.nn.softmax(logits + gum, axis=-1)
    refl = y_soft[:, 1][batch] * reflectance
    pos4 = jnp.concatenate([pos, refl[:, None]], axis=-1)
    # AttentivePointNetConv over precomputed knn graph (src = full set, dst = voxel-sampled set)
    src = edge_index[0]
    dst = edge_index[1]
    M = idx.shape[0]
    x_j = x[src]
    rel = pos4[src] - pos4[idx][dst]
    msg = jnp.concatenate([x_j, rel], axis=-1) @ p['loc_W'] + p['loc_b']
    a = jax.nn.relu(msg @ p['attn_W1'] + p['attn_b1']) @ p['attn_W2'][:, 0] + p['attn_b2'][0]
    amax = jax.ops.segment_max(a, dst, num_segments=M)
    ex = jnp.exp(a - amax[dst])
    den = jax.ops.segment_sum(ex, dst, num_segments=M)
    out = jax.ops.segment_sum(msg * (ex / den[dst])[:, None], dst, num_segments=M)
    # InvertedResidualBlock (all kernel_size=1 convs == channel matmuls; BN in training mode)
    res = out
    hh = jax.nn.relu(_bn(out @ p['exp_W'] + p['exp_b'], p['exp_bn_g'], p['exp_bn_b']))
    hh = _ds(hh, p, 'ds1')
    hh = _bn(hh, p['bn1_g'], p['bn1_b'])
    hh = _ds(hh, p, 'ds2')
    hh = _bn(hh, p['bn2_g'], p['bn2_b'])
    hh = _bn(hh @ p['proj_W'] + p['proj_b'], p['proj_bn_g'], p['proj_bn_b'])
    x_out = jax.nn.relu(hh + res)
    return x_out, refl

def reference(x, pos, reflectance, batch, idx, edge_index, params):
    x_out, refl = _forward(x, pos, reflectance, params, batch, idx, edge_index)
    return (x_out, pos[idx][:, :3], batch[idx], refl[idx])

if __name__ == "__main__":
    import jax
    _d = setup_inputs()
    print(jax.jit(kernel)(*tuple(_d.values())))

</pallas_src>

<mosaic_0001>
#map = affine_map<(d0, d1) -> (0, 0)>
#map1 = affine_map<(d0, d1) -> (0)>
module attributes {stable_mosaic.version = 14 : i64} {
  func.func @k(%arg0: i32, %arg1: i32, %arg2: memref<100000x64xbf16, #tpu.memory_space<hbm>>, %arg3: memref<100000x8xf32, #tpu.memory_space<hbm>>, %arg4: memref<851968xi32, #tpu.memory_space<hbm>>, %arg5: memref<53248xi32, #tpu.memory_space<hbm>>, %arg6: memref<851968x64xbf16, #tpu.memory_space<hbm>>, %arg7: memref<53248x8xf32, #tpu.memory_space<hbm>>, %arg8: memref<1024xi32, #tpu.memory_space<vmem>>, %arg9: memref<1024x64xbf16, #tpu.memory_space<vmem>>, %arg10: memref<1664xi32, #tpu.memory_space<vmem>>, %arg11: memref<1664x8xf32, #tpu.memory_space<vmem>>, %arg12: memref<!tpu.dma_semaphore, #tpu.memory_space<semaphore_mem>>) attributes {dimension_semantics = [#tpu.dimension_semantics<core_parallel>, #tpu.dimension_semantics<subcore_parallel>], iteration_bounds = array<i64: 2, 16>, scalar_prefetch = 0 : i64, scratch_operands = 5 : i64, tpu.core_type = #tpu.core_type<sc_vector_subcore>, window_params = [{transform_indices = #map}, {transform_indices = #map}, {transform_indices = #map1}, {transform_indices = #map1}, {transform_indices = #map}, {transform_indices = #map}]} {
    %mul3A = arith.constant 2 : i32
    %mul3A_0 = arith.muli %arg1, %mul3A : i32
    %add3A = arith.addi %mul3A_0, %arg0 : i32
    %mul3A_1 = arith.constant 1664 : i32
    %mul3A_2 = arith.muli %add3A, %mul3A_1 : i32
    %multiple_of3A = tpu.assume_multiple %mul3A_2, 128 : i32
    "tpu.region"() ({
      %run_scoped3A = tpu.sem_alloc : memref<!tpu.dma_semaphore, #tpu.memory_space<semaphore_mem>>
      %dma_start3A_215 = tpu.memref_slice %arg5[%multiple_of3A] : memref<53248xi32, #tpu.memory_space<hbm>> -> memref<1664xi32, #tpu.memory_space<hbm>>
      %dma_start3A_216 = tpu.memref_slice %arg5[%multiple_of3A] : memref<53248xi32, #tpu.memory_space<hbm>> -> memref<1664xi32, #tpu.memory_space<hbm>>
      tpu.enqueue_dma source(%dma_start3A_216 : memref<1664xi32, #tpu.memory_space<hbm>>) target(%arg10 : memref<1664xi32, #tpu.memory_space<vmem>>) target_semaphore(%run_scoped3A : memref<!tpu.dma_semaphore, #tpu.memory_space<semaphore_mem>>)
      %dma_wait3A_217 = tpu.memref_slice %arg5[%multiple_of3A] : memref<53248xi32, #tpu.memory_space<hbm>> -> memref<1664xi32, #tpu.memory_space<hbm>>
      %dma_wait3A_218 = tpu.memref_slice %arg5[%multiple_of3A] : memref<53248xi32, #tpu.memory_space<hbm>> -> memref<1664xi32, #tpu.memory_space<hbm>>
      tpu.wait_dma2 semaphore(%run_scoped3A : memref<!tpu.dma_semaphore, #tpu.memory_space<semaphore_mem>>) src(%dma_wait3A_218 : memref<1664xi32, #tpu.memory_space<hbm>>) dst(%arg10 : memref<1664xi32, #tpu.memory_space<vmem>>)
      tpu.yield
    }) : () -> ()
    %dma_start3A = arith.constant 0 : i32
    %dma_start3A_3 = arith.constant 0 : i32
    %dma_start3A_4 = tpu.memref_slice %arg11[%dma_start3A, %dma_start3A_3] : memref<1664x8xf32, #tpu.memory_space<vmem>> -> memref<128x8xf32, #tpu.memory_space<vmem>>
    %dma_start3A_5 = arith.constant 0 : i32
    %dma_start3A_6 = tpu.memref_slice %arg10[%dma_start3A_5] : memref<1664xi32, #tpu.memory_space<vmem>> -> memref<128xi32, #tpu.memory_space<vmem>>
    %dma_start3A_7 = arith.constant 0 : i32
    %dma_start3A_8 = arith.constant 0 : i32
    %dma_start3A_9 = tpu.memref_slice %arg3[%dma_start3A_7, %dma_start3A_8] : memref<100000x8xf32, #tpu.memory_space<hbm>> -> memref<100000x8xf32, #tpu.memory_space<hbm>>
    tpu.enqueue_indirect_dma source(%dma_start3A_9 : memref<100000x8xf32, #tpu.memory_space<hbm>>) target(%dma_start3A_4 : memref<128x8xf32, #tpu.memory_space<vmem>>) offsets(%dma_start3A_6 : memref<128xi32, #tpu.memory_space<vmem>>) semaphore(%arg12 : memref<!tpu.dma_semaphore, #tpu.memory_space<semaphore_mem>>)
    %dma_start3A_10 = arith.constant 128 : i32
    %dma_start3A_11 = arith.constant 0 : i32
    %dma_start3A_12 = tpu.memref_slice %arg11[%dma_start3A_10, %dma_start3A_11] : memref<1664x8xf32, #tpu.memory_space<vmem>> -> memref<128x8xf32, #tpu.memory_space<vmem>>
    %dma_start3A_13 = arith.constant 128 : i32
    %dma_start3A_14 = tpu.memref_slice %arg10[%dma_start3A_13] : memref<1664xi32, #tpu.memory_space<vmem>> -> memref<128xi32, #tpu.memory_space<vmem>>
    %dma_start3A_15 = arith.constant 0 : i32
    %dma_start3A_16 = arith.constant 0 : i32
    %dma_start3A_17 = tpu.memref_slice %arg3[%dma_start3A_15, %dma_start3A_16] : memref<100000x8xf32, #tpu.memory_space<hbm>> -> memref<100000x8xf32, #tpu.memory_space<hbm>>
    tpu.enqueue_indirect_dma source(%dma_start3A_17 : memref<100000x8xf32, #tpu.memory_space<hbm>>) target(%dma_start3A_12 : memref<128x8xf32, #tpu.memory_space<vmem>>) offsets(%dma_start3A_14 : memref<128xi32, #tpu.memory_space<vmem>>) semaphore(%arg12 : memref<!tpu.dma_semaphore, #tpu.memory_space<semaphore_mem>>)
    %dma_start3A_18 = arith.constant 256 : i32
    %dma_start3A_19 = arith.constant 0 : i32
    %dma_start3A_20 = tpu.memref_slice %arg11[%dma_start3A_18, %dma_start3A_19] : memref<1664x8xf32, #tpu.memory_space<vmem>> -> memref<128x8xf32, #tpu.memory_space<vmem>>
    %dma_start3A_21 = arith.constant 256 : i32
    %dma_start3A_22 = tpu.memref_slice %arg10[%dma_start3A_21] : memref<1664xi32, #tpu.memory_space<vmem>> -> memref<128xi32, #tpu.memory_space<vmem>>
    %dma_start3A_23 = arith.constant 0 : i32
    %dma_start3A_24 = arith.constant 0 : i32
    %dma_start3A_25 = tpu.memref_slice %arg3[%dma_start3A_23, %dma_start3A_24] : memref<100000x8xf32, #tpu.memory_space<hbm>> -> memref<100000x8xf32, #tpu.memory_space<hbm>>
    tpu.enqueue_indirect_dma source(%dma_start3A_25 : memref<100000x8xf32, #tpu.memory_space<hbm>>) target(%dma_start3A_20 : memref<128x8xf32, #tpu.memory_space<vmem>>) offsets(%dma_start3A_22 : memref<128xi32, #tpu.memory_space<vmem>>) semaphore(%arg12 : memref<!tpu.dma_semaphore, #tpu.memory_space<semaphore_mem>>)
    %dma_start3A_26 = arith.constant 384 : i32
    %dma_start3A_27 = arith.constant 0 : i32
    %dma_start3A_28 = tpu.memref_slice %arg11[%dma_start3A_26, %dma_start3A_27] : memref<1664x8xf32, #tpu.memory_space<vmem>> -> memref<128x8xf32, #tpu.memory_space<vmem>>
    %dma_start3A_29 = arith.constant 384 : i32
    %dma_start3A_30 = tpu.memref_slice %arg10[%dma_start3A_29] : memref<1664xi32, #tpu.memory_space<vmem>> -> memref<128xi32, #tpu.memory_space<vmem>>
    %dma_start3A_31 = arith.constant 0 : i32
    %dma_start3A_32 = arith.constant 0 : i32
    %dma_start3A_33 = tpu.memref_slice %arg3[%dma_start3A_31, %dma_start3A_32] : memref<100000x8xf32, #tpu.memory_space<hbm>> -> memref<100000x8xf32, #tpu.memory_space<hbm>>
    tpu.enqueue_indirect_dma source(%dma_start3A_33 : memref<100000x8xf32, #tpu.memory_space<hbm>>) target(%dma_start3A_28 : memref<128x8xf32, #tpu.memory_space<vmem>>) offsets(%dma_start3A_30 : memref<128xi32, #tpu.memory_space<vmem>>) semaphore(%arg12 : memref<!tpu.dma_semaphore, #tpu.memory_space<semaphore_mem>>)
    %dma_start3A_34 = arith.constant 512 : i32
    %dma_start3A_35 = arith.constant 0 : i32
    %dma_start3A_36 = tpu.memref_slice %arg11[%dma_start3A_34, %dma_start3A_35] : memref<1664x8xf32, #tpu.memory_space<vmem>> -> memref<128x8xf32, #tpu.memory_space<vmem>>
    %dma_start3A_37 = arith.constant 512 : i32
    %dma_start3A_38 = tpu.memref_slice %arg10[%dma_start3A_37] : memref<1664xi32, #tpu.memory_space<vmem>> -> memref<128xi32, #tpu.memory_space<vmem>>
    %dma_start3A_39 = arith.constant 0 : i32
    %dma_start3A_40 = arith.constant 0 : i32
    %dma_start3A_41 = tpu.memref_slice %arg3[%dma_start3A_39, %dma_start3A_40] : memref<100000x8xf32, #tpu.memory_space<hbm>> -> memref<100000x8xf32, #tpu.memory_space<hbm>>
    tpu.enqueue_indirect_dma source(%dma_start3A_41 : memref<100000x8xf32, #tpu.memory_space<hbm>>) target(%dma_start3A_36 : memref<128x8xf32, #tpu.memory_space<vmem>>) offsets(%dma_start3A_38 : memref<128xi32, #tpu.memory_space<vmem>>) semaphore(%arg12 : memref<!tpu.dma_semaphore, #tpu.memory_space<semaphore_mem>>)
    %dma_start3A_42 = arith.constant 640 : i32
    %dma_start3A_43 = arith.constant 0 : i32
    %dma_start3A_44 = tpu.memref_slice %arg11[%dma_start3A_42, %dma_start3A_43] : memref<1664x8xf32, #tpu.memory_space<vmem>> -> memref<128x8xf32, #tpu.memory_space<vmem>>
    %dma_start3A_45 = arith.constant 640 : i32
    %dma_start3A_46 = tpu.memref_slice %arg10[%dma_start3A_45] : memref<1664xi32, #tpu.memory_space<vmem>> -> memref<128xi32, #tpu.memory_space<vmem>>
    %dma_start3A_47 = arith.constant 0 : i32
    %dma_start3A_48 = arith.constant 0 : i32
    %dma_start3A_49 = tpu.memref_slice %arg3[%dma_start3A_47, %dma_start3A_48] : memref<100000x8xf32, #tpu.memory_space<hbm>> -> memref<100000x8xf32, #tpu.memory_space<hbm>>
    tpu.enqueue_indirect_dma source(%dma_start3A_49 : memref<100000x8xf32, #tpu.memory_space<hbm>>) target(%dma_start3A_44 : memref<128x8xf32, #tpu.memory_space<vmem>>) offsets(%dma_start3A_46 : memref<128xi32, #tpu.memory_space<vmem>>) semaphore(%arg12 : memref<!tpu.dma_semaphore, #tpu.memory_space<semaphore_mem>>)
    %dma_start3A_50 = arith.constant 768 : i32
    %dma_start3A_51 = arith.constant 0 : i32
    %dma_start3A_52 = tpu.memref_slice %arg11[%dma_start3A_50, %dma_start3A_51] : memref<1664x8xf32, #tpu.memory_space<vmem>> -> memref<128x8xf32, #tpu.memory_space<vmem>>
    %dma_start3A_53 = arith.constant 768 : i32
    %dma_start3A_54 = tpu.memref_slice %arg10[%dma_start3A_53] : memref<1664xi32, #tpu.memory_space<vmem>> -> memref<128xi32, #tpu.memory_space<vmem>>
    %dma_start3A_55 = arith.constant 0 : i32
    %dma_start3A_56 = arith.constant 0 : i32
    %dma_start3A_57 = tpu.memref_slice %arg3[%dma_start3A_55, %dma_start3A_56] : memref<100000x8xf32, #tpu.memory_space<hbm>> -> memref<100000x8xf32, #tpu.memory_space<hbm>>
    tpu.enqueue_indirect_dma source(%dma_start3A_57 : memref<100000x8xf32, #tpu.memory_space<hbm>>) target(%dma_start3A_52 : memref<128x8xf32, #tpu.memory_space<vmem>>) offsets(%dma_start3A_54 : memref<128xi32, #tpu.memory_space<vmem>>) semaphore(%arg12 : memref<!tpu.dma_semaphore, #tpu.memory_space<semaphore_mem>>)
    %dma_start3A_58 = arith.constant 896 : i32
    %dma_start3A_59 = arith.constant 0 : i32
    %dma_start3A_60 = tpu.memref_slice %arg11[%dma_start3A_58, %dma_start3A_59] : memref<1664x8xf32, #tpu.memory_space<vmem>> -> memref<128x8xf32, #tpu.memory_space<vmem>>
    %dma_start3A_61 = arith.constant 896 : i32
    %dma_start3A_62 = tpu.memref_slice %arg10[%dma_start3A_61] : memref<1664xi32, #tpu.memory_space<vmem>> -> memref<128xi32, #tpu.memory_space<vmem>>
    %dma_start3A_63 = arith.constant 0 : i32
    %dma_start3A_64 = arith.constant 0 : i32
    %dma_start3A_65 = tpu.memref_slice %arg3[%dma_start3A_63, %dma_start3A_64] : memref<100000x8xf32, #tpu.memory_space<hbm>> -> memref<100000x8xf32, #tpu.memory_space<hbm>>
    tpu.enqueue_indirect_dma source(%dma_start3A_65 : memref<100000x8xf32, #tpu.memory_space<hbm>>) target(%dma_start3A_60 : memref<128x8xf32, #tpu.memory_space<vmem>>) offsets(%dma_start3A_62 : memref<128xi32, #tpu.memory_space<vmem>>) semaphore(%arg12 : memref<!tpu.dma_semaphore, #tpu.memory_space<semaphore_mem>>)
    %dma_start3A_66 = arith.constant 1024 : i32
    %dma_start3A_67 = arith.constant 0 : i32
    %dma_start3A_68 = tpu.memref_slice %arg11[%dma_start3A_66, %dma_start3A_67] : memref<1664x8xf32, #tpu.memory_space<vmem>> -> memref<128x8xf32, #tpu.memory_space<vmem>>
    %dma_start3A_69 = arith.constant 1024 : i32
    %dma_start3A_70 = tpu.memref_slice %arg10[%dma_start3A_69] : memref<1664xi32, #tpu.memory_space<vmem>> -> memref<128xi32, #tpu.memory_space<vmem>>
    %dma_start3A_71 = arith.constant 0 : i32
    %dma_start3A_72 = arith.constant 0 : i32
    %dma_start3A_73 = tpu.memref_slice %arg3[%dma_start3A_71, %dma_start3A_72] : memref<100000x8xf32, #tpu.memory_space<hbm>> -> memref<100000x8xf32, #tpu.memory_space<hbm>>
    tpu.enqueue_indirect_dma source(%dma_start3A_73 : memref<100000x8xf32, #tpu.memory_space<hbm>>) target(%dma_start3A_68 : memref<128x8xf32, #tpu.memory_space<vmem>>) offsets(%dma_start3A_70 : memref<128xi32, #tpu.memory_space<vmem>>) semaphore(%arg12 : memref<!tpu.dma_semaphore, #tpu.memory_space<semaphore_mem>>)
    %dma_start3A_74 = arith.constant 1152 : i32
    %dma_start3A_75 = arith.constant 0 : i32
    %dma_start3A_76 = tpu.memref_slice %arg11[%dma_start3A_74, %dma_start3A_75] : memref<1664x8xf32, #tpu.memory_space<vmem>> -> memref<128x8xf32, #tpu.memory_space<vmem>>
    %dma_start3A_77 = arith.constant 1152 : i32
    %dma_start3A_78 = tpu.memref_slice %arg10[%dma_start3A_77] : memref<1664xi32, #tpu.memory_space<vmem>> -> memref<128xi32, #tpu.memory_space<vmem>>
    %dma_start3A_79 = arith.constant 0 : i32
    %dma_start3A_80 = arith.constant 0 : i32
    %dma_start3A_81 = tpu.memref_slice %arg3[%dma_start3A_79, %dma_start3A_80] : memref<100000x8xf32, #tpu.memory_space<hbm>> -> memref<100000x8xf32, #tpu.memory_space<hbm>>
    tpu.enqueue_indirect_dma source(%dma_start3A_81 : memref<100000x8xf32, #tpu.memory_space<hbm>>) target(%dma_start3A_76 : memref<128x8xf32, #tpu.memory_space<vmem>>) offsets(%dma_start3A_78 : memref<128xi32, #tpu.memory_space<vmem>>) semaphore(%arg12 : memref<!tpu.dma_semaphore, #tpu.memory_space<semaphore_mem>>)
    %dma_start3A_82 = arith.constant 1280 : i32
    %dma_start3A_83 = arith.constant 0 : i32
    %dma_start3A_84 = tpu.memref_slice %arg11[%dma_start3A_82, %dma_start3A_83] : memref<1664x8xf32, #tpu.memory_space<vmem>> -> memref<128x8xf32, #tpu.memory_space<vmem>>
    %dma_start3A_85 = arith.constant 1280 : i32
    %dma_start3A_86 = tpu.memref_slice %arg10[%dma_start3A_85] : memref<1664xi32, #tpu.memory_space<vmem>> -> memref<128xi32, #tpu.memory_space<vmem>>
    %dma_start3A_87 = arith.constant 0 : i32
    %dma_start3A_88 = arith.constant 0 : i32
    %dma_start3A_89 = tpu.memref_slice %arg3[%dma_start3A_87, %dma_start3A_88] : memref<100000x8xf32, #tpu.memory_space<hbm>> -> memref<100000x8xf32, #tpu.memory_space<hbm>>
    tpu.enqueue_indirect_dma source(%dma_start3A_89 : memref<100000x8xf32, #tpu.memory_space<hbm>>) target(%dma_start3A_84 : memref<128x8xf32, #tpu.memory_space<vmem>>) offsets(%dma_start3A_86 : memref<128xi32, #tpu.memory_space<vmem>>) semaphore(%arg12 : memref<!tpu.dma_semaphore, #tpu.memory_space<semaphore_mem>>)
    %dma_start3A_90 = arith.constant 1408 : i32
    %dma_start3A_91 = arith.constant 0 : i32
    %dma_start3A_92 = tpu.memref_slice %arg11[%dma_start3A_90, %dma_start3A_91] : memref<1664x8xf32, #tpu.memory_space<vmem>> -> memref<128x8xf32, #tpu.memory_space<vmem>>
    %dma_start3A_93 = arith.constant 1408 : i32
    %dma_start3A_94 = tpu.memref_slice %arg10[%dma_start3A_93] : memref<1664xi32, #tpu.memory_space<vmem>> -> memref<128xi32, #tpu.memory_space<vmem>>
    %dma_start3A_95 = arith.constant 0 : i32
    %dma_start3A_96 = arith.constant 0 : i32
    %dma_start3A_97 = tpu.memref_slice %arg3[%dma_start3A_95, %dma_start3A_96] : memref<100000x8xf32, #tpu.memory_space<hbm>> -> memref<100000x8xf32, #tpu.memory_space<hbm>>
    tpu.enqueue_indirect_dma source(%dma_start3A_97 : memref<100000x8xf32, #tpu.memory_space<hbm>>) target(%dma_start3A_92 : memref<128x8xf32, #tpu.memory_space<vmem>>) offsets(%dma_start3A_94 : memref<128xi32, #tpu.memory_space<vmem>>) semaphore(%arg12 : memref<!tpu.dma_semaphore, #tpu.memory_space<semaphore_mem>>)
    %dma_start3A_98 = arith.constant 1536 : i32
    %dma_start3A_99 = arith.constant 0 : i32
    %dma_start3A_100 = tpu.memref_slice %arg11[%dma_start3A_98, %dma_start3A_99] : memref<1664x8xf32, #tpu.memory_space<vmem>> -> memref<128x8xf32, #tpu.memory_space<vmem>>
    %dma_start3A_101 = arith.constant 1536 : i32
    %dma_start3A_102 = tpu.memref_slice %arg10[%dma_start3A_101] : memref<1664xi32, #tpu.memory_space<vmem>> -> memref<128xi32, #tpu.memory_space<vmem>>
    %dma_start3A_103 = arith.constant 0 : i32
    %dma_start3A_104 = arith.constant 0 : i32
    %dma_start3A_105 = tpu.memref_slice %arg3[%dma_start3A_103, %dma_start3A_104] : memref<100000x8xf32, #tpu.memory_space<hbm>> -> memref<100000x8xf32, #tpu.memory_space<hbm>>
    tpu.enqueue_indirect_dma source(%dma_start3A_105 : memref<100000x8xf32, #tpu.memory_space<hbm>>) target(%dma_start3A_100 : memref<128x8xf32, #tpu.memory_space<vmem>>) offsets(%dma_start3A_102 : memref<128xi32, #tpu.memory_space<vmem>>) semaphore(%arg12 : memref<!tpu.dma_semaphore, #tpu.memory_space<semaphore_mem>>)
    %dma_wait3A = arith.constant 0 : i32
    %dma_wait3A_106 = arith.constant 0 : i32
    %dma_wait3A_107 = tpu.memref_slice %arg11[%dma_wait3A, %dma_wait3A_106] : memref<1664x8xf32, #tpu.memory_space<vmem>> -> memref<128x8xf32, #tpu.memory_space<vmem>>
    %dma_wait3A_108 = arith.constant 0 : i32
    %dma_wait3A_109 = tpu.memref_slice %arg10[%dma_wait3A_108] : memref<1664xi32, #tpu.memory_space<vmem>> -> memref<128xi32, #tpu.memory_space<vmem>>
    %dma_wait3A_110 = arith.constant 0 : i32
    %dma_wait3A_111 = arith.constant 0 : i32
    %dma_wait3A_112 = tpu.memref_slice %arg3[%dma_wait3A_110, %dma_wait3A_111] : memref<100000x8xf32, #tpu.memory_space<hbm>> -> memref<100000x8xf32, #tpu.memory_space<hbm>>
    tpu.wait_indirect_dma semaphore(%arg12 : memref<!tpu.dma_semaphore, #tpu.memory_space<semaphore_mem>>) src(%dma_wait3A_112 : memref<100000x8xf32, #tpu.memory_space<hbm>>) dst(%dma_wait3A_107 : memref<128x8xf32, #tpu.memory_space<vmem>>)
    %dma_wait3A_113 = arith.constant 128 : i32
    %dma_wait3A_114 = arith.constant 0 : i32
    %dma_wait3A_115 = tpu.memref_slice %arg11[%dma_wait3A_113, %dma_wait3A_114] : memref<1664x8xf32, #tpu.memory_space<vmem>> -> memref<128x8xf32, #tpu.memory_space<vmem>>
    %dma_wait3A_116 = arith.constant 128 : i32
    %dma_wait3A_117 = tpu.memref_slice %arg10[%dma_wait3A_116] : memref<1664xi32, #tpu.memory_space<vmem>> -> memref<128xi32, #tpu.memory_space<vmem>>
    %dma_wait3A_118 = arith.constant 0 : i32
    %dma_wait3A_119 = arith.constant 0 : i32
    %dma_wait3A_120 = tpu.memref_slice %arg3[%dma_wait3A_118, %dma_wait3A_119] : memref<100000x8xf32, #tpu.memory_space<hbm>> -> memref<100000x8xf32, #tpu.memory_space<hbm>>
    tpu.wait_indirect_dma semaphore(%arg12 : memref<!tpu.dma_semaphore, #tpu.memory_space<semaphore_mem>>) src(%dma_wait3A_120 : memref<100000x8xf32, #tpu.memory_space<hbm>>) dst(%dma_wait3A_115 : memref<128x8xf32, #tpu.memory_space<vmem>>)
    %dma_wait3A_121 = arith.constant 256 : i32
    %dma_wait3A_122 = arith.constant 0 : i32
    %dma_wait3A_123 = tpu.memref_slice %arg11[%dma_wait3A_121, %dma_wait3A_122] : memref<1664x8xf32, #tpu.memory_space<vmem>> -> memref<128x8xf32, #tpu.memory_space<vmem>>
    %dma_wait3A_124 = arith.constant 256 : i32
    %dma_wait3A_125 = tpu.memref_slice %arg10[%dma_wait3A_124] : memref<1664xi32, #tpu.memory_space<vmem>> -> memref<128xi32, #tpu.memory_space<vmem>>
    %dma_wait3A_126 = arith.constant 0 : i32
    %dma_wait3A_127 = arith.constant 0 : i32
    %dma_wait3A_128 = tpu.memref_slice %arg3[%dma_wait3A_126, %dma_wait3A_127] : memref<100000x8xf32, #tpu.memory_space<hbm>> -> memref<100000x8xf32, #tpu.memory_space<hbm>>
    tpu.wait_indirect_dma semaphore(%arg12 : memref<!tpu.dma_semaphore, #tpu.memory_space<semaphore_mem>>) src(%dma_wait3A_128 : memref<100000x8xf32, #tpu.memory_space<hbm>>) dst(%dma_wait3A_123 : memref<128x8xf32, #tpu.memory_space<vmem>>)
    %dma_wait3A_129 = arith.constant 384 : i32
    %dma_wait3A_130 = arith.constant 0 : i32
    %dma_wait3A_131 = tpu.memref_slice %arg11[%dma_wait3A_129, %dma_wait3A_130] : memref<1664x8xf32, #tpu.memory_space<vmem>> -> memref<128x8xf32, #tpu.memory_space<vmem>>
    %dma_wait3A_132 = arith.constant 384 : i32
    %dma_wait3A_133 = tpu.memref_slice %arg10[%dma_wait3A_132] : memref<1664xi32, #tpu.memory_space<vmem>> -> memref<128xi32, #tpu.memory_space<vmem>>
    %dma_wait3A_134 = arith.constant 0 : i32
    %dma_wait3A_135 = arith.constant 0 : i32
    %dma_wait3A_136 = tpu.memref_slice %arg3[%dma_wait3A_134, %dma_wait3A_135] : memref<100000x8xf32, #tpu.memory_space<hbm>> -> memref<100000x8xf32, #tpu.memory_space<hbm>>
    tpu.wait_indirect_dma semaphore(%arg12 : memref<!tpu.dma_semaphore, #tpu.memory_space<semaphore_mem>>) src(%dma_wait3A_136 : memref<100000x8xf32, #tpu.memory_space<hbm>>) dst(%dma_wait3A_131 : memref<128x8xf32, #tpu.memory_space<vmem>>)
    %dma_wait3A_137 = arith.constant 512 : i32
    %dma_wait3A_138 = arith.constant 0 : i32
    %dma_wait3A_139 = tpu.memref_slice %arg11[%dma_wait3A_137, %dma_wait3A_138] : memref<1664x8xf32, #tpu.memory_space<vmem>> -> memref<128x8xf32, #tpu.memory_space<vmem>>
    %dma_wait3A_140 = arith.constant 512 : i32
    %dma_wait3A_141 = tpu.memref_slice %arg10[%dma_wait3A_140] : memref<1664xi32, #tpu.memory_space<vmem>> -> memref<128xi32, #tpu.memory_space<vmem>>
    %dma_wait3A_142 = arith.constant 0 : i32
    %dma_wait3A_143 = arith.constant 0 : i32
    %dma_wait3A_144 = tpu.memref_slice %arg3[%dma_wait3A_142, %dma_wait3A_143] : memref<100000x8xf32, #tpu.memory_space<hbm>> -> memref<100000x8xf32, #tpu.memory_space<hbm>>
    tpu.wait_indirect_dma semaphore(%arg12 : memref<!tpu.dma_semaphore, #tpu.memory_space<semaphore_mem>>) src(%dma_wait3A_144 : memref<100000x8xf32, #tpu.memory_space<hbm>>) dst(%dma_wait3A_139 : memref<128x8xf32, #tpu.memory_space<vmem>>)
    %dma_wait3A_145 = arith.constant 640 : i32
    %dma_wait3A_146 = arith.constant 0 : i32
    %dma_wait3A_147 = tpu.memref_slice %arg11[%dma_wait3A_145, %dma_wait3A_146] : memref<1664x8xf32, #tpu.memory_space<vmem>> -> memref<128x8xf32, #tpu.memory_space<vmem>>
    %dma_wait3A_148 = arith.constant 640 : i32
    %dma_wait3A_149 = tpu.memref_slice %arg10[%dma_wait3A_148] : memref<1664xi32, #tpu.memory_space<vmem>> -> memref<128xi32, #tpu.memory_space<vmem>>
    %dma_wait3A_150 = arith.constant 0 : i32
    %dma_wait3A_151 = arith.constant 0 : i32
    %dma_wait3A_152 = tpu.memref_slice %arg3[%dma_wait3A_150, %dma_wait3A_151] : memref<100000x8xf32, #tpu.memory_space<hbm>> -> memref<100000x8xf32, #tpu.memory_space<hbm>>
    tpu.wait_indirect_dma semaphore(%arg12 : memref<!tpu.dma_semaphore, #tpu.memory_space<semaphore_mem>>) src(%dma_wait3A_152 : memref<100000x8xf32, #tpu.memory_space<hbm>>) dst(%dma_wait3A_147 : memref<128x8xf32, #tpu.memory_space<vmem>>)
    %dma_wait3A_153 = arith.constant 768 : i32
    %dma_wait3A_154 = arith.constant 0 : i32
    %dma_wait3A_155 = tpu.memref_slice %arg11[%dma_wait3A_153, %dma_wait3A_154] : memref<1664x8xf32, #tpu.memory_space<vmem>> -> memref<128x8xf32, #tpu.memory_space<vmem>>
    %dma_wait3A_156 = arith.constant 768 : i32
    %dma_wait3A_157 = tpu.memref_slice %arg10[%dma_wait3A_156] : memref<1664xi32, #tpu.memory_space<vmem>> -> memref<128xi32, #tpu.memory_space<vmem>>
    %dma_wait3A_158 = arith.constant 0 : i32
    %dma_wait3A_159 = arith.constant 0 : i32
    %dma_wait3A_160 = tpu.memref_slice %arg3[%dma_wait3A_158, %dma_wait3A_159] : memref<100000x8xf32, #tpu.memory_space<hbm>> -> memref<100000x8xf32, #tpu.memory_space<hbm>>
    tpu.wait_indirect_dma semaphore(%arg12 : memref<!tpu.dma_semaphore, #tpu.memory_space<semaphore_mem>>) src(%dma_wait3A_160 : memref<100000x8xf32, #tpu.memory_space<hbm>>) dst(%dma_wait3A_155 : memref<128x8xf32, #tpu.memory_space<vmem>>)
    %dma_wait3A_161 = arith.constant 896 : i32
    %dma_wait3A_162 = arith.constant 0 : i32
    %dma_wait3A_163 = tpu.memref_slice %arg11[%dma_wait3A_161, %dma_wait3A_162] : memref<1664x8xf32, #tpu.memory_space<vmem>> -> memref<128x8xf32, #tpu.memory_space<vmem>>
    %dma_wait3A_164 = arith.constant 896 : i32
    %dma_wait3A_165 = tpu.memref_slice %arg10[%dma_wait3A_164] : memref<1664xi32, #tpu.memory_space<vmem>> -> memref<128xi32, #tpu.memory_space<vmem>>
    %dma_wait3A_166 = arith.constant 0 : i32
    %dma_wait3A_167 = arith.constant 0 : i32
    %dma_wait3A_168 = tpu.memref_slice %arg3[%dma_wait3A_166, %dma_wait3A_167] : memref<100000x8xf32, #tpu.memory_space<hbm>> -> memref<100000x8xf32, #tpu.memory_space<hbm>>
    tpu.wait_indirect_dma semaphore(%arg12 : memref<!tpu.dma_semaphore, #tpu.memory_space<semaphore_mem>>) src(%dma_wait3A_168 : memref<100000x8xf32, #tpu.memory_space<hbm>>) dst(%dma_wait3A_163 : memref<128x8xf32, #tpu.memory_space<vmem>>)
    %dma_wait3A_169 = arith.constant 1024 : i32
    %dma_wait3A_170 = arith.constant 0 : i32
    %dma_wait3A_171 = tpu.memref_slice %arg11[%dma_wait3A_169, %dma_wait3A_170] : memref<1664x8xf32, #tpu.memory_space<vmem>> -> memref<128x8xf32, #tpu.memory_space<vmem>>
    %dma_wait3A_172 = arith.constant 1024 : i32
    %dma_wait3A_173 = tpu.memref_slice %arg10[%dma_wait3A_172] : memref<1664xi32, #tpu.memory_space<vmem>> -> memref<128xi32, #tpu.memory_space<vmem>>
    %dma_wait3A_174 = arith.constant 0 : i32
    %dma_wait3A_175 = arith.constant 0 : i32
    %dma_wait3A_176 = tpu.memref_slice %arg3[%dma_wait3A_174, %dma_wait3A_175] : memref<100000x8xf32, #tpu.memory_space<hbm>> -> memref<100000x8xf32, #tpu.memory_space<hbm>>
    tpu.wait_indirect_dma semaphore(%arg12 : memref<!tpu.dma_semaphore, #tpu.memory_space<semaphore_mem>>) src(%dma_wait3A_176 : memref<100000x8xf32, #tpu.memory_space<hbm>>) dst(%dma_wait3A_171 : memref<128x8xf32, #tpu.memory_space<vmem>>)
    %dma_wait3A_177 = arith.constant 1152 : i32
    %dma_wait3A_178 = arith.constant 0 : i32
    %dma_wait3A_179 = tpu.memref_slice %arg11[%dma_wait3A_177, %dma_wait3A_178] : memref<1664x8xf32, #tpu.memory_space<vmem>> -> memref<128x8xf32, #tpu.memory_space<vmem>>
    %dma_wait3A_180 = arith.constant 1152 : i32
    %dma_wait3A_181 = tpu.memref_slice %arg10[%dma_wait3A_180] : memref<1664xi32, #tpu.memory_space<vmem>> -> memref<128xi32, #tpu.memory_space<vmem>>
    %dma_wait3A_182 = arith.constant 0 : i32
    %dma_wait3A_183 = arith.constant 0 : i32
    %dma_wait3A_184 = tpu.memref_slice %arg3[%dma_wait3A_182, %dma_wait3A_183] : memref<100000x8xf32, #tpu.memory_space<hbm>> -> memref<100000x8xf32, #tpu.memory_space<hbm>>
    tpu.wait_indirect_dma semaphore(%arg12 : memref<!tpu.dma_semaphore, #tpu.memory_space<semaphore_mem>>) src(%dma_wait3A_184 : memref<100000x8xf32, #tpu.memory_space<hbm>>) dst(%dma_wait3A_179 : memref<128x8xf32, #tpu.memory_space<vmem>>)
    %dma_wait3A_185 = arith.constant 1280 : i32
    %dma_wait3A_186 = arith.constant 0 : i32
    %dma_wait3A_187 = tpu.memref_slice %arg11[%dma_wait3A_185, %dma_wait3A_186] : memref<1664x8xf32, #tpu.memory_space<vmem>> -> memref<128x8xf32, #tpu.memory_space<vmem>>
    %dma_wait3A_188 = arith.constant 1280 : i32
    %dma_wait3A_189 = tpu.memref_slice %arg10[%dma_wait3A_188] : memref<1664xi32, #tpu.memory_space<vmem>> -> memref<128xi32, #tpu.memory_space<vmem>>
    %dma_wait3A_190 = arith.constant 0 : i32
    %dma_wait3A_191 = arith.constant 0 : i32
    %dma_wait3A_192 = tpu.memref_slice %arg3[%dma_wait3A_190, %dma_wait3A_191] : memref<100000x8xf32, #tpu.memory_space<hbm>> -> memref<100000x8xf32, #tpu.memory_space<hbm>>
    tpu.wait_indirect_dma semaphore(%arg12 : memref<!tpu.dma_semaphore, #tpu.memory_space<semaphore_mem>>) src(%dma_wait3A_192 : memref<100000x8xf32, #tpu.memory_space<hbm>>) dst(%dma_wait3A_187 : memref<128x8xf32, #tpu.memory_space<vmem>>)
    %dma_wait3A_193 = arith.constant 1408 : i32
    %dma_wait3A_194 = arith.constant 0 : i32
    %dma_wait3A_195 = tpu.memref_slice %arg11[%dma_wait3A_193, %dma_wait3A_194] : memref<1664x8xf32, #tpu.memory_space<vmem>> -> memref<128x8xf32, #tpu.memory_space<vmem>>
    %dma_wait3A_196 = arith.constant 1408 : i32
    %dma_wait3A_197 = tpu.memref_slice %arg10[%dma_wait3A_196] : memref<1664xi32, #tpu.memory_space<vmem>> -> memref<128xi32, #tpu.memory_space<vmem>>
    %dma_wait3A_198 = arith.constant 0 : i32
    %dma_wait3A_199 = arith.constant 0 : i32
    %dma_wait3A_200 = tpu.memref_slice %arg3[%dma_wait3A_198, %dma_wait3A_199] : memref<100000x8xf32, #tpu.memory_space<hbm>> -> memref<100000x8xf32, #tpu.memory_space<hbm>>
    tpu.wait_indirect_dma semaphore(%arg12 : memref<!tpu.dma_semaphore, #tpu.memory_space<semaphore_mem>>) src(%dma_wait3A_200 : memref<100000x8xf32, #tpu.memory_space<hbm>>) dst(%dma_wait3A_195 : memref<128x8xf32, #tpu.memory_space<vmem>>)
    %dma_wait3A_201 = arith.constant 1536 : i32
    %dma_wait3A_202 = arith.constant 0 : i32
    %dma_wait3A_203 = tpu.memref_slice %arg11[%dma_wait3A_201, %dma_wait3A_202] : memref<1664x8xf32, #tpu.memory_space<vmem>> -> memref<128x8xf32, #tpu.memory_space<vmem>>
    %dma_wait3A_204 = arith.constant 1536 : i32
    %dma_wait3A_205 = tpu.memref_slice %arg10[%dma_wait3A_204] : memref<1664xi32, #tpu.memory_space<vmem>> -> memref<128xi32, #tpu.memory_space<vmem>>
    %dma_wait3A_206 = arith.constant 0 : i32
    %dma_wait3A_207 = arith.constant 0 : i32
    %dma_wait3A_208 = tpu.memref_slice %arg3[%dma_wait3A_206, %dma_wait3A_207] : memref<100000x8xf32, #tpu.memory_space<hbm>> -> memref<100000x8xf32, #tpu.memory_space<hbm>>
    tpu.wait_indirect_dma semaphore(%arg12 : memref<!tpu.dma_semaphore, #tpu.memory_space<semaphore_mem>>) src(%dma_wait3A_208 : memref<100000x8xf32, #tpu.memory_space<hbm>>) dst(%dma_wait3A_203 : memref<128x8xf32, #tpu.memory_space<vmem>>)
    "tpu.region"() ({
      %run_scoped3A = tpu.sem_alloc : memref<!tpu.dma_semaphore, #tpu.memory_space<semaphore_mem>>
      %dma_start3A_215 = arith.constant 0 : i32
      %dma_start3A_216 = tpu.memref_slice %arg7[%multiple_of3A, %dma_start3A_215] : memref<53248x8xf32, #tpu.memory_space<hbm>> -> memref<1664x8xf32, #tpu.memory_space<hbm>>
      %dma_start3A_217 = arith.constant 0 : i32
      %dma_start3A_218 = tpu.memref_slice %arg7[%multiple_of3A, %dma_start3A_217] : memref<53248x8xf32, #tpu.memory_space<hbm>> -> memref<1664x8xf32, #tpu.memory_space<hbm>>
      tpu.enqueue_dma source(%arg11 : memref<1664x8xf32, #tpu.memory_space<vmem>>) target(%dma_start3A_218 : memref<1664x8xf32, #tpu.memory_space<hbm>>) target_semaphore(%run_scoped3A : memref<!tpu.dma_semaphore, #tpu.memory_space<semaphore_mem>>)
      %dma_wait3A_219 = arith.constant 0 : i32
      %dma_wait3A_220 = tpu.memref_slice %arg7[%multiple_of3A, %dma_wait3A_219] : memref<53248x8xf32, #tpu.memory_space<hbm>> -> memref<1664x8xf32, #tpu.memory_space<hbm>>
      %dma_wait3A_221 = arith.constant 0 : i32
      %dma_wait3A_222 = tpu.memref_slice %arg7[%multiple_of3A, %dma_wait3A_221] : memref<53248x8xf32, #tpu.memory_space<hbm>> -> memref<1664x8xf32, #tpu.memory_space<hbm>>
      tpu.wait_dma2 semaphore(%run_scoped3A : memref<!tpu.dma_semaphore, #tpu.memory_space<semaphore_mem>>) src(%arg11 : memref<1664x8xf32, #tpu.memory_space<vmem>>) dst(%dma_wait3A_222 : memref<1664x8xf32, #tpu.memory_space<hbm>>)
      tpu.yield
    }) : () -> ()
    %scan3A = arith.constant 0 : i32
    %scan3A_209 = arith.constant 0 : i32
    %scan3A_210 = arith.constant 26 : i32
    %scan3A_211 = arith.addi %scan3A_209, %scan3A_210 : i32
    %scan3A_212 = arith.constant 1 : i32
    %scan3A_213 = scf.for %scan3A_215 = %scan3A_209 to %scan3A_211 step %scan3A_212 iter_args(%scan3A_216 = %scan3A) -> (i32)  : i32 {
      %mul3A_217 = arith.constant 26624 : i32
      %mul3A_218 = arith.muli %add3A, %mul3A_217 : i32
      %mul3A_219 = arith.constant 1024 : i32
      %mul3A_220 = arith.muli %scan3A_215, %mul3A_219 : i32
      %add3A_221 = arith.addi %mul3A_218, %mul3A_220 : i32
      %multiple_of3A_222 = tpu.assume_multiple %add3A_221, 128 : i32
      "tpu.region"() ({
        %run_scoped3A = tpu.sem_alloc : memref<!tpu.dma_semaphore, #tpu.memory_space<semaphore_mem>>
        %dma_start3A_352 = tpu.memref_slice %arg4[%multiple_of3A_222] : memref<851968xi32, #tpu.memory_space<hbm>> -> memref<1024xi32, #tpu.memory_space<hbm>>
        %dma_start3A_353 = tpu.memref_slice %arg4[%multiple_of3A_222] : memref<851968xi32, #tpu.memory_space<hbm>> -> memref<1024xi32, #tpu.memory_space<hbm>>
        tpu.enqueue_dma source(%dma_start3A_353 : memref<1024xi32, #tpu.memory_space<hbm>>) target(%arg8 : memref<1024xi32, #tpu.memory_space<vmem>>) target_semaphore(%run_scoped3A : memref<!tpu.dma_semaphore, #tpu.memory_space<semaphore_mem>>)
        %dma_wait3A_354 = tpu.memref_slice %arg4[%multiple_of3A_222] : memref<851968xi32, #tpu.memory_space<hbm>> -> memref<1024xi32, #tpu.memory_space<hbm>>
        %dma_wait3A_355 = tpu.memref_slice %arg4[%multiple_of3A_222] : memref<851968xi32, #tpu.memory_space<hbm>> -> memref<1024xi32, #tpu.memory_space<hbm>>
        tpu.wait_dma2 semaphore(%run_scoped3A : memref<!tpu.dma_semaphore, #tpu.memory_space<semaphore_mem>>) src(%dma_wait3A_355 : memref<1024xi32, #tpu.memory_space<hbm>>) dst(%arg8 : memref<1024xi32, #tpu.memory_space<vmem>>)
        tpu.yield
      }) : () -> ()
      %dma_start3A_223 = arith.constant 0 : i32
      %dma_start3A_224 = arith.constant 0 : i32
      %dma_start3A_225 = tpu.memref_slice %arg9[%dma_start3A_223, %dma_start3A_224] : memref<1024x64xbf16, #tpu.memory_space<vmem>> -> memref<128x64xbf16, #tpu.memory_space<vmem>>
      %dma_start3A_226 = arith.constant 0 : i32
      %dma_start3A_227 = tpu.memref_slice %arg8[%dma_start3A_226] : memref<1024xi32, #tpu.memory_space<vmem>> -> memref<128xi32, #tpu.memory_space<vmem>>
      %dma_start3A_228 = arith.constant 0 : i32
      %dma_start3A_229 = arith.constant 0 : i32
      %dma_start3A_230 = tpu.memref_slice %arg2[%dma_start3A_228, %dma_start3A_229] : memref<100000x64xbf16, #tpu.memory_space<hbm>> -> memref<100000x64xbf16, #tpu.memory_space<hbm>>
      tpu.enqueue_indirect_dma source(%dma_start3A_230 : memref<100000x64xbf16, #tpu.memory_space<hbm>>) target(%dma_start3A_225 : memref<128x64xbf16, #tpu.memory_space<vmem>>) offsets(%dma_start3A_227 : memref<128xi32, #tpu.memory_space<vmem>>) semaphore(%arg12 : memref<!tpu.dma_semaphore, #tpu.memory_space<semaphore_mem>>)
      %dma_start3A_231 = arith.constant 128 : i32
      %dma_start3A_232 = arith.constant 0 : i32
      %dma_start3A_233 = tpu.memref_slice %arg9[%dma_start3A_231, %dma_start3A_232] : memref<1024x64xbf16, #tpu.memory_space<vmem>> -> memref<128x64xbf16, #tpu.memory_space<vmem>>
      %dma_start3A_234 = arith.constant 128 : i32
      %dma_start3A_235 = tpu.memref_slice %arg8[%dma_start3A_234] : memref<1024xi32, #tpu.memory_space<vmem>> -> memref<128xi32, #tpu.memory_space<vmem>>
      %dma_start3A_236 = arith.constant 0 : i32
      %dma_start3A_237 = arith.constant 0 : i32
      %dma_start3A_238 = tpu.memref_slice %arg2[%dma_start3A_236, %dma_start3A_237] : memref<100000x64xbf16, #tpu.memory_space<hbm>> -> memref<100000x64xbf16, #tpu.memory_space<hbm>>
      tpu.enqueue_indirect_dma source(%dma_start3A_238 : memref<100000x64xbf16, #tpu.memory_space<hbm>>) target(%dma_start3A_233 : memref<128x64xbf16, #tpu.memory_space<vmem>>) offsets(%dma_start3A_235 : memref<128xi32, #tpu.memory_space<vmem>>) semaphore(%arg12 : memref<!tpu.dma_semaphore, #tpu.memory_space<semaphore_mem>>)
      %dma_start3A_239 = arith.constant 256 : i32
      %dma_start3A_240 = arith.constant 0 : i32
      %dma_start3A_241 = tpu.memref_slice %arg9[%dma_start3A_239, %dma_start3A_240] : memref<1024x64xbf16, #tpu.memory_space<vmem>> -> memref<128x64xbf16, #tpu.memory_space<vmem>>
      %dma_start3A_242 = arith.constant 256 : i32
      %dma_start3A_243 = tpu.memref_slice %arg8[%dma_start3A_242] : memref<1024xi32, #tpu.memory_space<vmem>> -> memref<128xi32, #tpu.memory_space<vmem>>
      %dma_start3A_244 = arith.constant 0 : i32
      %dma_start3A_245 = arith.constant 0 : i32
      %dma_start3A_246 = tpu.memref_slice %arg2[%dma_start3A_244, %dma_start3A_245] : memref<100000x64xbf16, #tpu.memory_space<hbm>> -> memref<100000x64xbf16, #tpu.memory_space<hbm>>
      tpu.enqueue_indirect_dma source(%dma_start3A_246 : memref<100000x64xbf16, #tpu.memory_space<hbm>>) target(%dma_start3A_241 : memref<128x64xbf16, #tpu.memory_space<vmem>>) offsets(%dma_start3A_243 : memref<128xi32, #tpu.memory_space<vmem>>) semaphore(%arg12 : memref<!tpu.dma_semaphore, #tpu.memory_space<semaphore_mem>>)
      %dma_start3A_247 = arith.constant 384 : i32
      %dma_start3A_248 = arith.constant 0 : i32
      %dma_start3A_249 = tpu.memref_slice %arg9[%dma_start3A_247, %dma_start3A_248] : memref<1024x64xbf16, #tpu.memory_space<vmem>> -> memref<128x64xbf16, #tpu.memory_space<vmem>>
      %dma_start3A_250 = arith.constant 384 : i32
      %dma_start3A_251 = tpu.memref_slice %arg8[%dma_start3A_250] : memref<1024xi32, #tpu.memory_space<vmem>> -> memref<128xi32, #tpu.memory_space<vmem>>
      %dma_start3A_252 = arith.constant 0 : i32
      %dma_start3A_253 = arith.constant 0 : i32
      %dma_start3A_254 = tpu.memref_slice %arg2[%dma_start3A_252, %dma_start3A_253] : memref<100000x64xbf16, #tpu.memory_space<hbm>> -> memref<100000x64xbf16, #tpu.memory_space<hbm>>
      tpu.enqueue_indirect_dma source(%dma_start3A_254 : memref<100000x64xbf16, #tpu.memory_space<hbm>>) target(%dma_start3A_249 : memref<128x64xbf16, #tpu.memory_space<vmem>>) offsets(%dma_start3A_251 : memref<128xi32, #tpu.memory_space<vmem>>) semaphore(%arg12 : memref<!tpu.dma_semaphore, #tpu.memory_space<semaphore_mem>>)
      %dma_start3A_255 = arith.constant 512 : i32
      %dma_start3A_256 = arith.constant 0 : i32
      %dma_start3A_257 = tpu.memref_slice %arg9[%dma_start3A_255, %dma_start3A_256] : memref<1024x64xbf16, #tpu.memory_space<vmem>> -> memref<128x64xbf16, #tpu.memory_space<vmem>>
      %dma_start3A_258 = arith.constant 512 : i32
      %dma_start3A_259 = tpu.memref_slice %arg8[%dma_start3A_258] : memref<1024xi32, #tpu.memory_space<vmem>> -> memref<128xi32, #tpu.memory_space<vmem>>
      %dma_start3A_260 = arith.constant 0 : i32
      %dma_start3A_261 = arith.constant 0 : i32
      %dma_start3A_262 = tpu.memref_slice %arg2[%dma_start3A_260, %dma_start3A_261] : memref<100000x64xbf16, #tpu.memory_space<hbm>> -> memref<100000x64xbf16, #tpu.memory_space<hbm>>
      tpu.enqueue_indirect_dma source(%dma_start3A_262 : memref<100000x64xbf16, #tpu.memory_space<hbm>>) target(%dma_start3A_257 : memref<128x64xbf16, #tpu.memory_space<vmem>>) offsets(%dma_start3A_259 : memref<128xi32, #tpu.memory_space<vmem>>) semaphore(%arg12 : memref<!tpu.dma_semaphore, #tpu.memory_space<semaphore_mem>>)
      %dma_start3A_263 = arith.constant 640 : i32
      %dma_start3A_264 = arith.constant 0 : i32
      %dma_start3A_265 = tpu.memref_slice %arg9[%dma_start3A_263, %dma_start3A_264] : memref<1024x64xbf16, #tpu.memory_space<vmem>> -> memref<128x64xbf16, #tpu.memory_space<vmem>>
      %dma_start3A_266 = arith.constant 640 : i32
      %dma_start3A_267 = tpu.memref_slice %arg8[%dma_start3A_266] : memref<1024xi32, #tpu.memory_space<vmem>> -> memref<128xi32, #tpu.memory_space<vmem>>
      %dma_start3A_268 = arith.constant 0 : i32
      %dma_start3A_269 = arith.constant 0 : i32
      %dma_start3A_270 = tpu.memref_slice %arg2[%dma_start3A_268, %dma_start3A_269] : memref<100000x64xbf16, #tpu.memory_space<hbm>> -> memref<100000x64xbf16, #tpu.memory_space<hbm>>
      tpu.enqueue_indirect_dma source(%dma_start3A_270 : memref<100000x64xbf16, #tpu.memory_space<hbm>>) target(%dma_start3A_265 : memref<128x64xbf16, #tpu.memory_space<vmem>>) offsets(%dma_start3A_267 : memref<128xi32, #tpu.memory_space<vmem>>) semaphore(%arg12 : memref<!tpu.dma_semaphore, #tpu.memory_space<semaphore_mem>>)
      %dma_start3A_271 = arith.constant 768 : i32
      %dma_start3A_272 = arith.constant 0 : i32
      %dma_start3A_273 = tpu.memref_slice %arg9[%dma_start3A_271, %dma_start3A_272] : memref<1024x64xbf16, #tpu.memory_space<vmem>> -> memref<128x64xbf16, #tpu.memory_space<vmem>>
      %dma_start3A_274 = arith.constant 768 : i32
      %dma_start3A_275 = tpu.memref_slice %arg8[%dma_start3A_274] : memref<1024xi32, #tpu.memory_space<vmem>> -> memref<128xi32, #tpu.memory_space<vmem>>
      %dma_start3A_276 = arith.constant 0 : i32
      %dma_start3A_277 = arith.constant 0 : i32
      %dma_start3A_278 = tpu.memref_slice %arg2[%dma_start3A_276, %dma_start3A_277] : memref<100000x64xbf16, #tpu.memory_space<hbm>> -> memref<100000x64xbf16, #tpu.memory_space<hbm>>
      tpu.enqueue_indirect_dma source(%dma_start3A_278 : memref<100000x64xbf16, #tpu.memory_space<hbm>>) target(%dma_start3A_273 : memref<128x64xbf16, #tpu.memory_space<vmem>>) offsets(%dma_start3A_275 : memref<128xi32, #tpu.memory_space<vmem>>) semaphore(%arg12 : memref<!tpu.dma_semaphore, #tpu.memory_space<semaphore_mem>>)
      %dma_start3A_279 = arith.constant 896 : i32
      %dma_start3A_280 = arith.constant 0 : i32
      %dma_start3A_281 = tpu.memref_slice %arg9[%dma_start3A_279, %dma_start3A_280] : memref<1024x64xbf16, #tpu.memory_space<vmem>> -> memref<128x64xbf16, #tpu.memory_space<vmem>>
      %dma_start3A_282 = arith.constant 896 : i32
      %dma_start3A_283 = tpu.memref_slice %arg8[%dma_start3A_282] : memref<1024xi32, #tpu.memory_space<vmem>> -> memref<128xi32, #tpu.memory_space<vmem>>
      %dma_start3A_284 = arith.constant 0 : i32
      %dma_start3A_285 = arith.constant 0 : i32
      %dma_start3A_286 = tpu.memref_slice %arg2[%dma_start3A_284, %dma_start3A_285] : memref<100000x64xbf16, #tpu.memory_space<hbm>> -> memref<100000x64xbf16, #tpu.memory_space<hbm>>
      tpu.enqueue_indirect_dma source(%dma_start3A_286 : memref<100000x64xbf16, #tpu.memory_space<hbm>>) target(%dma_start3A_281 : memref<128x64xbf16, #tpu.memory_space<vmem>>) offsets(%dma_start3A_283 : memref<128xi32, #tpu.memory_space<vmem>>) semaphore(%arg12 : memref<!tpu.dma_semaphore, #tpu.memory_space<semaphore_mem>>)
      %dma_wait3A_287 = arith.constant 0 : i32
      %dma_wait3A_288 = arith.constant 0 : i32
      %dma_wait3A_289 = tpu.memref_slice %arg9[%dma_wait3A_287, %dma_wait3A_288] : memref<1024x64xbf16, #tpu.memory_space<vmem>> -> memref<128x64xbf16, #tpu.memory_space<vmem>>
      %dma_wait3A_290 = arith.constant 0 : i32
      %dma_wait3A_291 = tpu.memref_slice %arg8[%dma_wait3A_290] : memref<1024xi32, #tpu.memory_space<vmem>> -> memref<128xi32, #tpu.memory_space<vmem>>
      %dma_wait3A_292 = arith.constant 0 : i32
      %dma_wait3A_293 = arith.constant 0 : i32
      %dma_wait3A_294 = tpu.memref_slice %arg2[%dma_wait3A_292, %dma_wait3A_293] : memref<100000x64xbf16, #tpu.memory_space<hbm>> -> memref<100000x64xbf16, #tpu.memory_space<hbm>>
      tpu.wait_indirect_dma semaphore(%arg12 : memref<!tpu.dma_semaphore, #tpu.memory_space<semaphore_mem>>) src(%dma_wait3A_294 : memref<100000x64xbf16, #tpu.memory_space<hbm>>) dst(%dma_wait3A_289 : memref<128x64xbf16, #tpu.memory_space<vmem>>)
      %dma_wait3A_295 = arith.constant 128 : i32
      %dma_wait3A_296 = arith.constant 0 : i32
      %dma_wait3A_297 = tpu.memref_slice %arg9[%dma_wait3A_295, %dma_wait3A_296] : memref<1024x64xbf16, #tpu.memory_space<vmem>> -> memref<128x64xbf16, #tpu.memory_space<vmem>>
      %dma_wait3A_298 = arith.constant 128 : i32
      %dma_wait3A_299 = tpu.memref_slice %arg8[%dma_wait3A_298] : memref<1024xi32, #tpu.memory_space<vmem>> -> memref<128xi32, #tpu.memory_space<vmem>>
      %dma_wait3A_300 = arith.constant 0 : i32
      %dma_wait3A_301 = arith.constant 0 : i32
      %dma_wait3A_302 = tpu.memref_slice %arg2[%dma_wait3A_300, %dma_wait3A_301] : memref<100000x64xbf16, #tpu.memory_space<hbm>> -> memref<100000x64xbf16, #tpu.memory_space<hbm>>
      tpu.wait_indirect_dma semaphore(%arg12 : memref<!tpu.dma_semaphore, #tpu.memory_space<semaphore_mem>>) src(%dma_wait3A_302 : memref<100000x64xbf16, #tpu.memory_space<hbm>>) dst(%dma_wait3A_297 : memref<128x64xbf16, #tpu.memory_space<vmem>>)
      %dma_wait3A_303 = arith.constant 256 : i32
      %dma_wait3A_304 = arith.constant 0 : i32
      %dma_wait3A_305 = tpu.memref_slice %arg9[%dma_wait3A_303, %dma_wait3A_304] : memref<1024x64xbf16, #tpu.memory_space<vmem>> -> memref<128x64xbf16, #tpu.memory_space<vmem>>
      %dma_wait3A_306 = arith.constant 256 : i32
      %dma_wait3A_307 = tpu.memref_slice %arg8[%dma_wait3A_306] : memref<1024xi32, #tpu.memory_space<vmem>> -> memref<128xi32, #tpu.memory_space<vmem>>
      %dma_wait3A_308 = arith.constant 0 : i32
      %dma_wait3A_309 = arith.constant 0 : i32
      %dma_wait3A_310 = tpu.memref_slice %arg2[%dma_wait3A_308, %dma_wait3A_309] : memref<100000x64xbf16, #tpu.memory_space<hbm>> -> memref<100000x64xbf16, #tpu.memory_space<hbm>>
      tpu.wait_indirect_dma semaphore(%arg12 : memref<!tpu.dma_semaphore, #tpu.memory_space<semaphore_mem>>) src(%dma_wait3A_310 : memref<100000x64xbf16, #tpu.memory_space<hbm>>) dst(%dma_wait3A_305 : memref<128x64xbf16, #tpu.memory_space<vmem>>)
      %dma_wait3A_311 = arith.constant 384 : i32
      %dma_wait3A_312 = arith.constant 0 : i32
      %dma_wait3A_313 = tpu.memref_slice %arg9[%dma_wait3A_311, %dma_wait3A_312] : memref<1024x64xbf16, #tpu.memory_space<vmem>> -> memref<128x64xbf16, #tpu.memory_space<vmem>>
      %dma_wait3A_314 = arith.constant 384 : i32
      %dma_wait3A_315 = tpu.memref_slice %arg8[%dma_wait3A_314] : memref<1024xi32, #tpu.memory_space<vmem>> -> memref<128xi32, #tpu.memory_space<vmem>>
      %dma_wait3A_316 = arith.constant 0 : i32
      %dma_wait3A_317 = arith.constant 0 : i32
      %dma_wait3A_318 = tpu.memref_slice %arg2[%dma_wait3A_316, %dma_wait3A_317] : memref<100000x64xbf16, #tpu.memory_space<hbm>> -> memref<100000x64xbf16, #tpu.memory_space<hbm>>
      tpu.wait_indirect_dma semaphore(%arg12 : memref<!tpu.dma_semaphore, #tpu.memory_space<semaphore_mem>>) src(%dma_wait3A_318 : memref<100000x64xbf16, #tpu.memory_space<hbm>>) dst(%dma_wait3A_313 : memref<128x64xbf16, #tpu.memory_space<vmem>>)
      %dma_wait3A_319 = arith.constant 512 : i32
      %dma_wait3A_320 = arith.constant 0 : i32
      %dma_wait3A_321 = tpu.memref_slice %arg9[%dma_wait3A_319, %dma_wait3A_320] : memref<1024x64xbf16, #tpu.memory_space<vmem>> -> memref<128x64xbf16, #tpu.memory_space<vmem>>
      %dma_wait3A_322 = arith.constant 512 : i32
      %dma_wait3A_323 = tpu.memref_slice %arg8[%dma_wait3A_322] : memref<1024xi32, #tpu.memory_space<vmem>> -> memref<128xi32, #tpu.memory_space<vmem>>
      %dma_wait3A_324 = arith.constant 0 : i32
      %dma_wait3A_325 = arith.constant 0 : i32
      %dma_wait3A_326 = tpu.memref_slice %arg2[%dma_wait3A_324, %dma_wait3A_325] : memref<100000x64xbf16, #tpu.memory_space<hbm>> -> memref<100000x64xbf16, #tpu.memory_space<hbm>>
      tpu.wait_indirect_dma semaphore(%arg12 : memref<!tpu.dma_semaphore, #tpu.memory_space<semaphore_mem>>) src(%dma_wait3A_326 : memref<100000x64xbf16, #tpu.memory_space<hbm>>) dst(%dma_wait3A_321 : memref<128x64xbf16, #tpu.memory_space<vmem>>)
      %dma_wait3A_327 = arith.constant 640 : i32
      %dma_wait3A_328 = arith.constant 0 : i32
      %dma_wait3A_329 = tpu.memref_slice %arg9[%dma_wait3A_327, %dma_wait3A_328] : memref<1024x64xbf16, #tpu.memory_space<vmem>> -> memref<128x64xbf16, #tpu.memory_space<vmem>>
      %dma_wait3A_330 = arith.constant 640 : i32
      %dma_wait3A_331 = tpu.memref_slice %arg8[%dma_wait3A_330] : memref<1024xi32, #tpu.memory_space<vmem>> -> memref<128xi32, #tpu.memory_space<vmem>>
      %dma_wait3A_332 = arith.constant 0 : i32
      %dma_wait3A_333 = arith.constant 0 : i32
      %dma_wait3A_334 = tpu.memref_slice %arg2[%dma_wait3A_332, %dma_wait3A_333] : memref<100000x64xbf16, #tpu.memory_space<hbm>> -> memref<100000x64xbf16, #tpu.memory_space<hbm>>
      tpu.wait_indirect_dma semaphore(%arg12 : memref<!tpu.dma_semaphore, #tpu.memory_space<semaphore_mem>>) src(%dma_wait3A_334 : memref<100000x64xbf16, #tpu.memory_space<hbm>>) dst(%dma_wait3A_329 : memref<128x64xbf16, #tpu.memory_space<vmem>>)
      %dma_wait3A_335 = arith.constant 768 : i32
      %dma_wait3A_336 = arith.constant 0 : i32
      %dma_wait3A_337 = tpu.memref_slice %arg9[%dma_wait3A_335, %dma_wait3A_336] : memref<1024x64xbf16, #tpu.memory_space<vmem>> -> memref<128x64xbf16, #tpu.memory_space<vmem>>
      %dma_wait3A_338 = arith.constant 768 : i32
      %dma_wait3A_339 = tpu.memref_slice %arg8[%dma_wait3A_338] : memref<1024xi32, #tpu.memory_space<vmem>> -> memref<128xi32, #tpu.memory_space<vmem>>
      %dma_wait3A_340 = arith.constant 0 : i32
      %dma_wait3A_341 = arith.constant 0 : i32
      %dma_wait3A_342 = tpu.memref_slice %arg2[%dma_wait3A_340, %dma_wait3A_341] : memref<100000x64xbf16, #tpu.memory_space<hbm>> -> memref<100000x64xbf16, #tpu.memory_space<hbm>>
      tpu.wait_indirect_dma semaphore(%arg12 : memref<!tpu.dma_semaphore, #tpu.memory_space<semaphore_mem>>) src(%dma_wait3A_342 : memref<100000x64xbf16, #tpu.memory_space<hbm>>) dst(%dma_wait3A_337 : memref<128x64xbf16, #tpu.memory_space<vmem>>)
      %dma_wait3A_343 = arith.constant 896 : i32
      %dma_wait3A_344 = arith.constant 0 : i32
      %dma_wait3A_345 = tpu.memref_slice %arg9[%dma_wait3A_343, %dma_wait3A_344] : memref<1024x64xbf16, #tpu.memory_space<vmem>> -> memref<128x64xbf16, #tpu.memory_space<vmem>>
      %dma_wait3A_346 = arith.constant 896 : i32
      %dma_wait3A_347 = tpu.memref_slice %arg8[%dma_wait3A_346] : memref<1024xi32, #tpu.memory_space<vmem>> -> memref<128xi32, #tpu.memory_space<vmem>>
      %dma_wait3A_348 = arith.constant 0 : i32
      %dma_wait3A_349 = arith.constant 0 : i32
      %dma_wait3A_350 = tpu.memref_slice %arg2[%dma_wait3A_348, %dma_wait3A_349] : memref<100000x64xbf16, #tpu.memory_space<hbm>> -> memref<100000x64xbf16, #tpu.memory_space<hbm>>
      tpu.wait_indirect_dma semaphore(%arg12 : memref<!tpu.dma_semaphore, #tpu.memory_space<semaphore_mem>>) src(%dma_wait3A_350 : memref<100000x64xbf16, #tpu.memory_space<hbm>>) dst(%dma_wait3A_345 : memref<128x64xbf16, #tpu.memory_space<vmem>>)
      "tpu.region"() ({
        %run_scoped3A = tpu.sem_alloc : memref<!tpu.dma_semaphore, #tpu.memory_space<semaphore_mem>>
        %dma_start3A_352 = arith.constant 0 : i32
        %dma_start3A_353 = tpu.memref_slice %arg6[%multiple_of3A_222, %dma_start3A_352] : memref<851968x64xbf16, #tpu.memory_space<hbm>> -> memref<1024x64xbf16, #tpu.memory_space<hbm>>
        %dma_start3A_354 = arith.constant 0 : i32
        %dma_start3A_355 = tpu.memref_slice %arg6[%multiple_of3A_222, %dma_start3A_354] : memref<851968x64xbf16, #tpu.memory_space<hbm>> -> memref<1024x64xbf16, #tpu.memory_space<hbm>>
        tpu.enqueue_dma source(%arg9 : memref<1024x64xbf16, #tpu.memory_space<vmem>>) target(%dma_start3A_355 : memref<1024x64xbf16, #tpu.memory_space<hbm>>) target_semaphore(%run_scoped3A : memref<!tpu.dma_semaphore, #tpu.memory_space<semaphore_mem>>)
        %dma_wait3A_356 = arith.constant 0 : i32
        %dma_wait3A_357 = tpu.memref_slice %arg6[%multiple_of3A_222, %dma_wait3A_356] : memref<851968x64xbf16, #tpu.memory_space<hbm>> -> memref<1024x64xbf16, #tpu.memory_space<hbm>>
        %dma_wait3A_358 = arith.constant 0 : i32
        %dma_wait3A_359 = tpu.memref_slice %arg6[%multiple_of3A_222, %dma_wait3A_358] : memref<851968x64xbf16, #tpu.memory_space<hbm>> -> memref<1024x64xbf16, #tpu.memory_space<hbm>>
        tpu.wait_dma2 semaphore(%run_scoped3A : memref<!tpu.dma_semaphore, #tpu.memory_space<semaphore_mem>>) src(%arg9 : memref<1024x64xbf16, #tpu.memory_space<vmem>>) dst(%dma_wait3A_359 : memref<1024x64xbf16, #tpu.memory_space<hbm>>)
        tpu.yield
      }) : () -> ()
      %scan3A_351 = arith.constant 0 : i32
      scf.yield %scan3A_351 : i32
    }
    %scan3A_214 = arith.constant 26 : i32
    return
  }
}

module attributes {stable_mosaic.version = 14 : i64} {
  func.func @_gate_kernel(%arg0: i32, %arg1: memref<2000x8xf32, #tpu.memory_space<vmem>>, %arg2: memref<2000x1xi32, #tpu.memory_space<vmem>>, %arg3: memref<8x68xf32, #tpu.memory_space<vmem>>, %arg4: memref<1x68xf32, #tpu.memory_space<vmem>>, %arg5: memref<68x68xf32, #tpu.memory_space<vmem>>, %arg6: memref<1x68xf32, #tpu.memory_space<vmem>>, %arg7: memref<8x68xf32, #tpu.memory_space<vmem>>) attributes {dimension_semantics = [#tpu.dimension_semantics<arbitrary>], iteration_bounds = array<i64: 50>, scalar_prefetch = 0 : i64, scratch_operands = 0 : i64, tpu.core_type = #tpu.core_type<tc>, window_params = [{transform_indices = @transform_0, window_bounds = array<i64: 2000, 8>}, {transform_indices = @transform_1, window_bounds = array<i64: 2000, 1>}, {pipeline_mode = #tpu.pipeline_mode<synchronous>, transform_indices = @transform_2, window_bounds = array<i64: 8, 68>}, {pipeline_mode = #tpu.pipeline_mode<synchronous>, transform_indices = @transform_3, window_bounds = array<i64: 1, 68>}, {pipeline_mode = #tpu.pipeline_mode<synchronous>, transform_indices = @transform_4, window_bounds = array<i64: 68, 68>}, {pipeline_mode = #tpu.pipeline_mode<synchronous>, transform_indices = @transform_5, window_bounds = array<i64: 1, 68>}, {pipeline_mode = #tpu.pipeline_mode<synchronous>, transform_indices = @transform_6, window_bounds = array<i64: 8, 68>}]} {
    %get3A = arith.constant 0 : index
    %get3A_0 = arith.constant 0 : index
    %get3A_1 = vector.load %arg1[%get3A, %get3A_0] : memref<2000x8xf32, #tpu.memory_space<vmem>>, vector<2000x8xf32>
    %get3A_2 = arith.constant 0 : index
    %get3A_3 = arith.constant 0 : index
    %get3A_4 = vector.load %arg3[%get3A_2, %get3A_3] : memref<8x68xf32, #tpu.memory_space<vmem>>, vector<8x68xf32>
    %dot_general3A = arith.constant dense<0.000000e+00> : vector<2000x68xf32>
    %dot_general3A_5 = tpu.matmul %get3A_1, %get3A_4, %dot_general3A {dimension_numbers = #tpu.dot_dimension_numbers<[1], [0], [0], [1], [0, 0, 1, 1], [], []>, precision = #tpu.contract_precision<fp32>, transpose_lhs_hint = false} : vector<2000x8xf32>, vector<8x68xf32>, vector<2000x68xf32> -> vector<2000x68xf32>
    %get3A_6 = arith.constant 0 : index
    %get3A_7 = arith.constant 0 : index
    %get3A_8 = vector.load %arg4[%get3A_6, %get3A_7] : memref<1x68xf32, #tpu.memory_space<vmem>>, vector<1x68xf32>
    %add3A = vector.broadcast %get3A_8 : vector<1x68xf32> to vector<2000x68xf32>
    %add3A_9 = arith.addf %dot_general3A_5, %add3A : vector<2000x68xf32>
    %max3A = arith.constant 0.000000e+00 : f32
    %max3A_10 = vector.broadcast %max3A : f32 to vector<2000x68xf32>
    %max3A_11 = arith.maximumf %add3A_9, %max3A_10 : vector<2000x68xf32>
    %get3A_12 = arith.constant 0 : index
    %get3A_13 = arith.constant 0 : index
    %get3A_14 = vector.load %arg5[%get3A_12, %get3A_13] : memref<68x68xf32, #tpu.memory_space<vmem>>, vector<68x68xf32>
    %dot_general3A_15 = arith.constant dense<0.000000e+00> : vector<2000x68xf32>
    %dot_general3A_16 = tpu.matmul %max3A_11, %get3A_14, %dot_general3A_15 {dimension_numbers = #tpu.dot_dimension_numbers<[1], [0], [0], [1], [0, 0, 1, 1], [], []>, precision = #tpu.contract_precision<fp32>, transpose_lhs_hint = false} : vector<2000x68xf32>, vector<68x68xf32>, vector<2000x68xf32> -> vector<2000x68xf32>
    %get3A_17 = arith.constant 0 : index
    %get3A_18 = arith.constant 0 : index
    %get3A_19 = vector.load %arg6[%get3A_17, %get3A_18] : memref<1x68xf32, #tpu.memory_space<vmem>>, vector<1x68xf32>
    %add3A_20 = vector.broadcast %get3A_19 : vector<1x68xf32> to vector<2000x68xf32>
    %add3A_21 = arith.addf %dot_general3A_16, %add3A_20 : vector<2000x68xf32>
    %max3A_22 = arith.constant 0.000000e+00 : f32
    %max3A_23 = vector.broadcast %max3A_22 : f32 to vector<2000x68xf32>
    %max3A_24 = arith.maximumf %add3A_21, %max3A_23 : vector<2000x68xf32>
    %get3A_25 = arith.constant 0 : index
    %get3A_26 = arith.constant 0 : index
    %get3A_27 = vector.load %arg2[%get3A_25, %get3A_26] : memref<2000x1xi32, #tpu.memory_space<vmem>>, vector<2000x1xi32>
    %eq3A = arith.constant 0 : i32
    %eq3A_28 = vector.broadcast %eq3A : i32 to vector<2000x1xi32>
    %eq3A_29 = arith.cmpi eq, %get3A_27, %eq3A_28 : vector<2000x1xi32>
    %jit3A = arith.constant 0xFF800000 : f32
    %broadcast_in_dim3A = vector.shape_cast %eq3A_29 : vector<2000x1xi1> to vector<2000x1xi1>
    %broadcast_in_dim3A_30 = vector.broadcast %broadcast_in_dim3A : vector<2000x1xi1> to vector<2000x68xi1>
    %broadcast_in_dim3A_31 = vector.broadcast %jit3A : f32 to vector<2000x68xf32>
    %select_n3A = arith.select %broadcast_in_dim3A_30, %max3A_24, %broadcast_in_dim3A_31 : vector<2000x68xi1>, vector<2000x68xf32>
    %reduce_max3A = arith.constant dense<0xFF800000> : vector<68xf32>
    %reduce_max3A_32 = vector.multi_reduction <maximumf>, %select_n3A, %reduce_max3A [0] : vector<2000x68xf32> to vector<68xf32>
    %broadcast_in_dim3A_33 = vector.shape_cast %reduce_max3A_32 : vector<68xf32> to vector<1x68xf32>
    %eq3A_34 = arith.constant 1 : i32
    %eq3A_35 = vector.broadcast %eq3A_34 : i32 to vector<2000x1xi32>
    %eq3A_36 = arith.cmpi eq, %get3A_27, %eq3A_35 : vector<2000x1xi32>
    %jit3A_37 = arith.constant 0xFF800000 : f32
    %broadcast_in_dim3A_38 = vector.shape_cast %eq3A_36 : vector<2000x1xi1> to vector<2000x1xi1>
    %broadcast_in_dim3A_39 = vector.broadcast %broadcast_in_dim3A_38 : vector<2000x1xi1> to vector<2000x68xi1>
    %broadcast_in_dim3A_40 = vector.broadcast %jit3A_37 : f32 to vector<2000x68xf32>
    %select_n3A_41 = arith.select %broadcast_in_dim3A_39, %max3A_24, %broadcast_in_dim3A_40 : vector<2000x68xi1>, vector<2000x68xf32>
    %reduce_max3A_42 = arith.constant dense<0xFF800000> : vector<68xf32>
    %reduce_max3A_43 = vector.multi_reduction <maximumf>, %select_n3A_41, %reduce_max3A_42 [0] : vector<2000x68xf32> to vector<68xf32>
    %broadcast_in_dim3A_44 = vector.shape_cast %reduce_max3A_43 : vector<68xf32> to vector<1x68xf32>
    %eq3A_45 = arith.constant 2 : i32
    %eq3A_46 = vector.broadcast %eq3A_45 : i32 to vector<2000x1xi32>
    %eq3A_47 = arith.cmpi eq, %get3A_27, %eq3A_46 : vector<2000x1xi32>
    %jit3A_48 = arith.constant 0xFF800000 : f32
    %broadcast_in_dim3A_49 = vector.shape_cast %eq3A_47 : vector<2000x1xi1> to vector<2000x1xi1>
    %broadcast_in_dim3A_50 = vector.broadcast %broadcast_in_dim3A_49 : vector<2000x1xi1> to vector<2000x68xi1>
    %broadcast_in_dim3A_51 = vector.broadcast %jit3A_48 : f32 to vector<2000x68xf32>
    %select_n3A_52 = arith.select %broadcast_in_dim3A_50, %max3A_24, %broadcast_in_dim3A_51 : vector<2000x68xi1>, vector<2000x68xf32>
    %reduce_max3A_53 = arith.constant dense<0xFF800000> : vector<68xf32>
    %reduce_max3A_54 = vector.multi_reduction <maximumf>, %select_n3A_52, %reduce_max3A_53 [0] : vector<2000x68xf32> to vector<68xf32>
    %broadcast_in_dim3A_55 = vector.shape_cast %reduce_max3A_54 : vector<68xf32> to vector<1x68xf32>
    %eq3A_56 = arith.constant 3 : i32
    %eq3A_57 = vector.broadcast %eq3A_56 : i32 to vector<2000x1xi32>
    %eq3A_58 = arith.cmpi eq, %get3A_27, %eq3A_57 : vector<2000x1xi32>
    %jit3A_59 = arith.constant 0xFF800000 : f32
    %broadcast_in_dim3A_60 = vector.shape_cast %eq3A_58 : vector<2000x1xi1> to vector<2000x1xi1>
    %broadcast_in_dim3A_61 = vector.broadcast %broadcast_in_dim3A_60 : vector<2000x1xi1> to vector<2000x68xi1>
    %broadcast_in_dim3A_62 = vector.broadcast %jit3A_59 : f32 to vector<2000x68xf32>
    %select_n3A_63 = arith.select %broadcast_in_dim3A_61, %max3A_24, %broadcast_in_dim3A_62 : vector<2000x68xi1>, vector<2000x68xf32>
    %reduce_max3A_64 = arith.constant dense<0xFF800000> : vector<68xf32>
    %reduce_max3A_65 = vector.multi_reduction <maximumf>, %select_n3A_63, %reduce_max3A_64 [0] : vector<2000x68xf32> to vector<68xf32>
    %broadcast_in_dim3A_66 = vector.shape_cast %reduce_max3A_65 : vector<68xf32> to vector<1x68xf32>
    %eq3A_67 = arith.constant 4 : i32
    %eq3A_68 = vector.broadcast %eq3A_67 : i32 to vector<2000x1xi32>
    %eq3A_69 = arith.cmpi eq, %get3A_27, %eq3A_68 : vector<2000x1xi32>
    %jit3A_70 = arith.constant 0xFF800000 : f32
    %broadcast_in_dim3A_71 = vector.shape_cast %eq3A_69 : vector<2000x1xi1> to vector<2000x1xi1>
    %broadcast_in_dim3A_72 = vector.broadcast %broadcast_in_dim3A_71 : vector<2000x1xi1> to vector<2000x68xi1>
    %broadcast_in_dim3A_73 = vector.broadcast %jit3A_70 : f32 to vector<2000x68xf32>
    %select_n3A_74 = arith.select %broadcast_in_dim3A_72, %max3A_24, %broadcast_in_dim3A_73 : vector<2000x68xi1>, vector<2000x68xf32>
    %reduce_max3A_75 = arith.constant dense<0xFF800000> : vector<68xf32>
    %reduce_max3A_76 = vector.multi_reduction <maximumf>, %select_n3A_74, %reduce_max3A_75 [0] : vector<2000x68xf32> to vector<68xf32>
    %broadcast_in_dim3A_77 = vector.shape_cast %reduce_max3A_76 : vector<68xf32> to vector<1x68xf32>
    %eq3A_78 = arith.constant 5 : i32
    %eq3A_79 = vector.broadcast %eq3A_78 : i32 to vector<2000x1xi32>
    %eq3A_80 = arith.cmpi eq, %get3A_27, %eq3A_79 : vector<2000x1xi32>
    %jit3A_81 = arith.constant 0xFF800000 : f32
    %broadcast_in_dim3A_82 = vector.shape_cast %eq3A_80 : vector<2000x1xi1> to vector<2000x1xi1>
    %broadcast_in_dim3A_83 = vector.broadcast %broadcast_in_dim3A_82 : vector<2000x1xi1> to vector<2000x68xi1>
    %broadcast_in_dim3A_84 = vector.broadcast %jit3A_81 : f32 to vector<2000x68xf32>
    %select_n3A_85 = arith.select %broadcast_in_dim3A_83, %max3A_24, %broadcast_in_dim3A_84 : vector<2000x68xi1>, vector<2000x68xf32>
    %reduce_max3A_86 = arith.constant dense<0xFF800000> : vector<68xf32>
    %reduce_max3A_87 = vector.multi_reduction <maximumf>, %select_n3A_85, %reduce_max3A_86 [0] : vector<2000x68xf32> to vector<68xf32>
    %broadcast_in_dim3A_88 = vector.shape_cast %reduce_max3A_87 : vector<68xf32> to vector<1x68xf32>
    %eq3A_89 = arith.constant 6 : i32
    %eq3A_90 = vector.broadcast %eq3A_89 : i32 to vector<2000x1xi32>
    %eq3A_91 = arith.cmpi eq, %get3A_27, %eq3A_90 : vector<2000x1xi32>
    %jit3A_92 = arith.constant 0xFF800000 : f32
    %broadcast_in_dim3A_93 = vector.shape_cast %eq3A_91 : vector<2000x1xi1> to vector<2000x1xi1>
    %broadcast_in_dim3A_94 = vector.broadcast %broadcast_in_dim3A_93 : vector<2000x1xi1> to vector<2000x68xi1>
    %broadcast_in_dim3A_95 = vector.broadcast %jit3A_92 : f32 to vector<2000x68xf32>
    %select_n3A_96 = arith.select %broadcast_in_dim3A_94, %max3A_24, %broadcast_in_dim3A_95 : vector<2000x68xi1>, vector<2000x68xf32>
    %reduce_max3A_97 = arith.constant dense<0xFF800000> : vector<68xf32>
    %reduce_max3A_98 = vector.multi_reduction <maximumf>, %select_n3A_96, %reduce_max3A_97 [0] : vector<2000x68xf32> to vector<68xf32>
    %broadcast_in_dim3A_99 = vector.shape_cast %reduce_max3A_98 : vector<68xf32> to vector<1x68xf32>
    %eq3A_100 = arith.constant 7 : i32
    %eq3A_101 = vector.broadcast %eq3A_100 : i32 to vector<2000x1xi32>
    %eq3A_102 = arith.cmpi eq, %get3A_27, %eq3A_101 : vector<2000x1xi32>
    %jit3A_103 = arith.constant 0xFF800000 : f32
    %broadcast_in_dim3A_104 = vector.shape_cast %eq3A_102 : vector<2000x1xi1> to vector<2000x1xi1>
    %broadcast_in_dim3A_105 = vector.broadcast %broadcast_in_dim3A_104 : vector<2000x1xi1> to vector<2000x68xi1>
    %broadcast_in_dim3A_106 = vector.broadcast %jit3A_103 : f32 to vector<2000x68xf32>
    %select_n3A_107 = arith.select %broadcast_in_dim3A_105, %max3A_24, %broadcast_in_dim3A_106 : vector<2000x68xi1>, vector<2000x68xf32>
    %reduce_max3A_108 = arith.constant dense<0xFF800000> : vector<68xf32>
    %reduce_max3A_109 = vector.multi_reduction <maximumf>, %select_n3A_107, %reduce_max3A_108 [0] : vector<2000x68xf32> to vector<68xf32>
    %broadcast_in_dim3A_110 = vector.shape_cast %reduce_max3A_109 : vector<68xf32> to vector<1x68xf32>
    %concatenate3A = tpu.concatenate %broadcast_in_dim3A_33, %broadcast_in_dim3A_44, %broadcast_in_dim3A_55, %broadcast_in_dim3A_66, %broadcast_in_dim3A_77, %broadcast_in_dim3A_88, %broadcast_in_dim3A_99, %broadcast_in_dim3A_110 in 0 : vector<1x68xf32>, vector<1x68xf32>, vector<1x68xf32>, vector<1x68xf32>, vector<1x68xf32>, vector<1x68xf32>, vector<1x68xf32>, vector<1x68xf32> -> vector<8x68xf32>
    %eq3A_111 = arith.constant 0 : i32
    %eq3A_112 = arith.cmpi eq, %arg0, %eq3A_111 : i32
    %convert_element_type3A = arith.extui %eq3A_112 : i1 to i32
    %cond3A = arith.constant 0xFF800000 : f32
    %cond3A_113 = arith.constant 0 : i32
    %cond3A_114 = arith.cmpi ne, %convert_element_type3A, %cond3A_113 : i32
    scf.if %cond3A_114 {
      %broadcast_in_dim3A_121 = vector.broadcast %cond3A : f32 to vector<8x68xf32>
      %swap3A_122 = arith.constant 0 : index
      %swap3A_123 = arith.constant 0 : index
      %swap3A_124 = vector.load %arg7[%swap3A_122, %swap3A_123] : memref<8x68xf32, #tpu.memory_space<vmem>>, vector<8x68xf32>
      tpu.vector_store %arg7[%swap3A_122, %swap3A_123], %broadcast_in_dim3A_121 {strides = array<i32>} : memref<8x68xf32, #tpu.memory_space<vmem>>, vector<8x68xf32>,
    } else {
    }
    %get3A_115 = arith.constant 0 : index
    %get3A_116 = arith.constant 0 : index
    %get3A_117 = vector.load %arg7[%get3A_115, %get3A_116] : memref<8x68xf32, #tpu.memory_space<vmem>>, vector<8x68xf32>
    %max3A_118 = arith.maximumf %get3A_117, %concatenate3A : vector<8x68xf32>
    %swap3A = arith.constant 0 : index
    %swap3A_119 = arith.constant 0 : index
    %swap3A_120 = vector.load %arg7[%swap3A, %swap3A_119] : memref<8x68xf32, #tpu.memory_space<vmem>>, vector<8x68xf32>
    tpu.vector_store %arg7[%swap3A, %swap3A_119], %max3A_118 {strides = array<i32>} : memref<8x68xf32, #tpu.memory_space<vmem>>, vector<8x68xf32>,
    return
  }
  func.func @transform_0(%arg0: i32) -> (i32, i32) {
    %c0_i32 = arith.constant 0 : i32
    %c0_i32_0 = arith.constant 0 : i32
    return %arg0, %c0_i32 : i32, i32
  }
  func.func @transform_1(%arg0: i32) -> (i32, i32) {
    %c0_i32 = arith.constant 0 : i32
    %c0_i32_0 = arith.constant 0 : i32
    return %arg0, %c0_i32 : i32, i32
  }
  func.func @transform_2(%arg0: i32) -> (i32, i32) {
    %c0_i32 = arith.constant 0 : i32
    %c0_i32_0 = arith.constant 0 : i32
    %c0_i32_1 = arith.constant 0 : i32
    return %c0_i32, %c0_i32_0 : i32, i32
  }
  func.func @transform_3(%arg0: i32) -> (i32, i32) {
    %c0_i32 = arith.constant 0 : i32
    %c0_i32_0 = arith.constant 0 : i32
    %c0_i32_1 = arith.constant 0 : i32
    return %c0_i32, %c0_i32_0 : i32, i32
  }
  func.func @transform_4(%arg0: i32) -> (i32, i32) {
    %c0_i32 = arith.constant 0 : i32
    %c0_i32_0 = arith.constant 0 : i32
    %c0_i32_1 = arith.constant 0 : i32
    return %c0_i32, %c0_i32_0 : i32, i32
  }
  func.func @transform_5(%arg0: i32) -> (i32, i32) {
    %c0_i32 = arith.constant 0 : i32
    %c0_i32_0 = arith.constant 0 : i32
    %c0_i32_1 = arith.constant 0 : i32
    return %c0_i32, %c0_i32_0 : i32, i32
  }
  func.func @transform_6(%arg0: i32) -> (i32, i32) {
    %c0_i32 = arith.constant 0 : i32
    %c0_i32_0 = arith.constant 0 : i32
    %c0_i32_1 = arith.constant 0 : i32
    return %c0_i32, %c0_i32_0 : i32, i32
  }
}

module attributes {stable_mosaic.version = 14 : i64} {
  func.func @_feat_kernel(%arg0: i32, %arg1: memref<2000x64xf32, #tpu.memory_space<vmem>>, %arg2: memref<2000x8xf32, #tpu.memory_space<vmem>>, %arg3: memref<2000x1xi32, #tpu.memory_space<vmem>>, %arg4: memref<8x68xf32, #tpu.memory_space<vmem>>, %arg5: memref<8x2xf32, #tpu.memory_space<vmem>>, %arg6: memref<68x2xf32, #tpu.memory_space<vmem>>, %arg7: memref<1x2xf32, #tpu.memory_space<vmem>>, %arg8: memref<64x64xf32, #tpu.memory_space<vmem>>, %arg9: memref<8x64xf32, #tpu.memory_space<vmem>>, %arg10: memref<2000x64xbf16, #tpu.memory_space<vmem>>, %arg11: memref<2000x8xf32, #tpu.memory_space<vmem>>) attributes {dimension_semantics = [#tpu.dimension_semantics<arbitrary>], iteration_bounds = array<i64: 50>, scalar_prefetch = 0 : i64, scratch_operands = 0 : i64, tpu.core_type = #tpu.core_type<tc>, window_params = [{transform_indices = @transform_0, window_bounds = array<i64: 2000, 64>}, {transform_indices = @transform_1, window_bounds = array<i64: 2000, 8>}, {transform_indices = @transform_2, window_bounds = array<i64: 2000, 1>}, {pipeline_mode = #tpu.pipeline_mode<synchronous>, transform_indices = @transform_3, window_bounds = array<i64: 8, 68>}, {pipeline_mode = #tpu.pipeline_mode<synchronous>, transform_indices = @transform_4, window_bounds = array<i64: 8, 2>}, {pipeline_mode = #tpu.pipeline_mode<synchronous>, transform_indices = @transform_5, window_bounds = array<i64: 68, 2>}, {pipeline_mode = #tpu.pipeline_mode<synchronous>, transform_indices = @transform_6, window_bounds = array<i64: 1, 2>}, {pipeline_mode = #tpu.pipeline_mode<synchronous>, transform_indices = @transform_7, window_bounds = array<i64: 64, 64>}, {pipeline_mode = #tpu.pipeline_mode<synchronous>, transform_indices = @transform_8, window_bounds = array<i64: 8, 64>}, {transform_indices = @transform_9, window_bounds = array<i64: 2000, 64>}, {transform_indices = @transform_10, window_bounds = array<i64: 2000, 8>}]} {
    %get3A = arith.constant 0 : index
    %get3A_0 = arith.constant 0 : index
    %get3A_1 = vector.load %arg4[%get3A, %get3A_0] : memref<8x68xf32, #tpu.memory_space<vmem>>, vector<8x68xf32>
    %get3A_2 = arith.constant 0 : index
    %get3A_3 = arith.constant 0 : index
    %get3A_4 = vector.load %arg6[%get3A_2, %get3A_3] : memref<68x2xf32, #tpu.memory_space<vmem>>, vector<68x2xf32>
    %dot_general3A = arith.constant dense<0.000000e+00> : vector<8x2xf32>
    %dot_general3A_5 = tpu.matmul %get3A_1, %get3A_4, %dot_general3A {dimension_numbers = #tpu.dot_dimension_numbers<[1], [0], [0], [1], [0, 0, 1, 1], [], []>, precision = #tpu.contract_precision<fp32>, transpose_lhs_hint = false} : vector<8x68xf32>, vector<68x2xf32>, vector<8x2xf32> -> vector<8x2xf32>
    %get3A_6 = arith.constant 0 : index
    %get3A_7 = arith.constant 0 : index
    %get3A_8 = vector.load %arg7[%get3A_6, %get3A_7] : memref<1x2xf32, #tpu.memory_space<vmem>>, vector<1x2xf32>
    %add3A = vector.broadcast %get3A_8 : vector<1x2xf32> to vector<8x2xf32>
    %add3A_9 = arith.addf %dot_general3A_5, %add3A : vector<8x2xf32>
    %get3A_10 = arith.constant 0 : index
    %get3A_11 = arith.constant 0 : index
    %get3A_12 = vector.load %arg5[%get3A_10, %get3A_11] : memref<8x2xf32, #tpu.memory_space<vmem>>, vector<8x2xf32>
    %add3A_13 = arith.addf %add3A_9, %get3A_12 : vector<8x2xf32>
    %reduce_max3A = arith.constant dense<0xFF800000> : vector<8xf32>
    %reduce_max3A_14 = vector.multi_reduction <maximumf>, %add3A_13, %reduce_max3A [1] : vector<8x2xf32> to vector<8xf32>
    %broadcast_in_dim3A = vector.shape_cast %reduce_max3A_14 : vector<8xf32> to vector<8x1xf32>
    %sub3A = vector.broadcast %broadcast_in_dim3A : vector<8x1xf32> to vector<8x2xf32>
    %sub3A_15 = arith.subf %add3A_13, %sub3A : vector<8x2xf32>
    %exp3A = math.exp %sub3A_15 : vector<8x2xf32>
    %slice3A = vector.extract_strided_slice %exp3A {offsets = [0, 1], sizes = [8, 1], strides = [1, 1]} : vector<8x2xf32> to vector<8x1xf32>
    %slice3A_16 = vector.extract_strided_slice %exp3A {offsets = [0, 0], sizes = [8, 1], strides = [1, 1]} : vector<8x2xf32> to vector<8x1xf32>
    %slice3A_17 = vector.extract_strided_slice %exp3A {offsets = [0, 1], sizes = [8, 1], strides = [1, 1]} : vector<8x2xf32> to vector<8x1xf32>
    %add3A_18 = arith.addf %slice3A_16, %slice3A_17 : vector<8x1xf32>
    %div3A = arith.divf %slice3A, %add3A_18 : vector<8x1xf32>
    %get3A_19 = arith.constant 0 : index
    %get3A_20 = arith.constant 0 : index
    %get3A_21 = vector.load %arg3[%get3A_19, %get3A_20] : memref<2000x1xi32, #tpu.memory_space<vmem>>, vector<2000x1xi32>
    %iota3A = tpu.iota {dimensions = array<i32: 1>} : vector<1x8xi32>
    %eq3A = vector.broadcast %get3A_21 : vector<2000x1xi32> to vector<2000x8xi32>
    %eq3A_22 = vector.broadcast %iota3A : vector<1x8xi32> to vector<2000x8xi32>
    %eq3A_23 = arith.cmpi eq, %eq3A, %eq3A_22 : vector<2000x8xi32>
    %convert_element_type3A = arith.extui %eq3A_23 : vector<2000x8xi1> to vector<2000x8xi32>
    %convert_element_type3A_24 = arith.sitofp %convert_element_type3A : vector<2000x8xi32> to vector<2000x8xf32>
    %dot_general3A_25 = arith.constant dense<0.000000e+00> : vector<2000x1xf32>
    %dot_general3A_26 = tpu.matmul %convert_element_type3A_24, %div3A, %dot_general3A_25 {dimension_numbers = #tpu.dot_dimension_numbers<[1], [0], [0], [1], [0, 0, 1, 1], [], []>, precision = #tpu.contract_precision<fp32>, transpose_lhs_hint = false} : vector<2000x8xf32>, vector<8x1xf32>, vector<2000x1xf32> -> vector<2000x1xf32>
    %get3A_27 = arith.constant 0 : index
    %get3A_28 = arith.constant 3 : index
    %get3A_29 = vector.load %arg2[%get3A_27, %get3A_28] : memref<2000x8xf32, #tpu.memory_space<vmem>>, vector<2000x1xf32>
    %mul3A = arith.mulf %dot_general3A_26, %get3A_29 : vector<2000x1xf32>
    %iota3A_30 = tpu.iota {dimensions = array<i32: 1>} : vector<2000x8xi32>
    %eq3A_31 = arith.constant 3 : i32
    %eq3A_32 = vector.broadcast %eq3A_31 : i32 to vector<2000x8xi32>
    %eq3A_33 = arith.cmpi eq, %iota3A_30, %eq3A_32 : vector<2000x8xi32>
    %get3A_34 = arith.constant 0 : index
    %get3A_35 = arith.constant 0 : index
    %get3A_36 = vector.load %arg2[%get3A_34, %get3A_35] : memref<2000x8xf32, #tpu.memory_space<vmem>>, vector<2000x8xf32>
    %broadcast_in_dim3A_37 = vector.shape_cast %mul3A : vector<2000x1xf32> to vector<2000x1xf32>
    %broadcast_in_dim3A_38 = vector.broadcast %broadcast_in_dim3A_37 : vector<2000x1xf32> to vector<2000x8xf32>
    %select_n3A = arith.select %eq3A_33, %broadcast_in_dim3A_38, %get3A_36 : vector<2000x8xi1>, vector<2000x8xf32>
    %get3A_39 = arith.constant 0 : index
    %get3A_40 = arith.constant 0 : index
    %get3A_41 = vector.load %arg1[%get3A_39, %get3A_40] : memref<2000x64xf32, #tpu.memory_space<vmem>>, vector<2000x64xf32>
    %get3A_42 = arith.constant 0 : index
    %get3A_43 = arith.constant 0 : index
    %get3A_44 = vector.load %arg8[%get3A_42, %get3A_43] : memref<64x64xf32, #tpu.memory_space<vmem>>, vector<64x64xf32>
    %dot_general3A_45 = arith.constant dense<0.000000e+00> : vector<2000x64xf32>
    %dot_general3A_46 = tpu.matmul %get3A_41, %get3A_44, %dot_general3A_45 {dimension_numbers = #tpu.dot_dimension_numbers<[1], [0], [0], [1], [0, 0, 1, 1], [], []>, precision = #tpu.contract_precision<fp32>, transpose_lhs_hint = false} : vector<2000x64xf32>, vector<64x64xf32>, vector<2000x64xf32> -> vector<2000x64xf32>
    %get3A_47 = arith.constant 0 : index
    %get3A_48 = arith.constant 0 : index
    %get3A_49 = vector.load %arg9[%get3A_47, %get3A_48] : memref<8x64xf32, #tpu.memory_space<vmem>>, vector<8x64xf32>
    %dot_general3A_50 = arith.constant dense<0.000000e+00> : vector<2000x64xf32>
    %dot_general3A_51 = tpu.matmul %select_n3A, %get3A_49, %dot_general3A_50 {dimension_numbers = #tpu.dot_dimension_numbers<[1], [0], [0], [1], [0, 0, 1, 1], [], []>, precision = #tpu.contract_precision<fp32>, transpose_lhs_hint = false} : vector<2000x8xf32>, vector<8x64xf32>, vector<2000x64xf32> -> vector<2000x64xf32>
    %add3A_52 = arith.addf %dot_general3A_46, %dot_general3A_51 : vector<2000x64xf32>
    %convert_element_type3A_53 = arith.sitofp %get3A_21 : vector<2000x1xi32> to vector<2000x1xf32>
    %convert_element_type3A_54 = arith.truncf %add3A_52 : vector<2000x64xf32> to vector<2000x64xbf16>
    %swap3A = arith.constant 0 : index
    %swap3A_55 = arith.constant 0 : index
    %swap3A_56 = vector.load %arg10[%swap3A, %swap3A_55] : memref<2000x64xbf16, #tpu.memory_space<vmem>>, vector<2000x64xbf16>
    tpu.vector_store %arg10[%swap3A, %swap3A_55], %convert_element_type3A_54 {strides = array<i32>} : memref<2000x64xbf16, #tpu.memory_space<vmem>>, vector<2000x64xbf16>,
    %eq3A_57 = arith.constant 3 : i32
    %eq3A_58 = vector.broadcast %eq3A_57 : i32 to vector<2000x8xi32>
    %eq3A_59 = arith.cmpi eq, %iota3A_30, %eq3A_58 : vector<2000x8xi32>
    %eq3A_60 = arith.constant 4 : i32
    %eq3A_61 = vector.broadcast %eq3A_60 : i32 to vector<2000x8xi32>
    %eq3A_62 = arith.cmpi eq, %iota3A_30, %eq3A_61 : vector<2000x8xi32>
    %get3A_63 = arith.constant 0 : index
    %get3A_64 = arith.constant 0 : index
    %get3A_65 = vector.load %arg2[%get3A_63, %get3A_64] : memref<2000x8xf32, #tpu.memory_space<vmem>>, vector<2000x8xf32>
    %broadcast_in_dim3A_66 = vector.shape_cast %convert_element_type3A_53 : vector<2000x1xf32> to vector<2000x1xf32>
    %broadcast_in_dim3A_67 = vector.broadcast %broadcast_in_dim3A_66 : vector<2000x1xf32> to vector<2000x8xf32>
    %select_n3A_68 = arith.select %eq3A_62, %broadcast_in_dim3A_67, %get3A_65 : vector<2000x8xi1>, vector<2000x8xf32>
    %broadcast_in_dim3A_69 = vector.shape_cast %mul3A : vector<2000x1xf32> to vector<2000x1xf32>
    %broadcast_in_dim3A_70 = vector.broadcast %broadcast_in_dim3A_69 : vector<2000x1xf32> to vector<2000x8xf32>
    %select_n3A_71 = arith.select %eq3A_59, %broadcast_in_dim3A_70, %select_n3A_68 : vector<2000x8xi1>, vector<2000x8xf32>
    %swap3A_72 = arith.constant 0 : index
    %swap3A_73 = arith.constant 0 : index
    %swap3A_74 = vector.load %arg11[%swap3A_72, %swap3A_73] : memref<2000x8xf32, #tpu.memory_space<vmem>>, vector<2000x8xf32>
    tpu.vector_store %arg11[%swap3A_72, %swap3A_73], %select_n3A_71 {strides = array<i32>} : memref<2000x8xf32, #tpu.memory_space<vmem>>, vector<2000x8xf32>,
    return
  }
  func.func @transform_0(%arg0: i32) -> (i32, i32) {
    %c0_i32 = arith.constant 0 : i32
    %c0_i32_0 = arith.constant 0 : i32
    return %arg0, %c0_i32 : i32, i32
  }
  func.func @transform_1(%arg0: i32) -> (i32, i32) {
    %c0_i32 = arith.constant 0 : i32
    %c0_i32_0 = arith.constant 0 : i32
    return %arg0, %c0_i32 : i32, i32
  }
  func.func @transform_2(%arg0: i32) -> (i32, i32) {
    %c0_i32 = arith.constant 0 : i32
    %c0_i32_0 = arith.constant 0 : i32
    return %arg0, %c0_i32 : i32, i32
  }
  func.func @transform_3(%arg0: i32) -> (i32, i32) {
    %c0_i32 = arith.constant 0 : i32
    %c0_i32_0 = arith.constant 0 : i32
    %c0_i32_1 = arith.constant 0 : i32
    return %c0_i32, %c0_i32_0 : i32, i32
  }
  func.func @transform_4(%arg0: i32) -> (i32, i32) {
    %c0_i32 = arith.constant 0 : i32
    %c0_i32_0 = arith.constant 0 : i32
    %c0_i32_1 = arith.constant 0 : i32
    return %c0_i32, %c0_i32_0 : i32, i32
  }
  func.func @transform_5(%arg0: i32) -> (i32, i32) {
    %c0_i32 = arith.constant 0 : i32
    %c0_i32_0 = arith.constant 0 : i32
    %c0_i32_1 = arith.constant 0 : i32
    return %c0_i32, %c0_i32_0 : i32, i32
  }
  func.func @transform_6(%arg0: i32) -> (i32, i32) {
    %c0_i32 = arith.constant 0 : i32
    %c0_i32_0 = arith.constant 0 : i32
    %c0_i32_1 = arith.constant 0 : i32
    return %c0_i32, %c0_i32_0 : i32, i32
  }
  func.func @transform_7(%arg0: i32) -> (i32, i32) {
    %c0_i32 = arith.constant 0 : i32
    %c0_i32_0 = arith.constant 0 : i32
    %c0_i32_1 = arith.constant 0 : i32
    return %c0_i32, %c0_i32_0 : i32, i32
  }
  func.func @transform_8(%arg0: i32) -> (i32, i32) {
    %c0_i32 = arith.constant 0 : i32
    %c0_i32_0 = arith.constant 0 : i32
    %c0_i32_1 = arith.constant 0 : i32
    return %c0_i32, %c0_i32_0 : i32, i32
  }
  func.func @transform_9(%arg0: i32) -> (i32, i32) {
    %c0_i32 = arith.constant 0 : i32
    %c0_i32_0 = arith.constant 0 : i32
    return %arg0, %c0_i32 : i32, i32
  }
  func.func @transform_10(%arg0: i32) -> (i32, i32) {
    %c0_i32 = arith.constant 0 : i32
    %c0_i32_0 = arith.constant 0 : i32
    return %arg0, %c0_i32 : i32, i32
  }
}

module attributes {stable_mosaic.version = 14 : i64} {
  func.func @_h1_stats_kernel(%arg0: i32, %arg1: memref<1024x256xf32, #tpu.memory_space<vmem>>, %arg2: memref<8x256xf32, #tpu.memory_space<vmem>>, %arg3: memref<1x256xf32, #tpu.memory_space<vmem>>, %arg4: memref<1x256xf32, #tpu.memory_space<vmem>>, %arg5: memref<8x256xf32, #tpu.memory_space<vmem>>) attributes {dimension_semantics = [#tpu.dimension_semantics<arbitrary>], iteration_bounds = array<i64: 52>, scalar_prefetch = 0 : i64, scratch_operands = 0 : i64, tpu.core_type = #tpu.core_type<tc>, window_params = [{transform_indices = @transform_0, window_bounds = array<i64: 1024, 256>}, {pipeline_mode = #tpu.pipeline_mode<synchronous>, transform_indices = @transform_1, window_bounds = array<i64: 8, 256>}, {pipeline_mode = #tpu.pipeline_mode<synchronous>, transform_indices = @transform_2, window_bounds = array<i64: 1, 256>}, {pipeline_mode = #tpu.pipeline_mode<synchronous>, transform_indices = @transform_3, window_bounds = array<i64: 1, 256>}, {pipeline_mode = #tpu.pipeline_mode<synchronous>, transform_indices = @transform_4, window_bounds = array<i64: 8, 256>}]} {
    %get3A = arith.constant 0 : index
    %get3A_0 = arith.constant 0 : index
    %get3A_1 = vector.load %arg3[%get3A, %get3A_0] : memref<1x256xf32, #tpu.memory_space<vmem>>, vector<1x256xf32>
    %get3A_2 = arith.constant 0 : index
    %get3A_3 = arith.constant 0 : index
    %get3A_4 = vector.load %arg4[%get3A_2, %get3A_3] : memref<1x256xf32, #tpu.memory_space<vmem>>, vector<1x256xf32>
    %get3A_5 = arith.constant 0 : index
    %get3A_6 = arith.constant 0 : index
    %get3A_7 = vector.load %arg2[%get3A_5, %get3A_6] : memref<8x256xf32, #tpu.memory_space<vmem>>, vector<1x256xf32>
    %div3A = arith.constant 5.051500e+04 : f32
    %div3A_8 = vector.broadcast %div3A : f32 to vector<1x256xf32>
    %div3A_9 = arith.divf %get3A_7, %div3A_8 : vector<1x256xf32>
    %get3A_10 = arith.constant 1 : index
    %get3A_11 = arith.constant 0 : index
    %get3A_12 = vector.load %arg2[%get3A_10, %get3A_11] : memref<8x256xf32, #tpu.memory_space<vmem>>, vector<1x256xf32>
    %div3A_13 = arith.constant 5.051500e+04 : f32
    %div3A_14 = vector.broadcast %div3A_13 : f32 to vector<1x256xf32>
    %div3A_15 = arith.divf %get3A_12, %div3A_14 : vector<1x256xf32>
    %mul3A = arith.mulf %div3A_9, %div3A_9 : vector<1x256xf32>
    %sub3A = arith.subf %div3A_15, %mul3A : vector<1x256xf32>
    %add3A = arith.constant 9.99999974E-6 : f32
    %add3A_16 = vector.broadcast %add3A : f32 to vector<1x256xf32>
    %add3A_17 = arith.addf %sub3A, %add3A_16 : vector<1x256xf32>
    %sqrt3A = math.sqrt %add3A_17 : vector<1x256xf32>
    %div3A_18 = arith.divf %get3A_1, %sqrt3A : vector<1x256xf32>
    %mul3A_19 = arith.mulf %div3A_18, %div3A_9 : vector<1x256xf32>
    %sub3A_20 = arith.subf %get3A_4, %mul3A_19 : vector<1x256xf32>
    %get3A_21 = arith.constant 0 : index
    %get3A_22 = arith.constant 0 : index
    %get3A_23 = vector.load %arg1[%get3A_21, %get3A_22] : memref<1024x256xf32, #tpu.memory_space<vmem>>, vector<1024x256xf32>
    %mul3A_24 = vector.broadcast %div3A_18 : vector<1x256xf32> to vector<1024x256xf32>
    %mul3A_25 = arith.mulf %get3A_23, %mul3A_24 : vector<1024x256xf32>
    %add3A_26 = vector.broadcast %sub3A_20 : vector<1x256xf32> to vector<1024x256xf32>
    %add3A_27 = arith.addf %mul3A_25, %add3A_26 : vector<1024x256xf32>
    %max3A = arith.constant 0.000000e+00 : f32
    %max3A_28 = vector.broadcast %max3A : f32 to vector<1024x256xf32>
    %max3A_29 = arith.maximumf %add3A_27, %max3A_28 : vector<1024x256xf32>
    %mul3A_30 = arith.constant 1024 : i32
    %mul3A_31 = arith.muli %arg0, %mul3A_30 : i32
    %iota3A = tpu.iota {dimensions = array<i32: 0>} : vector<1024x1xi32>
    %add3A_32 = vector.broadcast %mul3A_31 : i32 to vector<1024x1xi32>
    %add3A_33 = arith.addi %add3A_32, %iota3A : vector<1024x1xi32>
    %lt3A = arith.constant 50515 : i32
    %lt3A_34 = vector.broadcast %lt3A : i32 to vector<1024x1xi32>
    %lt3A_35 = arith.cmpi slt, %add3A_33, %lt3A_34 : vector<1024x1xi32>
    %jit3A = arith.constant 0.000000e+00 : f32
    %broadcast_in_dim3A = vector.shape_cast %lt3A_35 : vector<1024x1xi1> to vector<1024x1xi1>
    %broadcast_in_dim3A_36 = vector.broadcast %broadcast_in_dim3A : vector<1024x1xi1> to vector<1024x256xi1>
    %broadcast_in_dim3A_37 = vector.broadcast %jit3A : f32 to vector<1024x256xf32>
    %select_n3A = arith.select %broadcast_in_dim3A_36, %max3A_29, %broadcast_in_dim3A_37 : vector<1024x256xi1>, vector<1024x256xf32>
    %reduce_sum3A = arith.constant dense<0.000000e+00> : vector<256xf32>
    %reduce_sum3A_38 = vector.multi_reduction <add>, %select_n3A, %reduce_sum3A [0] : vector<1024x256xf32> to vector<256xf32>
    %broadcast_in_dim3A_39 = vector.shape_cast %reduce_sum3A_38 : vector<256xf32> to vector<1x256xf32>
    %mul3A_40 = arith.mulf %select_n3A, %select_n3A : vector<1024x256xf32>
    %reduce_sum3A_41 = arith.constant dense<0.000000e+00> : vector<256xf32>
    %reduce_sum3A_42 = vector.multi_reduction <add>, %mul3A_40, %reduce_sum3A_41 [0] : vector<1024x256xf32> to vector<256xf32>
    %broadcast_in_dim3A_43 = vector.shape_cast %reduce_sum3A_42 : vector<256xf32> to vector<1x256xf32>
    %iota3A_44 = tpu.iota {dimensions = array<i32: 0>} : vector<8x256xi32>
    %eq3A = arith.constant 0 : i32
    %eq3A_45 = vector.broadcast %eq3A : i32 to vector<8x256xi32>
    %eq3A_46 = arith.cmpi eq, %iota3A_44, %eq3A_45 : vector<8x256xi32>
    %jit3A_47 = arith.constant 0.000000e+00 : f32
    %broadcast_in_dim3A_48 = vector.shape_cast %broadcast_in_dim3A_39 : vector<1x256xf32> to vector<1x256xf32>
    %broadcast_in_dim3A_49 = vector.broadcast %broadcast_in_dim3A_48 : vector<1x256xf32> to vector<8x256xf32>
    %broadcast_in_dim3A_50 = vector.broadcast %jit3A_47 : f32 to vector<8x256xf32>
    %select_n3A_51 = arith.select %eq3A_46, %broadcast_in_dim3A_49, %broadcast_in_dim3A_50 : vector<8x256xi1>, vector<8x256xf32>
    %eq3A_52 = arith.constant 1 : i32
    %eq3A_53 = vector.broadcast %eq3A_52 : i32 to vector<8x256xi32>
    %eq3A_54 = arith.cmpi eq, %iota3A_44, %eq3A_53 : vector<8x256xi32>
    %jit3A_55 = arith.constant 0.000000e+00 : f32
    %broadcast_in_dim3A_56 = vector.shape_cast %broadcast_in_dim3A_43 : vector<1x256xf32> to vector<1x256xf32>
    %broadcast_in_dim3A_57 = vector.broadcast %broadcast_in_dim3A_56 : vector<1x256xf32> to vector<8x256xf32>
    %broadcast_in_dim3A_58 = vector.broadcast %jit3A_55 : f32 to vector<8x256xf32>
    %select_n3A_59 = arith.select %eq3A_54, %broadcast_in_dim3A_57, %broadcast_in_dim3A_58 : vector<8x256xi1>, vector<8x256xf32>
    %add3A_60 = arith.addf %select_n3A_51, %select_n3A_59 : vector<8x256xf32>
    %eq3A_61 = arith.constant 0 : i32
    %eq3A_62 = arith.cmpi eq, %arg0, %eq3A_61 : i32
    %convert_element_type3A = arith.extui %eq3A_62 : i1 to i32
    %cond3A = arith.constant 0 : i32
    %cond3A_63 = arith.cmpi ne, %convert_element_type3A, %cond3A : i32
    scf.if %cond3A_63 {
      %broadcast_in_dim3A_70 = arith.constant 0.000000e+00 : f32
      %broadcast_in_dim3A_71 = vector.broadcast %broadcast_in_dim3A_70 : f32 to vector<8x256xf32>
      %swap3A_72 = arith.constant 0 : index
      %swap3A_73 = arith.constant 0 : index
      %swap3A_74 = vector.load %arg5[%swap3A_72, %swap3A_73] : memref<8x256xf32, #tpu.memory_space<vmem>>, vector<8x256xf32>
      tpu.vector_store %arg5[%swap3A_72, %swap3A_73], %broadcast_in_dim3A_71 {strides = array<i32>} : memref<8x256xf32, #tpu.memory_space<vmem>>, vector<8x256xf32>,
    } else {
    }
    %get3A_64 = arith.constant 0 : index
    %get3A_65 = arith.constant 0 : index
    %get3A_66 = vector.load %arg5[%get3A_64, %get3A_65] : memref<8x256xf32, #tpu.memory_space<vmem>>, vector<8x256xf32>
    %add3A_67 = arith.addf %get3A_66, %add3A_60 : vector<8x256xf32>
    %swap3A = arith.constant 0 : index
    %swap3A_68 = arith.constant 0 : index
    %swap3A_69 = vector.load %arg5[%swap3A, %swap3A_68] : memref<8x256xf32, #tpu.memory_space<vmem>>, vector<8x256xf32>
    tpu.vector_store %arg5[%swap3A, %swap3A_68], %add3A_67 {strides = array<i32>} : memref<8x256xf32, #tpu.memory_space<vmem>>, vector<8x256xf32>,
    return
  }
  func.func @transform_0(%arg0: i32) -> (i32, i32) {
    %c0_i32 = arith.constant 0 : i32
    %c0_i32_0 = arith.constant 0 : i32
    return %arg0, %c0_i32 : i32, i32
  }
  func.func @transform_1(%arg0: i32) -> (i32, i32) {
    %c0_i32 = arith.constant 0 : i32
    %c0_i32_0 = arith.constant 0 : i32
    %c0_i32_1 = arith.constant 0 : i32
    return %c0_i32, %c0_i32_0 : i32, i32
  }
  func.func @transform_2(%arg0: i32) -> (i32, i32) {
    %c0_i32 = arith.constant 0 : i32
    %c0_i32_0 = arith.constant 0 : i32
    %c0_i32_1 = arith.constant 0 : i32
    return %c0_i32, %c0_i32_0 : i32, i32
  }
  func.func @transform_3(%arg0: i32) -> (i32, i32) {
    %c0_i32 = arith.constant 0 : i32
    %c0_i32_0 = arith.constant 0 : i32
    %c0_i32_1 = arith.constant 0 : i32
    return %c0_i32, %c0_i32_0 : i32, i32
  }
  func.func @transform_4(%arg0: i32) -> (i32, i32) {
    %c0_i32 = arith.constant 0 : i32
    %c0_i32_0 = arith.constant 0 : i32
    %c0_i32_1 = arith.constant 0 : i32
    return %c0_i32, %c0_i32_0 : i32, i32
  }
}

module attributes {stable_mosaic.version = 14 : i64} {
  func.func @_conv_kernel(%arg0: i32, %arg1: memref<256x1024xbf16, #tpu.memory_space<vmem>>, %arg2: memref<256x8xf32, #tpu.memory_space<vmem>>, %arg3: memref<8x64xf32, #tpu.memory_space<vmem>>, %arg4: memref<1x64xf32, #tpu.memory_space<vmem>>, %arg5: memref<64x32xf32, #tpu.memory_space<vmem>>, %arg6: memref<1x32xf32, #tpu.memory_space<vmem>>, %arg7: memref<512x16xf32, #tpu.memory_space<vmem>>, %arg8: memref<1x1xf32, #tpu.memory_space<vmem>>, %arg9: memref<16x1024xf32, #tpu.memory_space<vmem>>, %arg10: memref<1024x64xf32, #tpu.memory_space<vmem>>, %arg11: memref<64x256xf32, #tpu.memory_space<vmem>>, %arg12: memref<1x256xf32, #tpu.memory_space<vmem>>, %arg13: memref<256x64xf32, #tpu.memory_space<vmem>>, %arg14: memref<256x256xf32, #tpu.memory_space<vmem>>, %arg15: memref<8x256xf32, #tpu.memory_space<vmem>>) attributes {dimension_semantics = [#tpu.dimension_semantics<arbitrary>], iteration_bounds = array<i64: 208>, scalar_prefetch = 0 : i64, scratch_operands = 0 : i64, tpu.core_type = #tpu.core_type<tc>, window_params = [{transform_indices = @transform_0, window_bounds = array<i64: 256, 1024>}, {transform_indices = @transform_1, window_bounds = array<i64: 256, 8>}, {pipeline_mode = #tpu.pipeline_mode<synchronous>, transform_indices = @transform_2, window_bounds = array<i64: 8, 64>}, {pipeline_mode = #tpu.pipeline_mode<synchronous>, transform_indices = @transform_3, window_bounds = array<i64: 1, 64>}, {pipeline_mode = #tpu.pipeline_mode<synchronous>, transform_indices = @transform_4, window_bounds = array<i64: 64, 32>}, {pipeline_mode = #tpu.pipeline_mode<synchronous>, transform_indices = @transform_5, window_bounds = array<i64: 1, 32>}, {pipeline_mode = #tpu.pipeline_mode<synchronous>, transform_indices = @transform_6, window_bounds = array<i64: 512, 16>}, {pipeline_mode = #tpu.pipeline_mode<synchronous>, transform_indices = @transform_7, window_bounds = array<i64: 1, 1>}, {pipeline_mode = #tpu.pipeline_mode<synchronous>, transform_indices = @transform_8, window_bounds = array<i64: 16, 1024>}, {pipeline_mode = #tpu.pipeline_mode<synchronous>, transform_indices = @transform_9, window_bounds = array<i64: 1024, 64>}, {pipeline_mode = #tpu.pipeline_mode<synchronous>, transform_indices = @transform_10, window_bounds = array<i64: 64, 256>}, {pipeline_mode = #tpu.pipeline_mode<synchronous>, transform_indices = @transform_11, window_bounds = array<i64: 1, 256>}, {transform_indices = @transform_12, window_bounds = array<i64: 256, 64>}, {transform_indices = @transform_13, window_bounds = array<i64: 256, 256>}, {pipeline_mode = #tpu.pipeline_mode<synchronous>, transform_indices = @transform_14, window_bounds = array<i64: 8, 256>}]} {
    %get3A = arith.constant 0 : index
    %get3A_0 = arith.constant 0 : index
    %get3A_1 = vector.load %arg4[%get3A, %get3A_0] : memref<1x64xf32, #tpu.memory_space<vmem>>, vector<1x64xf32>
    %get3A_2 = arith.constant 0 : index
    %get3A_3 = arith.constant 0 : index
    %get3A_4 = vector.load %arg2[%get3A_2, %get3A_3] : memref<256x8xf32, #tpu.memory_space<vmem>>, vector<256x8xf32>
    %get3A_5 = arith.constant 0 : index
    %get3A_6 = arith.constant 0 : index
    %get3A_7 = vector.load %arg3[%get3A_5, %get3A_6] : memref<8x64xf32, #tpu.memory_space<vmem>>, vector<8x64xf32>
    %dot_general3A = arith.constant dense<0.000000e+00> : vector<256x64xf32>
    %dot_general3A_8 = tpu.matmul %get3A_4, %get3A_7, %dot_general3A {dimension_numbers = #tpu.dot_dimension_numbers<[1], [0], [0], [1], [0, 0, 1, 1], [], []>, precision = #tpu.contract_precision<fp32>, transpose_lhs_hint = false} : vector<256x8xf32>, vector<8x64xf32>, vector<256x64xf32> -> vector<256x64xf32>
    %sub3A = vector.broadcast %get3A_1 : vector<1x64xf32> to vector<256x64xf32>
    %sub3A_9 = arith.subf %sub3A, %dot_general3A_8 : vector<256x64xf32>
    %get3A_10 = arith.constant 0 : index
    %get3A_11 = arith.constant 0 : index
    %get3A_12 = vector.load %arg5[%get3A_10, %get3A_11] : memref<64x32xf32, #tpu.memory_space<vmem>>, vector<64x32xf32>
    %dot_general3A_13 = arith.constant dense<0.000000e+00> : vector<256x32xf32>
    %dot_general3A_14 = tpu.matmul %sub3A_9, %get3A_12, %dot_general3A_13 {dimension_numbers = #tpu.dot_dimension_numbers<[1], [0], [0], [1], [0, 0, 1, 1], [], []>, precision = #tpu.contract_precision<fp32>, transpose_lhs_hint = false} : vector<256x64xf32>, vector<64x32xf32>, vector<256x32xf32> -> vector<256x32xf32>
    %get3A_15 = arith.constant 0 : index
    %get3A_16 = arith.constant 0 : index
    %get3A_17 = vector.load %arg6[%get3A_15, %get3A_16] : memref<1x32xf32, #tpu.memory_space<vmem>>, vector<1x32xf32>
    %add3A = vector.broadcast %get3A_17 : vector<1x32xf32> to vector<256x32xf32>
    %add3A_18 = arith.addf %dot_general3A_14, %add3A : vector<256x32xf32>
    %get3A_19 = arith.constant 0 : index
    %get3A_20 = arith.constant 0 : index
    %get3A_21 = vector.load %arg1[%get3A_19, %get3A_20] : memref<256x1024xbf16, #tpu.memory_space<vmem>>, vector<256x1024xbf16>
    %convert_element_type3A = arith.extf %get3A_21 : vector<256x1024xbf16> to vector<256x1024xf32>
    %broadcast_in_dim3A = arith.constant 0.000000e+00 : f32
    %broadcast_in_dim3A_22 = vector.broadcast %broadcast_in_dim3A : f32 to vector<256x16xf32>
    %slice3A = vector.extract_strided_slice %convert_element_type3A {offsets = [0, 0], sizes = [256, 64], strides = [1, 1]} : vector<256x1024xf32> to vector<256x64xf32>
    %get3A_23 = arith.constant 0 : index
    %get3A_24 = arith.constant 0 : index
    %get3A_25 = vector.load %arg5[%get3A_23, %get3A_24] : memref<64x32xf32, #tpu.memory_space<vmem>>, vector<64x32xf32>
    %dot_general3A_26 = arith.constant dense<0.000000e+00> : vector<256x32xf32>
    %dot_general3A_27 = tpu.matmul %slice3A, %get3A_25, %dot_general3A_26 {dimension_numbers = #tpu.dot_dimension_numbers<[1], [0], [0], [1], [0, 0, 1, 1], [], []>, precision = #tpu.contract_precision<fp32>, transpose_lhs_hint = false} : vector<256x64xf32>, vector<64x32xf32>, vector<256x32xf32> -> vector<256x32xf32>
    %add3A_28 = arith.addf %dot_general3A_27, %add3A_18 : vector<256x32xf32>
    %max3A = arith.constant 0.000000e+00 : f32
    %max3A_29 = vector.broadcast %max3A : f32 to vector<256x32xf32>
    %max3A_30 = arith.maximumf %add3A_28, %max3A_29 : vector<256x32xf32>
    %get3A_31 = arith.constant 0 : index
    %get3A_32 = arith.constant 0 : index
    %get3A_33 = vector.load %arg7[%get3A_31, %get3A_32] : memref<512x16xf32, #tpu.memory_space<vmem>>, vector<32x16xf32>
    %dot_general3A_34 = arith.constant dense<0.000000e+00> : vector<256x16xf32>
    %dot_general3A_35 = tpu.matmul %max3A_30, %get3A_33, %dot_general3A_34 {dimension_numbers = #tpu.dot_dimension_numbers<[1], [0], [0], [1], [0, 0, 1, 1], [], []>, precision = #tpu.contract_precision<fp32>, transpose_lhs_hint = false} : vector<256x32xf32>, vector<32x16xf32>, vector<256x16xf32> -> vector<256x16xf32>
    %add3A_36 = arith.addf %broadcast_in_dim3A_22, %dot_general3A_35 : vector<256x16xf32>
    %slice3A_37 = vector.extract_strided_slice %convert_element_type3A {offsets = [0, 64], sizes = [256, 64], strides = [1, 1]} : vector<256x1024xf32> to vector<256x64xf32>
    %get3A_38 = arith.constant 0 : index
    %get3A_39 = arith.constant 0 : index
    %get3A_40 = vector.load %arg5[%get3A_38, %get3A_39] : memref<64x32xf32, #tpu.memory_space<vmem>>, vector<64x32xf32>
    %dot_general3A_41 = arith.constant dense<0.000000e+00> : vector<256x32xf32>
    %dot_general3A_42 = tpu.matmul %slice3A_37, %get3A_40, %dot_general3A_41 {dimension_numbers = #tpu.dot_dimension_numbers<[1], [0], [0], [1], [0, 0, 1, 1], [], []>, precision = #tpu.contract_precision<fp32>, transpose_lhs_hint = false} : vector<256x64xf32>, vector<64x32xf32>, vector<256x32xf32> -> vector<256x32xf32>
    %add3A_43 = arith.addf %dot_general3A_42, %add3A_18 : vector<256x32xf32>
    %max3A_44 = arith.constant 0.000000e+00 : f32
    %max3A_45 = vector.broadcast %max3A_44 : f32 to vector<256x32xf32>
    %max3A_46 = arith.maximumf %add3A_43, %max3A_45 : vector<256x32xf32>
    %get3A_47 = arith.constant 32 : index
    %get3A_48 = arith.constant 0 : index
    %get3A_49 = vector.load %arg7[%get3A_47, %get3A_48] : memref<512x16xf32, #tpu.memory_space<vmem>>, vector<32x16xf32>
    %dot_general3A_50 = arith.constant dense<0.000000e+00> : vector<256x16xf32>
    %dot_general3A_51 = tpu.matmul %max3A_46, %get3A_49, %dot_general3A_50 {dimension_numbers = #tpu.dot_dimension_numbers<[1], [0], [0], [1], [0, 0, 1, 1], [], []>, precision = #tpu.contract_precision<fp32>, transpose_lhs_hint = false} : vector<256x32xf32>, vector<32x16xf32>, vector<256x16xf32> -> vector<256x16xf32>
    %add3A_52 = arith.addf %add3A_36, %dot_general3A_51 : vector<256x16xf32>
    %slice3A_53 = vector.extract_strided_slice %convert_element_type3A {offsets = [0, 128], sizes = [256, 64], strides = [1, 1]} : vector<256x1024xf32> to vector<256x64xf32>
    %get3A_54 = arith.constant 0 : index
    %get3A_55 = arith.constant 0 : index
    %get3A_56 = vector.load %arg5[%get3A_54, %get3A_55] : memref<64x32xf32, #tpu.memory_space<vmem>>, vector<64x32xf32>
    %dot_general3A_57 = arith.constant dense<0.000000e+00> : vector<256x32xf32>
    %dot_general3A_58 = tpu.matmul %slice3A_53, %get3A_56, %dot_general3A_57 {dimension_numbers = #tpu.dot_dimension_numbers<[1], [0], [0], [1], [0, 0, 1, 1], [], []>, precision = #tpu.contract_precision<fp32>, transpose_lhs_hint = false} : vector<256x64xf32>, vector<64x32xf32>, vector<256x32xf32> -> vector<256x32xf32>
    %add3A_59 = arith.addf %dot_general3A_58, %add3A_18 : vector<256x32xf32>
    %max3A_60 = arith.constant 0.000000e+00 : f32
    %max3A_61 = vector.broadcast %max3A_60 : f32 to vector<256x32xf32>
    %max3A_62 = arith.maximumf %add3A_59, %max3A_61 : vector<256x32xf32>
    %get3A_63 = arith.constant 64 : index
    %get3A_64 = arith.constant 0 : index
    %get3A_65 = vector.load %arg7[%get3A_63, %get3A_64] : memref<512x16xf32, #tpu.memory_space<vmem>>, vector<32x16xf32>
    %dot_general3A_66 = arith.constant dense<0.000000e+00> : vector<256x16xf32>
    %dot_general3A_67 = tpu.matmul %max3A_62, %get3A_65, %dot_general3A_66 {dimension_numbers = #tpu.dot_dimension_numbers<[1], [0], [0], [1], [0, 0, 1, 1], [], []>, precision = #tpu.contract_precision<fp32>, transpose_lhs_hint = false} : vector<256x32xf32>, vector<32x16xf32>, vector<256x16xf32> -> vector<256x16xf32>
    %add3A_68 = arith.addf %add3A_52, %dot_general3A_67 : vector<256x16xf32>
    %slice3A_69 = vector.extract_strided_slice %convert_element_type3A {offsets = [0, 192], sizes = [256, 64], strides = [1, 1]} : vector<256x1024xf32> to vector<256x64xf32>
    %get3A_70 = arith.constant 0 : index
    %get3A_71 = arith.constant 0 : index
    %get3A_72 = vector.load %arg5[%get3A_70, %get3A_71] : memref<64x32xf32, #tpu.memory_space<vmem>>, vector<64x32xf32>
    %dot_general3A_73 = arith.constant dense<0.000000e+00> : vector<256x32xf32>
    %dot_general3A_74 = tpu.matmul %slice3A_69, %get3A_72, %dot_general3A_73 {dimension_numbers = #tpu.dot_dimension_numbers<[1], [0], [0], [1], [0, 0, 1, 1], [], []>, precision = #tpu.contract_precision<fp32>, transpose_lhs_hint = false} : vector<256x64xf32>, vector<64x32xf32>, vector<256x32xf32> -> vector<256x32xf32>
    %add3A_75 = arith.addf %dot_general3A_74, %add3A_18 : vector<256x32xf32>
    %max3A_76 = arith.constant 0.000000e+00 : f32
    %max3A_77 = vector.broadcast %max3A_76 : f32 to vector<256x32xf32>
    %max3A_78 = arith.maximumf %add3A_75, %max3A_77 : vector<256x32xf32>
    %get3A_79 = arith.constant 96 : index
    %get3A_80 = arith.constant 0 : index
    %get3A_81 = vector.load %arg7[%get3A_79, %get3A_80] : memref<512x16xf32, #tpu.memory_space<vmem>>, vector<32x16xf32>
    %dot_general3A_82 = arith.constant dense<0.000000e+00> : vector<256x16xf32>
    %dot_general3A_83 = tpu.matmul %max3A_78, %get3A_81, %dot_general3A_82 {dimension_numbers = #tpu.dot_dimension_numbers<[1], [0], [0], [1], [0, 0, 1, 1], [], []>, precision = #tpu.contract_precision<fp32>, transpose_lhs_hint = false} : vector<256x32xf32>, vector<32x16xf32>, vector<256x16xf32> -> vector<256x16xf32>
    %add3A_84 = arith.addf %add3A_68, %dot_general3A_83 : vector<256x16xf32>
    %slice3A_85 = vector.extract_strided_slice %convert_element_type3A {offsets = [0, 256], sizes = [256, 64], strides = [1, 1]} : vector<256x1024xf32> to vector<256x64xf32>
    %get3A_86 = arith.constant 0 : index
    %get3A_87 = arith.constant 0 : index
    %get3A_88 = vector.load %arg5[%get3A_86, %get3A_87] : memref<64x32xf32, #tpu.memory_space<vmem>>, vector<64x32xf32>
    %dot_general3A_89 = arith.constant dense<0.000000e+00> : vector<256x32xf32>
    %dot_general3A_90 = tpu.matmul %slice3A_85, %get3A_88, %dot_general3A_89 {dimension_numbers = #tpu.dot_dimension_numbers<[1], [0], [0], [1], [0, 0, 1, 1], [], []>, precision = #tpu.contract_precision<fp32>, transpose_lhs_hint = false} : vector<256x64xf32>, vector<64x32xf32>, vector<256x32xf32> -> vector<256x32xf32>
    %add3A_91 = arith.addf %dot_general3A_90, %add3A_18 : vector<256x32xf32>
    %max3A_92 = arith.constant 0.000000e+00 : f32
    %max3A_93 = vector.broadcast %max3A_92 : f32 to vector<256x32xf32>
    %max3A_94 = arith.maximumf %add3A_91, %max3A_93 : vector<256x32xf32>
    %get3A_95 = arith.constant 128 : index
    %get3A_96 = arith.constant 0 : index
    %get3A_97 = vector.load %arg7[%get3A_95, %get3A_96] : memref<512x16xf32, #tpu.memory_space<vmem>>, vector<32x16xf32>
    %dot_general3A_98 = arith.constant dense<0.000000e+00> : vector<256x16xf32>
    %dot_general3A_99 = tpu.matmul %max3A_94, %get3A_97, %dot_general3A_98 {dimension_numbers = #tpu.dot_dimension_numbers<[1], [0], [0], [1], [0, 0, 1, 1], [], []>, precision = #tpu.contract_precision<fp32>, transpose_lhs_hint = false} : vector<256x32xf32>, vector<32x16xf32>, vector<256x16xf32> -> vector<256x16xf32>
    %add3A_100 = arith.addf %add3A_84, %dot_general3A_99 : vector<256x16xf32>
    %slice3A_101 = vector.extract_strided_slice %convert_element_type3A {offsets = [0, 320], sizes = [256, 64], strides = [1, 1]} : vector<256x1024xf32> to vector<256x64xf32>
    %get3A_102 = arith.constant 0 : index
    %get3A_103 = arith.constant 0 : index
    %get3A_104 = vector.load %arg5[%get3A_102, %get3A_103] : memref<64x32xf32, #tpu.memory_space<vmem>>, vector<64x32xf32>
    %dot_general3A_105 = arith.constant dense<0.000000e+00> : vector<256x32xf32>
    %dot_general3A_106 = tpu.matmul %slice3A_101, %get3A_104, %dot_general3A_105 {dimension_numbers = #tpu.dot_dimension_numbers<[1], [0], [0], [1], [0, 0, 1, 1], [], []>, precision = #tpu.contract_precision<fp32>, transpose_lhs_hint = false} : vector<256x64xf32>, vector<64x32xf32>, vector<256x32xf32> -> vector<256x32xf32>
    %add3A_107 = arith.addf %dot_general3A_106, %add3A_18 : vector<256x32xf32>
    %max3A_108 = arith.constant 0.000000e+00 : f32
    %max3A_109 = vector.broadcast %max3A_108 : f32 to vector<256x32xf32>
    %max3A_110 = arith.maximumf %add3A_107, %max3A_109 : vector<256x32xf32>
    %get3A_111 = arith.constant 160 : index
    %get3A_112 = arith.constant 0 : index
    %get3A_113 = vector.load %arg7[%get3A_111, %get3A_112] : memref<512x16xf32, #tpu.memory_space<vmem>>, vector<32x16xf32>
    %dot_general3A_114 = arith.constant dense<0.000000e+00> : vector<256x16xf32>
    %dot_general3A_115 = tpu.matmul %max3A_110, %get3A_113, %dot_general3A_114 {dimension_numbers = #tpu.dot_dimension_numbers<[1], [0], [0], [1], [0, 0, 1, 1], [], []>, precision = #tpu.contract_precision<fp32>, transpose_lhs_hint = false} : vector<256x32xf32>, vector<32x16xf32>, vector<256x16xf32> -> vector<256x16xf32>
    %add3A_116 = arith.addf %add3A_100, %dot_general3A_115 : vector<256x16xf32>
    %slice3A_117 = vector.extract_strided_slice %convert_element_type3A {offsets = [0, 384], sizes = [256, 64], strides = [1, 1]} : vector<256x1024xf32> to vector<256x64xf32>
    %get3A_118 = arith.constant 0 : index
    %get3A_119 = arith.constant 0 : index
    %get3A_120 = vector.load %arg5[%get3A_118, %get3A_119] : memref<64x32xf32, #tpu.memory_space<vmem>>, vector<64x32xf32>
    %dot_general3A_121 = arith.constant dense<0.000000e+00> : vector<256x32xf32>
    %dot_general3A_122 = tpu.matmul %slice3A_117, %get3A_120, %dot_general3A_121 {dimension_numbers = #tpu.dot_dimension_numbers<[1], [0], [0], [1], [0, 0, 1, 1], [], []>, precision = #tpu.contract_precision<fp32>, transpose_lhs_hint = false} : vector<256x64xf32>, vector<64x32xf32>, vector<256x32xf32> -> vector<256x32xf32>
    %add3A_123 = arith.addf %dot_general3A_122, %add3A_18 : vector<256x32xf32>
    %max3A_124 = arith.constant 0.000000e+00 : f32
    %max3A_125 = vector.broadcast %max3A_124 : f32 to vector<256x32xf32>
    %max3A_126 = arith.maximumf %add3A_123, %max3A_125 : vector<256x32xf32>
    %get3A_127 = arith.constant 192 : index
    %get3A_128 = arith.constant 0 : index
    %get3A_129 = vector.load %arg7[%get3A_127, %get3A_128] : memref<512x16xf32, #tpu.memory_space<vmem>>, vector<32x16xf32>
    %dot_general3A_130 = arith.constant dense<0.000000e+00> : vector<256x16xf32>
    %dot_general3A_131 = tpu.matmul %max3A_126, %get3A_129, %dot_general3A_130 {dimension_numbers = #tpu.dot_dimension_numbers<[1], [0], [0], [1], [0, 0, 1, 1], [], []>, precision = #tpu.contract_precision<fp32>, transpose_lhs_hint = false} : vector<256x32xf32>, vector<32x16xf32>, vector<256x16xf32> -> vector<256x16xf32>
    %add3A_132 = arith.addf %add3A_116, %dot_general3A_131 : vector<256x16xf32>
    %slice3A_133 = vector.extract_strided_slice %convert_element_type3A {offsets = [0, 448], sizes = [256, 64], strides = [1, 1]} : vector<256x1024xf32> to vector<256x64xf32>
    %get3A_134 = arith.constant 0 : index
    %get3A_135 = arith.constant 0 : index
    %get3A_136 = vector.load %arg5[%get3A_134, %get3A_135] : memref<64x32xf32, #tpu.memory_space<vmem>>, vector<64x32xf32>
    %dot_general3A_137 = arith.constant dense<0.000000e+00> : vector<256x32xf32>
    %dot_general3A_138 = tpu.matmul %slice3A_133, %get3A_136, %dot_general3A_137 {dimension_numbers = #tpu.dot_dimension_numbers<[1], [0], [0], [1], [0, 0, 1, 1], [], []>, precision = #tpu.contract_precision<fp32>, transpose_lhs_hint = false} : vector<256x64xf32>, vector<64x32xf32>, vector<256x32xf32> -> vector<256x32xf32>
    %add3A_139 = arith.addf %dot_general3A_138, %add3A_18 : vector<256x32xf32>
    %max3A_140 = arith.constant 0.000000e+00 : f32
    %max3A_141 = vector.broadcast %max3A_140 : f32 to vector<256x32xf32>
    %max3A_142 = arith.maximumf %add3A_139, %max3A_141 : vector<256x32xf32>
    %get3A_143 = arith.constant 224 : index
    %get3A_144 = arith.constant 0 : index
    %get3A_145 = vector.load %arg7[%get3A_143, %get3A_144] : memref<512x16xf32, #tpu.memory_space<vmem>>, vector<32x16xf32>
    %dot_general3A_146 = arith.constant dense<0.000000e+00> : vector<256x16xf32>
    %dot_general3A_147 = tpu.matmul %max3A_142, %get3A_145, %dot_general3A_146 {dimension_numbers = #tpu.dot_dimension_numbers<[1], [0], [0], [1], [0, 0, 1, 1], [], []>, precision = #tpu.contract_precision<fp32>, transpose_lhs_hint = false} : vector<256x32xf32>, vector<32x16xf32>, vector<256x16xf32> -> vector<256x16xf32>
    %add3A_148 = arith.addf %add3A_132, %dot_general3A_147 : vector<256x16xf32>
    %slice3A_149 = vector.extract_strided_slice %convert_element_type3A {offsets = [0, 512], sizes = [256, 64], strides = [1, 1]} : vector<256x1024xf32> to vector<256x64xf32>
    %get3A_150 = arith.constant 0 : index
    %get3A_151 = arith.constant 0 : index
    %get3A_152 = vector.load %arg5[%get3A_150, %get3A_151] : memref<64x32xf32, #tpu.memory_space<vmem>>, vector<64x32xf32>
    %dot_general3A_153 = arith.constant dense<0.000000e+00> : vector<256x32xf32>
    %dot_general3A_154 = tpu.matmul %slice3A_149, %get3A_152, %dot_general3A_153 {dimension_numbers = #tpu.dot_dimension_numbers<[1], [0], [0], [1], [0, 0, 1, 1], [], []>, precision = #tpu.contract_precision<fp32>, transpose_lhs_hint = false} : vector<256x64xf32>, vector<64x32xf32>, vector<256x32xf32> -> vector<256x32xf32>
    %add3A_155 = arith.addf %dot_general3A_154, %add3A_18 : vector<256x32xf32>
    %max3A_156 = arith.constant 0.000000e+00 : f32
    %max3A_157 = vector.broadcast %max3A_156 : f32 to vector<256x32xf32>
    %max3A_158 = arith.maximumf %add3A_155, %max3A_157 : vector<256x32xf32>
    %get3A_159 = arith.constant 256 : index
    %get3A_160 = arith.constant 0 : index
    %get3A_161 = vector.load %arg7[%get3A_159, %get3A_160] : memref<512x16xf32, #tpu.memory_space<vmem>>, vector<32x16xf32>
    %dot_general3A_162 = arith.constant dense<0.000000e+00> : vector<256x16xf32>
    %dot_general3A_163 = tpu.matmul %max3A_158, %get3A_161, %dot_general3A_162 {dimension_numbers = #tpu.dot_dimension_numbers<[1], [0], [0], [1], [0, 0, 1, 1], [], []>, precision = #tpu.contract_precision<fp32>, transpose_lhs_hint = false} : vector<256x32xf32>, vector<32x16xf32>, vector<256x16xf32> -> vector<256x16xf32>
    %add3A_164 = arith.addf %add3A_148, %dot_general3A_163 : vector<256x16xf32>
    %slice3A_165 = vector.extract_strided_slice %convert_element_type3A {offsets = [0, 576], sizes = [256, 64], strides = [1, 1]} : vector<256x1024xf32> to vector<256x64xf32>
    %get3A_166 = arith.constant 0 : index
    %get3A_167 = arith.constant 0 : index
    %get3A_168 = vector.load %arg5[%get3A_166, %get3A_167] : memref<64x32xf32, #tpu.memory_space<vmem>>, vector<64x32xf32>
    %dot_general3A_169 = arith.constant dense<0.000000e+00> : vector<256x32xf32>
    %dot_general3A_170 = tpu.matmul %slice3A_165, %get3A_168, %dot_general3A_169 {dimension_numbers = #tpu.dot_dimension_numbers<[1], [0], [0], [1], [0, 0, 1, 1], [], []>, precision = #tpu.contract_precision<fp32>, transpose_lhs_hint = false} : vector<256x64xf32>, vector<64x32xf32>, vector<256x32xf32> -> vector<256x32xf32>
    %add3A_171 = arith.addf %dot_general3A_170, %add3A_18 : vector<256x32xf32>
    %max3A_172 = arith.constant 0.000000e+00 : f32
    %max3A_173 = vector.broadcast %max3A_172 : f32 to vector<256x32xf32>
    %max3A_174 = arith.maximumf %add3A_171, %max3A_173 : vector<256x32xf32>
    %get3A_175 = arith.constant 288 : index
    %get3A_176 = arith.constant 0 : index
    %get3A_177 = vector.load %arg7[%get3A_175, %get3A_176] : memref<512x16xf32, #tpu.memory_space<vmem>>, vector<32x16xf32>
    %dot_general3A_178 = arith.constant dense<0.000000e+00> : vector<256x16xf32>
    %dot_general3A_179 = tpu.matmul %max3A_174, %get3A_177, %dot_general3A_178 {dimension_numbers = #tpu.dot_dimension_numbers<[1], [0], [0], [1], [0, 0, 1, 1], [], []>, precision = #tpu.contract_precision<fp32>, transpose_lhs_hint = false} : vector<256x32xf32>, vector<32x16xf32>, vector<256x16xf32> -> vector<256x16xf32>
    %add3A_180 = arith.addf %add3A_164, %dot_general3A_179 : vector<256x16xf32>
    %slice3A_181 = vector.extract_strided_slice %convert_element_type3A {offsets = [0, 640], sizes = [256, 64], strides = [1, 1]} : vector<256x1024xf32> to vector<256x64xf32>
    %get3A_182 = arith.constant 0 : index
    %get3A_183 = arith.constant 0 : index
    %get3A_184 = vector.load %arg5[%get3A_182, %get3A_183] : memref<64x32xf32, #tpu.memory_space<vmem>>, vector<64x32xf32>
    %dot_general3A_185 = arith.constant dense<0.000000e+00> : vector<256x32xf32>
    %dot_general3A_186 = tpu.matmul %slice3A_181, %get3A_184, %dot_general3A_185 {dimension_numbers = #tpu.dot_dimension_numbers<[1], [0], [0], [1], [0, 0, 1, 1], [], []>, precision = #tpu.contract_precision<fp32>, transpose_lhs_hint = false} : vector<256x64xf32>, vector<64x32xf32>, vector<256x32xf32> -> vector<256x32xf32>
    %add3A_187 = arith.addf %dot_general3A_186, %add3A_18 : vector<256x32xf32>
    %max3A_188 = arith.constant 0.000000e+00 : f32
    %max3A_189 = vector.broadcast %max3A_188 : f32 to vector<256x32xf32>
    %max3A_190 = arith.maximumf %add3A_187, %max3A_189 : vector<256x32xf32>
    %get3A_191 = arith.constant 320 : index
    %get3A_192 = arith.constant 0 : index
    %get3A_193 = vector.load %arg7[%get3A_191, %get3A_192] : memref<512x16xf32, #tpu.memory_space<vmem>>, vector<32x16xf32>
    %dot_general3A_194 = arith.constant dense<0.000000e+00> : vector<256x16xf32>
    %dot_general3A_195 = tpu.matmul %max3A_190, %get3A_193, %dot_general3A_194 {dimension_numbers = #tpu.dot_dimension_numbers<[1], [0], [0], [1], [0, 0, 1, 1], [], []>, precision = #tpu.contract_precision<fp32>, transpose_lhs_hint = false} : vector<256x32xf32>, vector<32x16xf32>, vector<256x16xf32> -> vector<256x16xf32>
    %add3A_196 = arith.addf %add3A_180, %dot_general3A_195 : vector<256x16xf32>
    %slice3A_197 = vector.extract_strided_slice %convert_element_type3A {offsets = [0, 704], sizes = [256, 64], strides = [1, 1]} : vector<256x1024xf32> to vector<256x64xf32>
    %get3A_198 = arith.constant 0 : index
    %get3A_199 = arith.constant 0 : index
    %get3A_200 = vector.load %arg5[%get3A_198, %get3A_199] : memref<64x32xf32, #tpu.memory_space<vmem>>, vector<64x32xf32>
    %dot_general3A_201 = arith.constant dense<0.000000e+00> : vector<256x32xf32>
    %dot_general3A_202 = tpu.matmul %slice3A_197, %get3A_200, %dot_general3A_201 {dimension_numbers = #tpu.dot_dimension_numbers<[1], [0], [0], [1], [0, 0, 1, 1], [], []>, precision = #tpu.contract_precision<fp32>, transpose_lhs_hint = false} : vector<256x64xf32>, vector<64x32xf32>, vector<256x32xf32> -> vector<256x32xf32>
    %add3A_203 = arith.addf %dot_general3A_202, %add3A_18 : vector<256x32xf32>
    %max3A_204 = arith.constant 0.000000e+00 : f32
    %max3A_205 = vector.broadcast %max3A_204 : f32 to vector<256x32xf32>
    %max3A_206 = arith.maximumf %add3A_203, %max3A_205 : vector<256x32xf32>
    %get3A_207 = arith.constant 352 : index
    %get3A_208 = arith.constant 0 : index
    %get3A_209 = vector.load %arg7[%get3A_207, %get3A_208] : memref<512x16xf32, #tpu.memory_space<vmem>>, vector<32x16xf32>
    %dot_general3A_210 = arith.constant dense<0.000000e+00> : vector<256x16xf32>
    %dot_general3A_211 = tpu.matmul %max3A_206, %get3A_209, %dot_general3A_210 {dimension_numbers = #tpu.dot_dimension_numbers<[1], [0], [0], [1], [0, 0, 1, 1], [], []>, precision = #tpu.contract_precision<fp32>, transpose_lhs_hint = false} : vector<256x32xf32>, vector<32x16xf32>, vector<256x16xf32> -> vector<256x16xf32>
    %add3A_212 = arith.addf %add3A_196, %dot_general3A_211 : vector<256x16xf32>
    %slice3A_213 = vector.extract_strided_slice %convert_element_type3A {offsets = [0, 768], sizes = [256, 64], strides = [1, 1]} : vector<256x1024xf32> to vector<256x64xf32>
    %get3A_214 = arith.constant 0 : index
    %get3A_215 = arith.constant 0 : index
    %get3A_216 = vector.load %arg5[%get3A_214, %get3A_215] : memref<64x32xf32, #tpu.memory_space<vmem>>, vector<64x32xf32>
    %dot_general3A_217 = arith.constant dense<0.000000e+00> : vector<256x32xf32>
    %dot_general3A_218 = tpu.matmul %slice3A_213, %get3A_216, %dot_general3A_217 {dimension_numbers = #tpu.dot_dimension_numbers<[1], [0], [0], [1], [0, 0, 1, 1], [], []>, precision = #tpu.contract_precision<fp32>, transpose_lhs_hint = false} : vector<256x64xf32>, vector<64x32xf32>, vector<256x32xf32> -> vector<256x32xf32>
    %add3A_219 = arith.addf %dot_general3A_218, %add3A_18 : vector<256x32xf32>
    %max3A_220 = arith.constant 0.000000e+00 : f32
    %max3A_221 = vector.broadcast %max3A_220 : f32 to vector<256x32xf32>
    %max3A_222 = arith.maximumf %add3A_219, %max3A_221 : vector<256x32xf32>
    %get3A_223 = arith.constant 384 : index
    %get3A_224 = arith.constant 0 : index
    %get3A_225 = vector.load %arg7[%get3A_223, %get3A_224] : memref<512x16xf32, #tpu.memory_space<vmem>>, vector<32x16xf32>
    %dot_general3A_226 = arith.constant dense<0.000000e+00> : vector<256x16xf32>
    %dot_general3A_227 = tpu.matmul %max3A_222, %get3A_225, %dot_general3A_226 {dimension_numbers = #tpu.dot_dimension_numbers<[1], [0], [0], [1], [0, 0, 1, 1], [], []>, precision = #tpu.contract_precision<fp32>, transpose_lhs_hint = false} : vector<256x32xf32>, vector<32x16xf32>, vector<256x16xf32> -> vector<256x16xf32>
    %add3A_228 = arith.addf %add3A_212, %dot_general3A_227 : vector<256x16xf32>
    %slice3A_229 = vector.extract_strided_slice %convert_element_type3A {offsets = [0, 832], sizes = [256, 64], strides = [1, 1]} : vector<256x1024xf32> to vector<256x64xf32>
    %get3A_230 = arith.constant 0 : index
    %get3A_231 = arith.constant 0 : index
    %get3A_232 = vector.load %arg5[%get3A_230, %get3A_231] : memref<64x32xf32, #tpu.memory_space<vmem>>, vector<64x32xf32>
    %dot_general3A_233 = arith.constant dense<0.000000e+00> : vector<256x32xf32>
    %dot_general3A_234 = tpu.matmul %slice3A_229, %get3A_232, %dot_general3A_233 {dimension_numbers = #tpu.dot_dimension_numbers<[1], [0], [0], [1], [0, 0, 1, 1], [], []>, precision = #tpu.contract_precision<fp32>, transpose_lhs_hint = false} : vector<256x64xf32>, vector<64x32xf32>, vector<256x32xf32> -> vector<256x32xf32>
    %add3A_235 = arith.addf %dot_general3A_234, %add3A_18 : vector<256x32xf32>
    %max3A_236 = arith.constant 0.000000e+00 : f32
    %max3A_237 = vector.broadcast %max3A_236 : f32 to vector<256x32xf32>
    %max3A_238 = arith.maximumf %add3A_235, %max3A_237 : vector<256x32xf32>
    %get3A_239 = arith.constant 416 : index
    %get3A_240 = arith.constant 0 : index
    %get3A_241 = vector.load %arg7[%get3A_239, %get3A_240] : memref<512x16xf32, #tpu.memory_space<vmem>>, vector<32x16xf32>
    %dot_general3A_242 = arith.constant dense<0.000000e+00> : vector<256x16xf32>
    %dot_general3A_243 = tpu.matmul %max3A_238, %get3A_241, %dot_general3A_242 {dimension_numbers = #tpu.dot_dimension_numbers<[1], [0], [0], [1], [0, 0, 1, 1], [], []>, precision = #tpu.contract_precision<fp32>, transpose_lhs_hint = false} : vector<256x32xf32>, vector<32x16xf32>, vector<256x16xf32> -> vector<256x16xf32>
    %add3A_244 = arith.addf %add3A_228, %dot_general3A_243 : vector<256x16xf32>
    %slice3A_245 = vector.extract_strided_slice %convert_element_type3A {offsets = [0, 896], sizes = [256, 64], strides = [1, 1]} : vector<256x1024xf32> to vector<256x64xf32>
    %get3A_246 = arith.constant 0 : index
    %get3A_247 = arith.constant 0 : index
    %get3A_248 = vector.load %arg5[%get3A_246, %get3A_247] : memref<64x32xf32, #tpu.memory_space<vmem>>, vector<64x32xf32>
    %dot_general3A_249 = arith.constant dense<0.000000e+00> : vector<256x32xf32>
    %dot_general3A_250 = tpu.matmul %slice3A_245, %get3A_248, %dot_general3A_249 {dimension_numbers = #tpu.dot_dimension_numbers<[1], [0], [0], [1], [0, 0, 1, 1], [], []>, precision = #tpu.contract_precision<fp32>, transpose_lhs_hint = false} : vector<256x64xf32>, vector<64x32xf32>, vector<256x32xf32> -> vector<256x32xf32>
    %add3A_251 = arith.addf %dot_general3A_250, %add3A_18 : vector<256x32xf32>
    %max3A_252 = arith.constant 0.000000e+00 : f32
    %max3A_253 = vector.broadcast %max3A_252 : f32 to vector<256x32xf32>
    %max3A_254 = arith.maximumf %add3A_251, %max3A_253 : vector<256x32xf32>
    %get3A_255 = arith.constant 448 : index
    %get3A_256 = arith.constant 0 : index
    %get3A_257 = vector.load %arg7[%get3A_255, %get3A_256] : memref<512x16xf32, #tpu.memory_space<vmem>>, vector<32x16xf32>
    %dot_general3A_258 = arith.constant dense<0.000000e+00> : vector<256x16xf32>
    %dot_general3A_259 = tpu.matmul %max3A_254, %get3A_257, %dot_general3A_258 {dimension_numbers = #tpu.dot_dimension_numbers<[1], [0], [0], [1], [0, 0, 1, 1], [], []>, precision = #tpu.contract_precision<fp32>, transpose_lhs_hint = false} : vector<256x32xf32>, vector<32x16xf32>, vector<256x16xf32> -> vector<256x16xf32>
    %add3A_260 = arith.addf %add3A_244, %dot_general3A_259 : vector<256x16xf32>
    %slice3A_261 = vector.extract_strided_slice %convert_element_type3A {offsets = [0, 960], sizes = [256, 64], strides = [1, 1]} : vector<256x1024xf32> to vector<256x64xf32>
    %get3A_262 = arith.constant 0 : index
    %get3A_263 = arith.constant 0 : index
    %get3A_264 = vector.load %arg5[%get3A_262, %get3A_263] : memref<64x32xf32, #tpu.memory_space<vmem>>, vector<64x32xf32>
    %dot_general3A_265 = arith.constant dense<0.000000e+00> : vector<256x32xf32>
    %dot_general3A_266 = tpu.matmul %slice3A_261, %get3A_264, %dot_general3A_265 {dimension_numbers = #tpu.dot_dimension_numbers<[1], [0], [0], [1], [0, 0, 1, 1], [], []>, precision = #tpu.contract_precision<fp32>, transpose_lhs_hint = false} : vector<256x64xf32>, vector<64x32xf32>, vector<256x32xf32> -> vector<256x32xf32>
    %add3A_267 = arith.addf %dot_general3A_266, %add3A_18 : vector<256x32xf32>
    %max3A_268 = arith.constant 0.000000e+00 : f32
    %max3A_269 = vector.broadcast %max3A_268 : f32 to vector<256x32xf32>
    %max3A_270 = arith.maximumf %add3A_267, %max3A_269 : vector<256x32xf32>
    %get3A_271 = arith.constant 480 : index
    %get3A_272 = arith.constant 0 : index
    %get3A_273 = vector.load %arg7[%get3A_271, %get3A_272] : memref<512x16xf32, #tpu.memory_space<vmem>>, vector<32x16xf32>
    %dot_general3A_274 = arith.constant dense<0.000000e+00> : vector<256x16xf32>
    %dot_general3A_275 = tpu.matmul %max3A_270, %get3A_273, %dot_general3A_274 {dimension_numbers = #tpu.dot_dimension_numbers<[1], [0], [0], [1], [0, 0, 1, 1], [], []>, precision = #tpu.contract_precision<fp32>, transpose_lhs_hint = false} : vector<256x32xf32>, vector<32x16xf32>, vector<256x16xf32> -> vector<256x16xf32>
    %add3A_276 = arith.addf %add3A_260, %dot_general3A_275 : vector<256x16xf32>
    %get3A_277 = arith.constant 0 : index
    %get3A_278 = arith.constant 0 : index
    %get3A_279 = vector.load %arg8[%get3A_277, %get3A_278] : memref<1x1xf32, #tpu.memory_space<vmem>>, vector<1x1xf32>
    %get3A_280 = vector.extract %get3A_279[0, 0] : f32 from vector<1x1xf32>
    %add3A_281 = vector.broadcast %get3A_280 : f32 to vector<256x16xf32>
    %add3A_282 = arith.addf %add3A_276, %add3A_281 : vector<256x16xf32>
    %reduce_max3A = arith.constant dense<0xFF800000> : vector<256xf32>
    %reduce_max3A_283 = vector.multi_reduction <maximumf>, %add3A_282, %reduce_max3A [1] : vector<256x16xf32> to vector<256xf32>
    %broadcast_in_dim3A_284 = vector.shape_cast %reduce_max3A_283 : vector<256xf32> to vector<256x1xf32>
    %sub3A_285 = vector.broadcast %broadcast_in_dim3A_284 : vector<256x1xf32> to vector<256x16xf32>
    %sub3A_286 = arith.subf %add3A_282, %sub3A_285 : vector<256x16xf32>
    %exp3A = math.exp %sub3A_286 : vector<256x16xf32>
    %reduce_sum3A = arith.constant dense<0.000000e+00> : vector<256xf32>
    %reduce_sum3A_287 = vector.multi_reduction <add>, %exp3A, %reduce_sum3A [1] : vector<256x16xf32> to vector<256xf32>
    %broadcast_in_dim3A_288 = vector.shape_cast %reduce_sum3A_287 : vector<256xf32> to vector<256x1xf32>
    %div3A = vector.broadcast %broadcast_in_dim3A_288 : vector<256x1xf32> to vector<256x16xf32>
    %div3A_289 = arith.divf %exp3A, %div3A : vector<256x16xf32>
    %get3A_290 = arith.constant 0 : index
    %get3A_291 = arith.constant 0 : index
    %get3A_292 = vector.load %arg9[%get3A_290, %get3A_291] : memref<16x1024xf32, #tpu.memory_space<vmem>>, vector<16x1024xf32>
    %dot_general3A_293 = arith.constant dense<0.000000e+00> : vector<256x1024xf32>
    %dot_general3A_294 = tpu.matmul %div3A_289, %get3A_292, %dot_general3A_293 {dimension_numbers = #tpu.dot_dimension_numbers<[1], [0], [0], [1], [0, 0, 1, 1], [], []>, precision = #tpu.contract_precision<fp32>, transpose_lhs_hint = false} : vector<256x16xf32>, vector<16x1024xf32>, vector<256x1024xf32> -> vector<256x1024xf32>
    %mul3A = arith.mulf %dot_general3A_294, %convert_element_type3A : vector<256x1024xf32>
    %get3A_295 = arith.constant 0 : index
    %get3A_296 = arith.constant 0 : index
    %get3A_297 = vector.load %arg10[%get3A_295, %get3A_296] : memref<1024x64xf32, #tpu.memory_space<vmem>>, vector<1024x64xf32>
    %dot_general3A_298 = arith.constant dense<0.000000e+00> : vector<256x64xf32>
    %dot_general3A_299 = tpu.matmul %mul3A, %get3A_297, %dot_general3A_298 {dimension_numbers = #tpu.dot_dimension_numbers<[1], [0], [0], [1], [0, 0, 1, 1], [], []>, precision = #tpu.contract_precision<fp32>, transpose_lhs_hint = false} : vector<256x1024xf32>, vector<1024x64xf32>, vector<256x64xf32> -> vector<256x64xf32>
    %add3A_300 = arith.addf %dot_general3A_299, %sub3A_9 : vector<256x64xf32>
    %swap3A = arith.constant 0 : index
    %swap3A_301 = arith.constant 0 : index
    %swap3A_302 = vector.load %arg13[%swap3A, %swap3A_301] : memref<256x64xf32, #tpu.memory_space<vmem>>, vector<256x64xf32>
    tpu.vector_store %arg13[%swap3A, %swap3A_301], %add3A_300 {strides = array<i32>} : memref<256x64xf32, #tpu.memory_space<vmem>>, vector<256x64xf32>,
    %get3A_303 = arith.constant 0 : index
    %get3A_304 = arith.constant 0 : index
    %get3A_305 = vector.load %arg11[%get3A_303, %get3A_304] : memref<64x256xf32, #tpu.memory_space<vmem>>, vector<64x256xf32>
    %dot_general3A_306 = arith.constant dense<0.000000e+00> : vector<256x256xf32>
    %dot_general3A_307 = tpu.matmul %add3A_300, %get3A_305, %dot_general3A_306 {dimension_numbers = #tpu.dot_dimension_numbers<[1], [0], [0], [1], [0, 0, 1, 1], [], []>, precision = #tpu.contract_precision<fp32>, transpose_lhs_hint = false} : vector<256x64xf32>, vector<64x256xf32>, vector<256x256xf32> -> vector<256x256xf32>
    %get3A_308 = arith.constant 0 : index
    %get3A_309 = arith.constant 0 : index
    %get3A_310 = vector.load %arg12[%get3A_308, %get3A_309] : memref<1x256xf32, #tpu.memory_space<vmem>>, vector<1x256xf32>
    %add3A_311 = vector.broadcast %get3A_310 : vector<1x256xf32> to vector<256x256xf32>
    %add3A_312 = arith.addf %dot_general3A_307, %add3A_311 : vector<256x256xf32>
    %swap3A_313 = arith.constant 0 : index
    %swap3A_314 = arith.constant 0 : index
    %swap3A_315 = vector.load %arg14[%swap3A_313, %swap3A_314] : memref<256x256xf32, #tpu.memory_space<vmem>>, vector<256x256xf32>
    tpu.vector_store %arg14[%swap3A_313, %swap3A_314], %add3A_312 {strides = array<i32>} : memref<256x256xf32, #tpu.memory_space<vmem>>, vector<256x256xf32>,
    %mul3A_316 = arith.constant 256 : i32
    %mul3A_317 = arith.muli %arg0, %mul3A_316 : i32
    %iota3A = tpu.iota {dimensions = array<i32: 0>} : vector<256x1xi32>
    %add3A_318 = vector.broadcast %mul3A_317 : i32 to vector<256x1xi32>
    %add3A_319 = arith.addi %add3A_318, %iota3A : vector<256x1xi32>
    %lt3A = arith.constant 50515 : i32
    %lt3A_320 = vector.broadcast %lt3A : i32 to vector<256x1xi32>
    %lt3A_321 = arith.cmpi slt, %add3A_319, %lt3A_320 : vector<256x1xi32>
    %jit3A = arith.constant 0.000000e+00 : f32
    %broadcast_in_dim3A_322 = vector.shape_cast %lt3A_321 : vector<256x1xi1> to vector<256x1xi1>
    %broadcast_in_dim3A_323 = vector.broadcast %broadcast_in_dim3A_322 : vector<256x1xi1> to vector<256x256xi1>
    %broadcast_in_dim3A_324 = vector.broadcast %jit3A : f32 to vector<256x256xf32>
    %select_n3A = arith.select %broadcast_in_dim3A_323, %add3A_312, %broadcast_in_dim3A_324 : vector<256x256xi1>, vector<256x256xf32>
    %reduce_sum3A_325 = arith.constant dense<0.000000e+00> : vector<256xf32>
    %reduce_sum3A_326 = vector.multi_reduction <add>, %select_n3A, %reduce_sum3A_325 [0] : vector<256x256xf32> to vector<256xf32>
    %broadcast_in_dim3A_327 = vector.shape_cast %reduce_sum3A_326 : vector<256xf32> to vector<1x256xf32>
    %mul3A_328 = arith.mulf %select_n3A, %select_n3A : vector<256x256xf32>
    %reduce_sum3A_329 = arith.constant dense<0.000000e+00> : vector<256xf32>
    %reduce_sum3A_330 = vector.multi_reduction <add>, %mul3A_328, %reduce_sum3A_329 [0] : vector<256x256xf32> to vector<256xf32>
    %broadcast_in_dim3A_331 = vector.shape_cast %reduce_sum3A_330 : vector<256xf32> to vector<1x256xf32>
    %iota3A_332 = tpu.iota {dimensions = array<i32: 0>} : vector<8x256xi32>
    %eq3A = arith.constant 0 : i32
    %eq3A_333 = vector.broadcast %eq3A : i32 to vector<8x256xi32>
    %eq3A_334 = arith.cmpi eq, %iota3A_332, %eq3A_333 : vector<8x256xi32>
    %jit3A_335 = arith.constant 0.000000e+00 : f32
    %broadcast_in_dim3A_336 = vector.shape_cast %broadcast_in_dim3A_327 : vector<1x256xf32> to vector<1x256xf32>
    %broadcast_in_dim3A_337 = vector.broadcast %broadcast_in_dim3A_336 : vector<1x256xf32> to vector<8x256xf32>
    %broadcast_in_dim3A_338 = vector.broadcast %jit3A_335 : f32 to vector<8x256xf32>
    %select_n3A_339 = arith.select %eq3A_334, %broadcast_in_dim3A_337, %broadcast_in_dim3A_338 : vector<8x256xi1>, vector<8x256xf32>
    %eq3A_340 = arith.constant 1 : i32
    %eq3A_341 = vector.broadcast %eq3A_340 : i32 to vector<8x256xi32>
    %eq3A_342 = arith.cmpi eq, %iota3A_332, %eq3A_341 : vector<8x256xi32>
    %jit3A_343 = arith.constant 0.000000e+00 : f32
    %broadcast_in_dim3A_344 = vector.shape_cast %broadcast_in_dim3A_331 : vector<1x256xf32> to vector<1x256xf32>
    %broadcast_in_dim3A_345 = vector.broadcast %broadcast_in_dim3A_344 : vector<1x256xf32> to vector<8x256xf32>
    %broadcast_in_dim3A_346 = vector.broadcast %jit3A_343 : f32 to vector<8x256xf32>
    %select_n3A_347 = arith.select %eq3A_342, %broadcast_in_dim3A_345, %broadcast_in_dim3A_346 : vector<8x256xi1>, vector<8x256xf32>
    %add3A_348 = arith.addf %select_n3A_339, %select_n3A_347 : vector<8x256xf32>
    %eq3A_349 = arith.constant 0 : i32
    %eq3A_350 = arith.cmpi eq, %arg0, %eq3A_349 : i32
    %convert_element_type3A_351 = arith.extui %eq3A_350 : i1 to i32
    %cond3A = arith.constant 0 : i32
    %cond3A_352 = arith.cmpi ne, %convert_element_type3A_351, %cond3A : i32
    scf.if %cond3A_352 {
      %broadcast_in_dim3A_360 = arith.constant 0.000000e+00 : f32
      %broadcast_in_dim3A_361 = vector.broadcast %broadcast_in_dim3A_360 : f32 to vector<8x256xf32>
      %swap3A_362 = arith.constant 0 : index
      %swap3A_363 = arith.constant 0 : index
      %swap3A_364 = vector.load %arg15[%swap3A_362, %swap3A_363] : memref<8x256xf32, #tpu.memory_space<vmem>>, vector<8x256xf32>
      tpu.vector_store %arg15[%swap3A_362, %swap3A_363], %broadcast_in_dim3A_361 {strides = array<i32>} : memref<8x256xf32, #tpu.memory_space<vmem>>, vector<8x256xf32>,
    } else {
    }
    %get3A_353 = arith.constant 0 : index
    %get3A_354 = arith.constant 0 : index
    %get3A_355 = vector.load %arg15[%get3A_353, %get3A_354] : memref<8x256xf32, #tpu.memory_space<vmem>>, vector<8x256xf32>
    %add3A_356 = arith.addf %get3A_355, %add3A_348 : vector<8x256xf32>
    %swap3A_357 = arith.constant 0 : index
    %swap3A_358 = arith.constant 0 : index
    %swap3A_359 = vector.load %arg15[%swap3A_357, %swap3A_358] : memref<8x256xf32, #tpu.memory_space<vmem>>, vector<8x256xf32>
    tpu.vector_store %arg15[%swap3A_357, %swap3A_358], %add3A_356 {strides = array<i32>} : memref<8x256xf32, #tpu.memory_space<vmem>>, vector<8x256xf32>,
    return
  }
  func.func @transform_0(%arg0: i32) -> (i32, i32) {
    %c0_i32 = arith.constant 0 : i32
    %c0_i32_0 = arith.constant 0 : i32
    return %arg0, %c0_i32 : i32, i32
  }
  func.func @transform_1(%arg0: i32) -> (i32, i32) {
    %c0_i32 = arith.constant 0 : i32
    %c0_i32_0 = arith.constant 0 : i32
    return %arg0, %c0_i32 : i32, i32
  }
  func.func @transform_2(%arg0: i32) -> (i32, i32) {
    %c0_i32 = arith.constant 0 : i32
    %c0_i32_0 = arith.constant 0 : i32
    %c0_i32_1 = arith.constant 0 : i32
    return %c0_i32, %c0_i32_0 : i32, i32
  }
  func.func @transform_3(%arg0: i32) -> (i32, i32) {
    %c0_i32 = arith.constant 0 : i32
    %c0_i32_0 = arith.constant 0 : i32
    %c0_i32_1 = arith.constant 0 : i32
    return %c0_i32, %c0_i32_0 : i32, i32
  }
  func.func @transform_4(%arg0: i32) -> (i32, i32) {
    %c0_i32 = arith.constant 0 : i32
    %c0_i32_0 = arith.constant 0 : i32
    %c0_i32_1 = arith.constant 0 : i32
    return %c0_i32, %c0_i32_0 : i32, i32
  }
  func.func @transform_5(%arg0: i32) -> (i32, i32) {
    %c0_i32 = arith.constant 0 : i32
    %c0_i32_0 = arith.constant 0 : i32
    %c0_i32_1 = arith.constant 0 : i32
    return %c0_i32, %c0_i32_0 : i32, i32
  }
  func.func @transform_6(%arg0: i32) -> (i32, i32) {
    %c0_i32 = arith.constant 0 : i32
    %c0_i32_0 = arith.constant 0 : i32
    %c0_i32_1 = arith.constant 0 : i32
    return %c0_i32, %c0_i32_0 : i32, i32
  }
  func.func @transform_7(%arg0: i32) -> (i32, i32) {
    %c0_i32 = arith.constant 0 : i32
    %c0_i32_0 = arith.constant 0 : i32
    %c0_i32_1 = arith.constant 0 : i32
    return %c0_i32, %c0_i32_0 : i32, i32
  }
  func.func @transform_8(%arg0: i32) -> (i32, i32) {
    %c0_i32 = arith.constant 0 : i32
    %c0_i32_0 = arith.constant 0 : i32
    %c0_i32_1 = arith.constant 0 : i32
    return %c0_i32, %c0_i32_0 : i32, i32
  }
  func.func @transform_9(%arg0: i32) -> (i32, i32) {
    %c0_i32 = arith.constant 0 : i32
    %c0_i32_0 = arith.constant 0 : i32
    %c0_i32_1 = arith.constant 0 : i32
    return %c0_i32, %c0_i32_0 : i32, i32
  }
  func.func @transform_10(%arg0: i32) -> (i32, i32) {
    %c0_i32 = arith.constant 0 : i32
    %c0_i32_0 = arith.constant 0 : i32
    %c0_i32_1 = arith.constant 0 : i32
    return %c0_i32, %c0_i32_0 : i32, i32
  }
  func.func @transform_11(%arg0: i32) -> (i32, i32) {
    %c0_i32 = arith.constant 0 : i32
    %c0_i32_0 = arith.constant 0 : i32
    %c0_i32_1 = arith.constant 0 : i32
    return %c0_i32, %c0_i32_0 : i32, i32
  }
  func.func @transform_12(%arg0: i32) -> (i32, i32) {
    %c0_i32 = arith.constant 0 : i32
    %c0_i32_0 = arith.constant 0 : i32
    return %arg0, %c0_i32 : i32, i32
  }
  func.func @transform_13(%arg0: i32) -> (i32, i32) {
    %c0_i32 = arith.constant 0 : i32
    %c0_i32_0 = arith.constant 0 : i32
    return %arg0, %c0_i32 : i32, i32
  }
  func.func @transform_14(%arg0: i32) -> (i32, i32) {
    %c0_i32 = arith.constant 0 : i32
    %c0_i32_0 = arith.constant 0 : i32
    %c0_i32_1 = arith.constant 0 : i32
    return %c0_i32, %c0_i32_0 : i32, i32
  }
}

module attributes {stable_mosaic.version = 14 : i64} {
  func.func @_c_kernel(%arg0: i32, %arg1: memref<1024x256xf32, #tpu.memory_space<vmem>>, %arg2: memref<8x256xf32, #tpu.memory_space<vmem>>, %arg3: memref<8x256xf32, #tpu.memory_space<vmem>>, %arg4: memref<1x256xf32, #tpu.memory_space<vmem>>, %arg5: memref<1x256xf32, #tpu.memory_space<vmem>>, %arg6: memref<1x256xf32, #tpu.memory_space<vmem>>, %arg7: memref<1x256xf32, #tpu.memory_space<vmem>>, %arg8: memref<1x256xf32, #tpu.memory_space<vmem>>, %arg9: memref<1x256xf32, #tpu.memory_space<vmem>>, %arg10: memref<256x256xf32, #tpu.memory_space<vmem>>, %arg11: memref<1x256xf32, #tpu.memory_space<vmem>>, %arg12: memref<1024x256xf32, #tpu.memory_space<vmem>>, %arg13: memref<8x256xf32, #tpu.memory_space<vmem>>) attributes {dimension_semantics = [#tpu.dimension_semantics<arbitrary>], iteration_bounds = array<i64: 52>, scalar_prefetch = 0 : i64, scratch_operands = 0 : i64, tpu.core_type = #tpu.core_type<tc>, window_params = [{transform_indices = @transform_0, window_bounds = array<i64: 1024, 256>}, {pipeline_mode = #tpu.pipeline_mode<synchronous>, transform_indices = @transform_1, window_bounds = array<i64: 8, 256>}, {pipeline_mode = #tpu.pipeline_mode<synchronous>, transform_indices = @transform_2, window_bounds = array<i64: 8, 256>}, {pipeline_mode = #tpu.pipeline_mode<synchronous>, transform_indices = @transform_3, window_bounds = array<i64: 1, 256>}, {pipeline_mode = #tpu.pipeline_mode<synchronous>, transform_indices = @transform_4, window_bounds = array<i64: 1, 256>}, {pipeline_mode = #tpu.pipeline_mode<synchronous>, transform_indices = @transform_5, window_bounds = array<i64: 1, 256>}, {pipeline_mode = #tpu.pipeline_mode<synchronous>, transform_indices = @transform_6, window_bounds = array<i64: 1, 256>}, {pipeline_mode = #tpu.pipeline_mode<synchronous>, transform_indices = @transform_7, window_bounds = array<i64: 1, 256>}, {pipeline_mode = #tpu.pipeline_mode<synchronous>, transform_indices = @transform_8, window_bounds = array<i64: 1, 256>}, {pipeline_mode = #tpu.pipeline_mode<synchronous>, transform_indices = @transform_9, window_bounds = array<i64: 256, 256>}, {pipeline_mode = #tpu.pipeline_mode<synchronous>, transform_indices = @transform_10, window_bounds = array<i64: 1, 256>}, {transform_indices = @transform_11, window_bounds = array<i64: 1024, 256>}, {pipeline_mode = #tpu.pipeline_mode<synchronous>, transform_indices = @transform_12, window_bounds = array<i64: 8, 256>}]} {
    %get3A = arith.constant 0 : index
    %get3A_0 = arith.constant 0 : index
    %get3A_1 = vector.load %arg4[%get3A, %get3A_0] : memref<1x256xf32, #tpu.memory_space<vmem>>, vector<1x256xf32>
    %get3A_2 = arith.constant 0 : index
    %get3A_3 = arith.constant 0 : index
    %get3A_4 = vector.load %arg5[%get3A_2, %get3A_3] : memref<1x256xf32, #tpu.memory_space<vmem>>, vector<1x256xf32>
    %get3A_5 = arith.constant 0 : index
    %get3A_6 = arith.constant 0 : index
    %get3A_7 = vector.load %arg2[%get3A_5, %get3A_6] : memref<8x256xf32, #tpu.memory_space<vmem>>, vector<1x256xf32>
    %div3A = arith.constant 5.051500e+04 : f32
    %div3A_8 = vector.broadcast %div3A : f32 to vector<1x256xf32>
    %div3A_9 = arith.divf %get3A_7, %div3A_8 : vector<1x256xf32>
    %get3A_10 = arith.constant 1 : index
    %get3A_11 = arith.constant 0 : index
    %get3A_12 = vector.load %arg2[%get3A_10, %get3A_11] : memref<8x256xf32, #tpu.memory_space<vmem>>, vector<1x256xf32>
    %div3A_13 = arith.constant 5.051500e+04 : f32
    %div3A_14 = vector.broadcast %div3A_13 : f32 to vector<1x256xf32>
    %div3A_15 = arith.divf %get3A_12, %div3A_14 : vector<1x256xf32>
    %mul3A = arith.mulf %div3A_9, %div3A_9 : vector<1x256xf32>
    %sub3A = arith.subf %div3A_15, %mul3A : vector<1x256xf32>
    %add3A = arith.constant 9.99999974E-6 : f32
    %add3A_16 = vector.broadcast %add3A : f32 to vector<1x256xf32>
    %add3A_17 = arith.addf %sub3A, %add3A_16 : vector<1x256xf32>
    %sqrt3A = math.sqrt %add3A_17 : vector<1x256xf32>
    %div3A_18 = arith.divf %get3A_1, %sqrt3A : vector<1x256xf32>
    %mul3A_19 = arith.mulf %div3A_18, %div3A_9 : vector<1x256xf32>
    %sub3A_20 = arith.subf %get3A_4, %mul3A_19 : vector<1x256xf32>
    %get3A_21 = arith.constant 0 : index
    %get3A_22 = arith.constant 0 : index
    %get3A_23 = vector.load %arg1[%get3A_21, %get3A_22] : memref<1024x256xf32, #tpu.memory_space<vmem>>, vector<1024x256xf32>
    %mul3A_24 = vector.broadcast %div3A_18 : vector<1x256xf32> to vector<1024x256xf32>
    %mul3A_25 = arith.mulf %get3A_23, %mul3A_24 : vector<1024x256xf32>
    %add3A_26 = vector.broadcast %sub3A_20 : vector<1x256xf32> to vector<1024x256xf32>
    %add3A_27 = arith.addf %mul3A_25, %add3A_26 : vector<1024x256xf32>
    %max3A = arith.constant 0.000000e+00 : f32
    %max3A_28 = vector.broadcast %max3A : f32 to vector<1024x256xf32>
    %max3A_29 = arith.maximumf %add3A_27, %max3A_28 : vector<1024x256xf32>
    %get3A_30 = arith.constant 0 : index
    %get3A_31 = arith.constant 0 : index
    %get3A_32 = vector.load %arg3[%get3A_30, %get3A_31] : memref<8x256xf32, #tpu.memory_space<vmem>>, vector<1x256xf32>
    %div3A_33 = arith.constant 5.051500e+04 : f32
    %div3A_34 = vector.broadcast %div3A_33 : f32 to vector<1x256xf32>
    %div3A_35 = arith.divf %get3A_32, %div3A_34 : vector<1x256xf32>
    %get3A_36 = arith.constant 1 : index
    %get3A_37 = arith.constant 0 : index
    %get3A_38 = vector.load %arg3[%get3A_36, %get3A_37] : memref<8x256xf32, #tpu.memory_space<vmem>>, vector<1x256xf32>
    %div3A_39 = arith.constant 5.051500e+04 : f32
    %div3A_40 = vector.broadcast %div3A_39 : f32 to vector<1x256xf32>
    %div3A_41 = arith.divf %get3A_38, %div3A_40 : vector<1x256xf32>
    %mul3A_42 = arith.mulf %div3A_35, %div3A_35 : vector<1x256xf32>
    %sub3A_43 = arith.subf %div3A_41, %mul3A_42 : vector<1x256xf32>
    %get3A_44 = arith.constant 0 : index
    %get3A_45 = arith.constant 0 : index
    %get3A_46 = vector.load %arg6[%get3A_44, %get3A_45] : memref<1x256xf32, #tpu.memory_space<vmem>>, vector<1x256xf32>
    %mul3A_47 = arith.mulf %get3A_46, %div3A_35 : vector<1x256xf32>
    %get3A_48 = arith.constant 0 : index
    %get3A_49 = arith.constant 0 : index
    %get3A_50 = vector.load %arg7[%get3A_48, %get3A_49] : memref<1x256xf32, #tpu.memory_space<vmem>>, vector<1x256xf32>
    %add3A_51 = arith.addf %mul3A_47, %get3A_50 : vector<1x256xf32>
    %get3A_52 = arith.constant 0 : index
    %get3A_53 = arith.constant 0 : index
    %get3A_54 = vector.load %arg8[%get3A_52, %get3A_53] : memref<1x256xf32, #tpu.memory_space<vmem>>, vector<1x256xf32>
    %mul3A_55 = arith.mulf %get3A_46, %get3A_46 : vector<1x256xf32>
    %mul3A_56 = arith.mulf %mul3A_55, %sub3A_43 : vector<1x256xf32>
    %add3A_57 = arith.constant 9.99999974E-6 : f32
    %add3A_58 = vector.broadcast %add3A_57 : f32 to vector<1x256xf32>
    %add3A_59 = arith.addf %mul3A_56, %add3A_58 : vector<1x256xf32>
    %rsqrt3A = math.rsqrt %add3A_59 : vector<1x256xf32>
    %mul3A_60 = arith.mulf %get3A_54, %rsqrt3A : vector<1x256xf32>
    %mul3A_61 = arith.mulf %get3A_46, %mul3A_60 : vector<1x256xf32>
    %get3A_62 = arith.constant 0 : index
    %get3A_63 = arith.constant 0 : index
    %get3A_64 = vector.load %arg7[%get3A_62, %get3A_63] : memref<1x256xf32, #tpu.memory_space<vmem>>, vector<1x256xf32>
    %sub3A_65 = arith.subf %get3A_64, %add3A_51 : vector<1x256xf32>
    %mul3A_66 = arith.mulf %sub3A_65, %mul3A_60 : vector<1x256xf32>
    %get3A_67 = arith.constant 0 : index
    %get3A_68 = arith.constant 0 : index
    %get3A_69 = vector.load %arg9[%get3A_67, %get3A_68] : memref<1x256xf32, #tpu.memory_space<vmem>>, vector<1x256xf32>
    %add3A_70 = arith.addf %mul3A_66, %get3A_69 : vector<1x256xf32>
    %mul3A_71 = vector.broadcast %mul3A_61 : vector<1x256xf32> to vector<1024x256xf32>
    %mul3A_72 = arith.mulf %max3A_29, %mul3A_71 : vector<1024x256xf32>
    %add3A_73 = vector.broadcast %add3A_70 : vector<1x256xf32> to vector<1024x256xf32>
    %add3A_74 = arith.addf %mul3A_72, %add3A_73 : vector<1024x256xf32>
    %max3A_75 = arith.constant 0.000000e+00 : f32
    %max3A_76 = vector.broadcast %max3A_75 : f32 to vector<1024x256xf32>
    %max3A_77 = arith.maximumf %add3A_74, %max3A_76 : vector<1024x256xf32>
    %get3A_78 = arith.constant 0 : index
    %get3A_79 = arith.constant 0 : index
    %get3A_80 = vector.load %arg10[%get3A_78, %get3A_79] : memref<256x256xf32, #tpu.memory_space<vmem>>, vector<256x256xf32>
    %dot_general3A = arith.constant dense<0.000000e+00> : vector<1024x256xf32>
    %dot_general3A_81 = tpu.matmul %max3A_77, %get3A_80, %dot_general3A {dimension_numbers = #tpu.dot_dimension_numbers<[1], [0], [0], [1], [0, 0, 1, 1], [], []>, precision = #tpu.contract_precision<fp32>, transpose_lhs_hint = false} : vector<1024x256xf32>, vector<256x256xf32>, vector<1024x256xf32> -> vector<1024x256xf32>
    %get3A_82 = arith.constant 0 : index
    %get3A_83 = arith.constant 0 : index
    %get3A_84 = vector.load %arg11[%get3A_82, %get3A_83] : memref<1x256xf32, #tpu.memory_space<vmem>>, vector<1x256xf32>
    %add3A_85 = vector.broadcast %get3A_84 : vector<1x256xf32> to vector<1024x256xf32>
    %add3A_86 = arith.addf %dot_general3A_81, %add3A_85 : vector<1024x256xf32>
    %swap3A = arith.constant 0 : index
    %swap3A_87 = arith.constant 0 : index
    %swap3A_88 = vector.load %arg12[%swap3A, %swap3A_87] : memref<1024x256xf32, #tpu.memory_space<vmem>>, vector<1024x256xf32>
    tpu.vector_store %arg12[%swap3A, %swap3A_87], %add3A_86 {strides = array<i32>} : memref<1024x256xf32, #tpu.memory_space<vmem>>, vector<1024x256xf32>,
    %mul3A_89 = arith.constant 1024 : i32
    %mul3A_90 = arith.muli %arg0, %mul3A_89 : i32
    %iota3A = tpu.iota {dimensions = array<i32: 0>} : vector<1024x1xi32>
    %add3A_91 = vector.broadcast %mul3A_90 : i32 to vector<1024x1xi32>
    %add3A_92 = arith.addi %add3A_91, %iota3A : vector<1024x1xi32>
    %lt3A = arith.constant 50515 : i32
    %lt3A_93 = vector.broadcast %lt3A : i32 to vector<1024x1xi32>
    %lt3A_94 = arith.cmpi slt, %add3A_92, %lt3A_93 : vector<1024x1xi32>
    %jit3A = arith.constant 0.000000e+00 : f32
    %broadcast_in_dim3A = vector.shape_cast %lt3A_94 : vector<1024x1xi1> to vector<1024x1xi1>
    %broadcast_in_dim3A_95 = vector.broadcast %broadcast_in_dim3A : vector<1024x1xi1> to vector<1024x256xi1>
    %broadcast_in_dim3A_96 = vector.broadcast %jit3A : f32 to vector<1024x256xf32>
    %select_n3A = arith.select %broadcast_in_dim3A_95, %add3A_86, %broadcast_in_dim3A_96 : vector<1024x256xi1>, vector<1024x256xf32>
    %reduce_sum3A = arith.constant dense<0.000000e+00> : vector<256xf32>
    %reduce_sum3A_97 = vector.multi_reduction <add>, %select_n3A, %reduce_sum3A [0] : vector<1024x256xf32> to vector<256xf32>
    %broadcast_in_dim3A_98 = vector.shape_cast %reduce_sum3A_97 : vector<256xf32> to vector<1x256xf32>
    %mul3A_99 = arith.mulf %select_n3A, %select_n3A : vector<1024x256xf32>
    %reduce_sum3A_100 = arith.constant dense<0.000000e+00> : vector<256xf32>
    %reduce_sum3A_101 = vector.multi_reduction <add>, %mul3A_99, %reduce_sum3A_100 [0] : vector<1024x256xf32> to vector<256xf32>
    %broadcast_in_dim3A_102 = vector.shape_cast %reduce_sum3A_101 : vector<256xf32> to vector<1x256xf32>
    %iota3A_103 = tpu.iota {dimensions = array<i32: 0>} : vector<8x256xi32>
    %eq3A = arith.constant 0 : i32
    %eq3A_104 = vector.broadcast %eq3A : i32 to vector<8x256xi32>
    %eq3A_105 = arith.cmpi eq, %iota3A_103, %eq3A_104 : vector<8x256xi32>
    %jit3A_106 = arith.constant 0.000000e+00 : f32
    %broadcast_in_dim3A_107 = vector.shape_cast %broadcast_in_dim3A_98 : vector<1x256xf32> to vector<1x256xf32>
    %broadcast_in_dim3A_108 = vector.broadcast %broadcast_in_dim3A_107 : vector<1x256xf32> to vector<8x256xf32>
    %broadcast_in_dim3A_109 = vector.broadcast %jit3A_106 : f32 to vector<8x256xf32>
    %select_n3A_110 = arith.select %eq3A_105, %broadcast_in_dim3A_108, %broadcast_in_dim3A_109 : vector<8x256xi1>, vector<8x256xf32>
    %eq3A_111 = arith.constant 1 : i32
    %eq3A_112 = vector.broadcast %eq3A_111 : i32 to vector<8x256xi32>
    %eq3A_113 = arith.cmpi eq, %iota3A_103, %eq3A_112 : vector<8x256xi32>
    %jit3A_114 = arith.constant 0.000000e+00 : f32
    %broadcast_in_dim3A_115 = vector.shape_cast %broadcast_in_dim3A_102 : vector<1x256xf32> to vector<1x256xf32>
    %broadcast_in_dim3A_116 = vector.broadcast %broadcast_in_dim3A_115 : vector<1x256xf32> to vector<8x256xf32>
    %broadcast_in_dim3A_117 = vector.broadcast %jit3A_114 : f32 to vector<8x256xf32>
    %select_n3A_118 = arith.select %eq3A_113, %broadcast_in_dim3A_116, %broadcast_in_dim3A_117 : vector<8x256xi1>, vector<8x256xf32>
    %add3A_119 = arith.addf %select_n3A_110, %select_n3A_118 : vector<8x256xf32>
    %eq3A_120 = arith.constant 0 : i32
    %eq3A_121 = arith.cmpi eq, %arg0, %eq3A_120 : i32
    %convert_element_type3A = arith.extui %eq3A_121 : i1 to i32
    %cond3A = arith.constant 0 : i32
    %cond3A_122 = arith.cmpi ne, %convert_element_type3A, %cond3A : i32
    scf.if %cond3A_122 {
      %broadcast_in_dim3A_130 = arith.constant 0.000000e+00 : f32
      %broadcast_in_dim3A_131 = vector.broadcast %broadcast_in_dim3A_130 : f32 to vector<8x256xf32>
      %swap3A_132 = arith.constant 0 : index
      %swap3A_133 = arith.constant 0 : index
      %swap3A_134 = vector.load %arg13[%swap3A_132, %swap3A_133] : memref<8x256xf32, #tpu.memory_space<vmem>>, vector<8x256xf32>
      tpu.vector_store %arg13[%swap3A_132, %swap3A_133], %broadcast_in_dim3A_131 {strides = array<i32>} : memref<8x256xf32, #tpu.memory_space<vmem>>, vector<8x256xf32>,
    } else {
    }
    %get3A_123 = arith.constant 0 : index
    %get3A_124 = arith.constant 0 : index
    %get3A_125 = vector.load %arg13[%get3A_123, %get3A_124] : memref<8x256xf32, #tpu.memory_space<vmem>>, vector<8x256xf32>
    %add3A_126 = arith.addf %get3A_125, %add3A_119 : vector<8x256xf32>
    %swap3A_127 = arith.constant 0 : index
    %swap3A_128 = arith.constant 0 : index
    %swap3A_129 = vector.load %arg13[%swap3A_127, %swap3A_128] : memref<8x256xf32, #tpu.memory_space<vmem>>, vector<8x256xf32>
    tpu.vector_store %arg13[%swap3A_127, %swap3A_128], %add3A_126 {strides = array<i32>} : memref<8x256xf32, #tpu.memory_space<vmem>>, vector<8x256xf32>,
    return
  }
  func.func @transform_0(%arg0: i32) -> (i32, i32) {
    %c0_i32 = arith.constant 0 : i32
    %c0_i32_0 = arith.constant 0 : i32
    return %arg0, %c0_i32 : i32, i32
  }
  func.func @transform_1(%arg0: i32) -> (i32, i32) {
    %c0_i32 = arith.constant 0 : i32
    %c0_i32_0 = arith.constant 0 : i32
    %c0_i32_1 = arith.constant 0 : i32
    return %c0_i32, %c0_i32_0 : i32, i32
  }
  func.func @transform_2(%arg0: i32) -> (i32, i32) {
    %c0_i32 = arith.constant 0 : i32
    %c0_i32_0 = arith.constant 0 : i32
    %c0_i32_1 = arith.constant 0 : i32
    return %c0_i32, %c0_i32_0 : i32, i32
  }
  func.func @transform_3(%arg0: i32) -> (i32, i32) {
    %c0_i32 = arith.constant 0 : i32
    %c0_i32_0 = arith.constant 0 : i32
    %c0_i32_1 = arith.constant 0 : i32
    return %c0_i32, %c0_i32_0 : i32, i32
  }
  func.func @transform_4(%arg0: i32) -> (i32, i32) {
    %c0_i32 = arith.constant 0 : i32
    %c0_i32_0 = arith.constant 0 : i32
    %c0_i32_1 = arith.constant 0 : i32
    return %c0_i32, %c0_i32_0 : i32, i32
  }
  func.func @transform_5(%arg0: i32) -> (i32, i32) {
    %c0_i32 = arith.constant 0 : i32
    %c0_i32_0 = arith.constant 0 : i32
    %c0_i32_1 = arith.constant 0 : i32
    return %c0_i32, %c0_i32_0 : i32, i32
  }
  func.func @transform_6(%arg0: i32) -> (i32, i32) {
    %c0_i32 = arith.constant 0 : i32
    %c0_i32_0 = arith.constant 0 : i32
    %c0_i32_1 = arith.constant 0 : i32
    return %c0_i32, %c0_i32_0 : i32, i32
  }
  func.func @transform_7(%arg0: i32) -> (i32, i32) {
    %c0_i32 = arith.constant 0 : i32
    %c0_i32_0 = arith.constant 0 : i32
    %c0_i32_1 = arith.constant 0 : i32
    return %c0_i32, %c0_i32_0 : i32, i32
  }
  func.func @transform_8(%arg0: i32) -> (i32, i32) {
    %c0_i32 = arith.constant 0 : i32
    %c0_i32_0 = arith.constant 0 : i32
    %c0_i32_1 = arith.constant 0 : i32
    return %c0_i32, %c0_i32_0 : i32, i32
  }
  func.func @transform_9(%arg0: i32) -> (i32, i32) {
    %c0_i32 = arith.constant 0 : i32
    %c0_i32_0 = arith.constant 0 : i32
    %c0_i32_1 = arith.constant 0 : i32
    return %c0_i32, %c0_i32_0 : i32, i32
  }
  func.func @transform_10(%arg0: i32) -> (i32, i32) {
    %c0_i32 = arith.constant 0 : i32
    %c0_i32_0 = arith.constant 0 : i32
    %c0_i32_1 = arith.constant 0 : i32
    return %c0_i32, %c0_i32_0 : i32, i32
  }
  func.func @transform_11(%arg0: i32) -> (i32, i32) {
    %c0_i32 = arith.constant 0 : i32
    %c0_i32_0 = arith.constant 0 : i32
    return %arg0, %c0_i32 : i32, i32
  }
  func.func @transform_12(%arg0: i32) -> (i32, i32) {
    %c0_i32 = arith.constant 0 : i32
    %c0_i32_0 = arith.constant 0 : i32
    %c0_i32_1 = arith.constant 0 : i32
    return %c0_i32, %c0_i32_0 : i32, i32
  }
}

module attributes {stable_mosaic.version = 14 : i64} {
  func.func @_e_kernel(%arg0: i32, %arg1: memref<1024x256xf32, #tpu.memory_space<vmem>>, %arg2: memref<8x256xf32, #tpu.memory_space<vmem>>, %arg3: memref<1x256xf32, #tpu.memory_space<vmem>>, %arg4: memref<1x256xf32, #tpu.memory_space<vmem>>, %arg5: memref<1x256xf32, #tpu.memory_space<vmem>>, %arg6: memref<1x256xf32, #tpu.memory_space<vmem>>, %arg7: memref<1x256xf32, #tpu.memory_space<vmem>>, %arg8: memref<1x256xf32, #tpu.memory_space<vmem>>, %arg9: memref<1x256xf32, #tpu.memory_space<vmem>>, %arg10: memref<1x256xf32, #tpu.memory_space<vmem>>, %arg11: memref<256x256xf32, #tpu.memory_space<vmem>>, %arg12: memref<1x256xf32, #tpu.memory_space<vmem>>, %arg13: memref<1024x256xf32, #tpu.memory_space<vmem>>, %arg14: memref<8x256xf32, #tpu.memory_space<vmem>>) attributes {dimension_semantics = [#tpu.dimension_semantics<arbitrary>], iteration_bounds = array<i64: 52>, scalar_prefetch = 0 : i64, scratch_operands = 0 : i64, tpu.core_type = #tpu.core_type<tc>, window_params = [{transform_indices = @transform_0, window_bounds = array<i64: 1024, 256>}, {pipeline_mode = #tpu.pipeline_mode<synchronous>, transform_indices = @transform_1, window_bounds = array<i64: 8, 256>}, {pipeline_mode = #tpu.pipeline_mode<synchronous>, transform_indices = @transform_2, window_bounds = array<i64: 1, 256>}, {pipeline_mode = #tpu.pipeline_mode<synchronous>, transform_indices = @transform_3, window_bounds = array<i64: 1, 256>}, {pipeline_mode = #tpu.pipeline_mode<synchronous>, transform_indices = @transform_4, window_bounds = array<i64: 1, 256>}, {pipeline_mode = #tpu.pipeline_mode<synchronous>, transform_indices = @transform_5, window_bounds = array<i64: 1, 256>}, {pipeline_mode = #tpu.pipeline_mode<synchronous>, transform_indices = @transform_6, window_bounds = array<i64: 1, 256>}, {pipeline_mode = #tpu.pipeline_mode<synchronous>, transform_indices = @transform_7, window_bounds = array<i64: 1, 256>}, {pipeline_mode = #tpu.pipeline_mode<synchronous>, transform_indices = @transform_8, window_bounds = array<i64: 1, 256>}, {pipeline_mode = #tpu.pipeline_mode<synchronous>, transform_indices = @transform_9, window_bounds = array<i64: 1, 256>}, {pipeline_mode = #tpu.pipeline_mode<synchronous>, transform_indices = @transform_10, window_bounds = array<i64: 256, 256>}, {pipeline_mode = #tpu.pipeline_mode<synchronous>, transform_indices = @transform_11, window_bounds = array<i64: 1, 256>}, {transform_indices = @transform_12, window_bounds = array<i64: 1024, 256>}, {pipeline_mode = #tpu.pipeline_mode<synchronous>, transform_indices = @transform_13, window_bounds = array<i64: 8, 256>}]} {
    %get3A = arith.constant 0 : index
    %get3A_0 = arith.constant 0 : index
    %get3A_1 = vector.load %arg2[%get3A, %get3A_0] : memref<8x256xf32, #tpu.memory_space<vmem>>, vector<1x256xf32>
    %div3A = arith.constant 5.051500e+04 : f32
    %div3A_2 = vector.broadcast %div3A : f32 to vector<1x256xf32>
    %div3A_3 = arith.divf %get3A_1, %div3A_2 : vector<1x256xf32>
    %get3A_4 = arith.constant 1 : index
    %get3A_5 = arith.constant 0 : index
    %get3A_6 = vector.load %arg2[%get3A_4, %get3A_5] : memref<8x256xf32, #tpu.memory_space<vmem>>, vector<1x256xf32>
    %div3A_7 = arith.constant 5.051500e+04 : f32
    %div3A_8 = vector.broadcast %div3A_7 : f32 to vector<1x256xf32>
    %div3A_9 = arith.divf %get3A_6, %div3A_8 : vector<1x256xf32>
    %mul3A = arith.mulf %div3A_3, %div3A_3 : vector<1x256xf32>
    %sub3A = arith.subf %div3A_9, %mul3A : vector<1x256xf32>
    %get3A_10 = arith.constant 0 : index
    %get3A_11 = arith.constant 0 : index
    %get3A_12 = vector.load %arg3[%get3A_10, %get3A_11] : memref<1x256xf32, #tpu.memory_space<vmem>>, vector<1x256xf32>
    %add3A = arith.constant 9.99999974E-6 : f32
    %add3A_13 = vector.broadcast %add3A : f32 to vector<1x256xf32>
    %add3A_14 = arith.addf %sub3A, %add3A_13 : vector<1x256xf32>
    %rsqrt3A = math.rsqrt %add3A_14 : vector<1x256xf32>
    %mul3A_15 = arith.mulf %get3A_12, %rsqrt3A : vector<1x256xf32>
    %get3A_16 = arith.constant 0 : index
    %get3A_17 = arith.constant 0 : index
    %get3A_18 = vector.load %arg4[%get3A_16, %get3A_17] : memref<1x256xf32, #tpu.memory_space<vmem>>, vector<1x256xf32>
    %mul3A_19 = arith.mulf %mul3A_15, %div3A_3 : vector<1x256xf32>
    %sub3A_20 = arith.subf %get3A_18, %mul3A_19 : vector<1x256xf32>
    %mul3A_21 = arith.mulf %mul3A_15, %div3A_3 : vector<1x256xf32>
    %add3A_22 = arith.addf %mul3A_21, %sub3A_20 : vector<1x256xf32>
    %mul3A_23 = arith.mulf %mul3A_15, %mul3A_15 : vector<1x256xf32>
    %mul3A_24 = arith.mulf %mul3A_23, %sub3A : vector<1x256xf32>
    %get3A_25 = arith.constant 0 : index
    %get3A_26 = arith.constant 0 : index
    %get3A_27 = vector.load %arg5[%get3A_25, %get3A_26] : memref<1x256xf32, #tpu.memory_space<vmem>>, vector<1x256xf32>
    %add3A_28 = arith.constant 9.99999974E-6 : f32
    %add3A_29 = vector.broadcast %add3A_28 : f32 to vector<1x256xf32>
    %add3A_30 = arith.addf %mul3A_24, %add3A_29 : vector<1x256xf32>
    %rsqrt3A_31 = math.rsqrt %add3A_30 : vector<1x256xf32>
    %mul3A_32 = arith.mulf %get3A_27, %rsqrt3A_31 : vector<1x256xf32>
    %mul3A_33 = arith.mulf %mul3A_15, %mul3A_32 : vector<1x256xf32>
    %sub3A_34 = arith.subf %sub3A_20, %add3A_22 : vector<1x256xf32>
    %mul3A_35 = arith.mulf %sub3A_34, %mul3A_32 : vector<1x256xf32>
    %get3A_36 = arith.constant 0 : index
    %get3A_37 = arith.constant 0 : index
    %get3A_38 = vector.load %arg6[%get3A_36, %get3A_37] : memref<1x256xf32, #tpu.memory_space<vmem>>, vector<1x256xf32>
    %add3A_39 = arith.addf %mul3A_35, %get3A_38 : vector<1x256xf32>
    %get3A_40 = arith.constant 0 : index
    %get3A_41 = arith.constant 0 : index
    %get3A_42 = vector.load %arg7[%get3A_40, %get3A_41] : memref<1x256xf32, #tpu.memory_space<vmem>>, vector<1x256xf32>
    %mul3A_43 = arith.mulf %mul3A_33, %get3A_42 : vector<1x256xf32>
    %get3A_44 = arith.constant 0 : index
    %get3A_45 = arith.constant 0 : index
    %get3A_46 = vector.load %arg7[%get3A_44, %get3A_45] : memref<1x256xf32, #tpu.memory_space<vmem>>, vector<1x256xf32>
    %mul3A_47 = arith.mulf %add3A_39, %get3A_46 : vector<1x256xf32>
    %get3A_48 = arith.constant 0 : index
    %get3A_49 = arith.constant 0 : index
    %get3A_50 = vector.load %arg8[%get3A_48, %get3A_49] : memref<1x256xf32, #tpu.memory_space<vmem>>, vector<1x256xf32>
    %add3A_51 = arith.addf %mul3A_47, %get3A_50 : vector<1x256xf32>
    %mul3A_52 = arith.mulf %mul3A_43, %div3A_3 : vector<1x256xf32>
    %add3A_53 = arith.addf %mul3A_52, %add3A_51 : vector<1x256xf32>
    %mul3A_54 = arith.mulf %mul3A_43, %mul3A_43 : vector<1x256xf32>
    %mul3A_55 = arith.mulf %mul3A_54, %sub3A : vector<1x256xf32>
    %get3A_56 = arith.constant 0 : index
    %get3A_57 = arith.constant 0 : index
    %get3A_58 = vector.load %arg9[%get3A_56, %get3A_57] : memref<1x256xf32, #tpu.memory_space<vmem>>, vector<1x256xf32>
    %add3A_59 = arith.constant 9.99999974E-6 : f32
    %add3A_60 = vector.broadcast %add3A_59 : f32 to vector<1x256xf32>
    %add3A_61 = arith.addf %mul3A_55, %add3A_60 : vector<1x256xf32>
    %rsqrt3A_62 = math.rsqrt %add3A_61 : vector<1x256xf32>
    %mul3A_63 = arith.mulf %get3A_58, %rsqrt3A_62 : vector<1x256xf32>
    %mul3A_64 = arith.mulf %mul3A_43, %mul3A_63 : vector<1x256xf32>
    %sub3A_65 = arith.subf %add3A_51, %add3A_53 : vector<1x256xf32>
    %mul3A_66 = arith.mulf %sub3A_65, %mul3A_63 : vector<1x256xf32>
    %get3A_67 = arith.constant 0 : index
    %get3A_68 = arith.constant 0 : index
    %get3A_69 = vector.load %arg10[%get3A_67, %get3A_68] : memref<1x256xf32, #tpu.memory_space<vmem>>, vector<1x256xf32>
    %add3A_70 = arith.addf %mul3A_66, %get3A_69 : vector<1x256xf32>
    %get3A_71 = arith.constant 0 : index
    %get3A_72 = arith.constant 0 : index
    %get3A_73 = vector.load %arg1[%get3A_71, %get3A_72] : memref<1024x256xf32, #tpu.memory_space<vmem>>, vector<1024x256xf32>
    %mul3A_74 = vector.broadcast %mul3A_64 : vector<1x256xf32> to vector<1024x256xf32>
    %mul3A_75 = arith.mulf %get3A_73, %mul3A_74 : vector<1024x256xf32>
    %add3A_76 = vector.broadcast %add3A_70 : vector<1x256xf32> to vector<1024x256xf32>
    %add3A_77 = arith.addf %mul3A_75, %add3A_76 : vector<1024x256xf32>
    %max3A = arith.constant 0.000000e+00 : f32
    %max3A_78 = vector.broadcast %max3A : f32 to vector<1024x256xf32>
    %max3A_79 = arith.maximumf %add3A_77, %max3A_78 : vector<1024x256xf32>
    %get3A_80 = arith.constant 0 : index
    %get3A_81 = arith.constant 0 : index
    %get3A_82 = vector.load %arg11[%get3A_80, %get3A_81] : memref<256x256xf32, #tpu.memory_space<vmem>>, vector<256x256xf32>
    %dot_general3A = arith.constant dense<0.000000e+00> : vector<1024x256xf32>
    %dot_general3A_83 = tpu.matmul %max3A_79, %get3A_82, %dot_general3A {dimension_numbers = #tpu.dot_dimension_numbers<[1], [0], [0], [1], [0, 0, 1, 1], [], []>, precision = #tpu.contract_precision<fp32>, transpose_lhs_hint = false} : vector<1024x256xf32>, vector<256x256xf32>, vector<1024x256xf32> -> vector<1024x256xf32>
    %get3A_84 = arith.constant 0 : index
    %get3A_85 = arith.constant 0 : index
    %get3A_86 = vector.load %arg12[%get3A_84, %get3A_85] : memref<1x256xf32, #tpu.memory_space<vmem>>, vector<1x256xf32>
    %add3A_87 = vector.broadcast %get3A_86 : vector<1x256xf32> to vector<1024x256xf32>
    %add3A_88 = arith.addf %dot_general3A_83, %add3A_87 : vector<1024x256xf32>
    %swap3A = arith.constant 0 : index
    %swap3A_89 = arith.constant 0 : index
    %swap3A_90 = vector.load %arg13[%swap3A, %swap3A_89] : memref<1024x256xf32, #tpu.memory_space<vmem>>, vector<1024x256xf32>
    tpu.vector_store %arg13[%swap3A, %swap3A_89], %add3A_88 {strides = array<i32>} : memref<1024x256xf32, #tpu.memory_space<vmem>>, vector<1024x256xf32>,
    %mul3A_91 = arith.constant 1024 : i32
    %mul3A_92 = arith.muli %arg0, %mul3A_91 : i32
    %iota3A = tpu.iota {dimensions = array<i32: 0>} : vector<1024x1xi32>
    %add3A_93 = vector.broadcast %mul3A_92 : i32 to vector<1024x1xi32>
    %add3A_94 = arith.addi %add3A_93, %iota3A : vector<1024x1xi32>
    %lt3A = arith.constant 50515 : i32
    %lt3A_95 = vector.broadcast %lt3A : i32 to vector<1024x1xi32>
    %lt3A_96 = arith.cmpi slt, %add3A_94, %lt3A_95 : vector<1024x1xi32>
    %jit3A = arith.constant 0.000000e+00 : f32
    %broadcast_in_dim3A = vector.shape_cast %lt3A_96 : vector<1024x1xi1> to vector<1024x1xi1>
    %broadcast_in_dim3A_97 = vector.broadcast %broadcast_in_dim3A : vector<1024x1xi1> to vector<1024x256xi1>
    %broadcast_in_dim3A_98 = vector.broadcast %jit3A : f32 to vector<1024x256xf32>
    %select_n3A = arith.select %broadcast_in_dim3A_97, %add3A_88, %broadcast_in_dim3A_98 : vector<1024x256xi1>, vector<1024x256xf32>
    %reduce_sum3A = arith.constant dense<0.000000e+00> : vector<256xf32>
    %reduce_sum3A_99 = vector.multi_reduction <add>, %select_n3A, %reduce_sum3A [0] : vector<1024x256xf32> to vector<256xf32>
    %broadcast_in_dim3A_100 = vector.shape_cast %reduce_sum3A_99 : vector<256xf32> to vector<1x256xf32>
    %mul3A_101 = arith.mulf %select_n3A, %select_n3A : vector<1024x256xf32>
    %reduce_sum3A_102 = arith.constant dense<0.000000e+00> : vector<256xf32>
    %reduce_sum3A_103 = vector.multi_reduction <add>, %mul3A_101, %reduce_sum3A_102 [0] : vector<1024x256xf32> to vector<256xf32>
    %broadcast_in_dim3A_104 = vector.shape_cast %reduce_sum3A_103 : vector<256xf32> to vector<1x256xf32>
    %iota3A_105 = tpu.iota {dimensions = array<i32: 0>} : vector<8x256xi32>
    %eq3A = arith.constant 0 : i32
    %eq3A_106 = vector.broadcast %eq3A : i32 to vector<8x256xi32>
    %eq3A_107 = arith.cmpi eq, %iota3A_105, %eq3A_106 : vector<8x256xi32>
    %jit3A_108 = arith.constant 0.000000e+00 : f32
    %broadcast_in_dim3A_109 = vector.shape_cast %broadcast_in_dim3A_100 : vector<1x256xf32> to vector<1x256xf32>
    %broadcast_in_dim3A_110 = vector.broadcast %broadcast_in_dim3A_109 : vector<1x256xf32> to vector<8x256xf32>
    %broadcast_in_dim3A_111 = vector.broadcast %jit3A_108 : f32 to vector<8x256xf32>
    %select_n3A_112 = arith.select %eq3A_107, %broadcast_in_dim3A_110, %broadcast_in_dim3A_111 : vector<8x256xi1>, vector<8x256xf32>
    %eq3A_113 = arith.constant 1 : i32
    %eq3A_114 = vector.broadcast %eq3A_113 : i32 to vector<8x256xi32>
    %eq3A_115 = arith.cmpi eq, %iota3A_105, %eq3A_114 : vector<8x256xi32>
    %jit3A_116 = arith.constant 0.000000e+00 : f32
    %broadcast_in_dim3A_117 = vector.shape_cast %broadcast_in_dim3A_104 : vector<1x256xf32> to vector<1x256xf32>
    %broadcast_in_dim3A_118 = vector.broadcast %broadcast_in_dim3A_117 : vector<1x256xf32> to vector<8x256xf32>
    %broadcast_in_dim3A_119 = vector.broadcast %jit3A_116 : f32 to vector<8x256xf32>
    %select_n3A_120 = arith.select %eq3A_115, %broadcast_in_dim3A_118, %broadcast_in_dim3A_119 : vector<8x256xi1>, vector<8x256xf32>
    %add3A_121 = arith.addf %select_n3A_112, %select_n3A_120 : vector<8x256xf32>
    %eq3A_122 = arith.constant 0 : i32
    %eq3A_123 = arith.cmpi eq, %arg0, %eq3A_122 : i32
    %convert_element_type3A = arith.extui %eq3A_123 : i1 to i32
    %cond3A = arith.constant 0 : i32
    %cond3A_124 = arith.cmpi ne, %convert_element_type3A, %cond3A : i32
    scf.if %cond3A_124 {
      %broadcast_in_dim3A_132 = arith.constant 0.000000e+00 : f32
      %broadcast_in_dim3A_133 = vector.broadcast %broadcast_in_dim3A_132 : f32 to vector<8x256xf32>
      %swap3A_134 = arith.constant 0 : index
      %swap3A_135 = arith.constant 0 : index
      %swap3A_136 = vector.load %arg14[%swap3A_134, %swap3A_135] : memref<8x256xf32, #tpu.memory_space<vmem>>, vector<8x256xf32>
      tpu.vector_store %arg14[%swap3A_134, %swap3A_135], %broadcast_in_dim3A_133 {strides = array<i32>} : memref<8x256xf32, #tpu.memory_space<vmem>>, vector<8x256xf32>,
    } else {
    }
    %get3A_125 = arith.constant 0 : index
    %get3A_126 = arith.constant 0 : index
    %get3A_127 = vector.load %arg14[%get3A_125, %get3A_126] : memref<8x256xf32, #tpu.memory_space<vmem>>, vector<8x256xf32>
    %add3A_128 = arith.addf %get3A_127, %add3A_121 : vector<8x256xf32>
    %swap3A_129 = arith.constant 0 : index
    %swap3A_130 = arith.constant 0 : index
    %swap3A_131 = vector.load %arg14[%swap3A_129, %swap3A_130] : memref<8x256xf32, #tpu.memory_space<vmem>>, vector<8x256xf32>
    tpu.vector_store %arg14[%swap3A_129, %swap3A_130], %add3A_128 {strides = array<i32>} : memref<8x256xf32, #tpu.memory_space<vmem>>, vector<8x256xf32>,
    return
  }
  func.func @transform_0(%arg0: i32) -> (i32, i32) {
    %c0_i32 = arith.constant 0 : i32
    %c0_i32_0 = arith.constant 0 : i32
    return %arg0, %c0_i32 : i32, i32
  }
  func.func @transform_1(%arg0: i32) -> (i32, i32) {
    %c0_i32 = arith.constant 0 : i32
    %c0_i32_0 = arith.constant 0 : i32
    %c0_i32_1 = arith.constant 0 : i32
    return %c0_i32, %c0_i32_0 : i32, i32
  }
  func.func @transform_2(%arg0: i32) -> (i32, i32) {
    %c0_i32 = arith.constant 0 : i32
    %c0_i32_0 = arith.constant 0 : i32
    %c0_i32_1 = arith.constant 0 : i32
    return %c0_i32, %c0_i32_0 : i32, i32
  }
  func.func @transform_3(%arg0: i32) -> (i32, i32) {
    %c0_i32 = arith.constant 0 : i32
    %c0_i32_0 = arith.constant 0 : i32
    %c0_i32_1 = arith.constant 0 : i32
    return %c0_i32, %c0_i32_0 : i32, i32
  }
  func.func @transform_4(%arg0: i32) -> (i32, i32) {
    %c0_i32 = arith.constant 0 : i32
    %c0_i32_0 = arith.constant 0 : i32
    %c0_i32_1 = arith.constant 0 : i32
    return %c0_i32, %c0_i32_0 : i32, i32
  }
  func.func @transform_5(%arg0: i32) -> (i32, i32) {
    %c0_i32 = arith.constant 0 : i32
    %c0_i32_0 = arith.constant 0 : i32
    %c0_i32_1 = arith.constant 0 : i32
    return %c0_i32, %c0_i32_0 : i32, i32
  }
  func.func @transform_6(%arg0: i32) -> (i32, i32) {
    %c0_i32 = arith.constant 0 : i32
    %c0_i32_0 = arith.constant 0 : i32
    %c0_i32_1 = arith.constant 0 : i32
    return %c0_i32, %c0_i32_0 : i32, i32
  }
  func.func @transform_7(%arg0: i32) -> (i32, i32) {
    %c0_i32 = arith.constant 0 : i32
    %c0_i32_0 = arith.constant 0 : i32
    %c0_i32_1 = arith.constant 0 : i32
    return %c0_i32, %c0_i32_0 : i32, i32
  }
  func.func @transform_8(%arg0: i32) -> (i32, i32) {
    %c0_i32 = arith.constant 0 : i32
    %c0_i32_0 = arith.constant 0 : i32
    %c0_i32_1 = arith.constant 0 : i32
    return %c0_i32, %c0_i32_0 : i32, i32
  }
  func.func @transform_9(%arg0: i32) -> (i32, i32) {
    %c0_i32 = arith.constant 0 : i32
    %c0_i32_0 = arith.constant 0 : i32
    %c0_i32_1 = arith.constant 0 : i32
    return %c0_i32, %c0_i32_0 : i32, i32
  }
  func.func @transform_10(%arg0: i32) -> (i32, i32) {
    %c0_i32 = arith.constant 0 : i32
    %c0_i32_0 = arith.constant 0 : i32
    %c0_i32_1 = arith.constant 0 : i32
    return %c0_i32, %c0_i32_0 : i32, i32
  }
  func.func @transform_11(%arg0: i32) -> (i32, i32) {
    %c0_i32 = arith.constant 0 : i32
    %c0_i32_0 = arith.constant 0 : i32
    %c0_i32_1 = arith.constant 0 : i32
    return %c0_i32, %c0_i32_0 : i32, i32
  }
  func.func @transform_12(%arg0: i32) -> (i32, i32) {
    %c0_i32 = arith.constant 0 : i32
    %c0_i32_0 = arith.constant 0 : i32
    return %arg0, %c0_i32 : i32, i32
  }
  func.func @transform_13(%arg0: i32) -> (i32, i32) {
    %c0_i32 = arith.constant 0 : i32
    %c0_i32_0 = arith.constant 0 : i32
    %c0_i32_1 = arith.constant 0 : i32
    return %c0_i32, %c0_i32_0 : i32, i32
  }
}

module attributes {stable_mosaic.version = 14 : i64} {
  func.func @_p_kernel(%arg0: i32, %arg1: memref<1024x256xf32, #tpu.memory_space<vmem>>, %arg2: memref<8x256xf32, #tpu.memory_space<vmem>>, %arg3: memref<1x256xf32, #tpu.memory_space<vmem>>, %arg4: memref<1x256xf32, #tpu.memory_space<vmem>>, %arg5: memref<1x256xf32, #tpu.memory_space<vmem>>, %arg6: memref<1x256xf32, #tpu.memory_space<vmem>>, %arg7: memref<256x64xf32, #tpu.memory_space<vmem>>, %arg8: memref<1x64xf32, #tpu.memory_space<vmem>>, %arg9: memref<1024x64xf32, #tpu.memory_space<vmem>>, %arg10: memref<8x64xf32, #tpu.memory_space<vmem>>) attributes {dimension_semantics = [#tpu.dimension_semantics<arbitrary>], iteration_bounds = array<i64: 52>, scalar_prefetch = 0 : i64, scratch_operands = 0 : i64, tpu.core_type = #tpu.core_type<tc>, window_params = [{transform_indices = @transform_0, window_bounds = array<i64: 1024, 256>}, {pipeline_mode = #tpu.pipeline_mode<synchronous>, transform_indices = @transform_1, window_bounds = array<i64: 8, 256>}, {pipeline_mode = #tpu.pipeline_mode<synchronous>, transform_indices = @transform_2, window_bounds = array<i64: 1, 256>}, {pipeline_mode = #tpu.pipeline_mode<synchronous>, transform_indices = @transform_3, window_bounds = array<i64: 1, 256>}, {pipeline_mode = #tpu.pipeline_mode<synchronous>, transform_indices = @transform_4, window_bounds = array<i64: 1, 256>}, {pipeline_mode = #tpu.pipeline_mode<synchronous>, transform_indices = @transform_5, window_bounds = array<i64: 1, 256>}, {pipeline_mode = #tpu.pipeline_mode<synchronous>, transform_indices = @transform_6, window_bounds = array<i64: 256, 64>}, {pipeline_mode = #tpu.pipeline_mode<synchronous>, transform_indices = @transform_7, window_bounds = array<i64: 1, 64>}, {transform_indices = @transform_8, window_bounds = array<i64: 1024, 64>}, {pipeline_mode = #tpu.pipeline_mode<synchronous>, transform_indices = @transform_9, window_bounds = array<i64: 8, 64>}]} {
    %get3A = arith.constant 0 : index
    %get3A_0 = arith.constant 0 : index
    %get3A_1 = vector.load %arg2[%get3A, %get3A_0] : memref<8x256xf32, #tpu.memory_space<vmem>>, vector<1x256xf32>
    %div3A = arith.constant 5.051500e+04 : f32
    %div3A_2 = vector.broadcast %div3A : f32 to vector<1x256xf32>
    %div3A_3 = arith.divf %get3A_1, %div3A_2 : vector<1x256xf32>
    %get3A_4 = arith.constant 1 : index
    %get3A_5 = arith.constant 0 : index
    %get3A_6 = vector.load %arg2[%get3A_4, %get3A_5] : memref<8x256xf32, #tpu.memory_space<vmem>>, vector<1x256xf32>
    %div3A_7 = arith.constant 5.051500e+04 : f32
    %div3A_8 = vector.broadcast %div3A_7 : f32 to vector<1x256xf32>
    %div3A_9 = arith.divf %get3A_6, %div3A_8 : vector<1x256xf32>
    %mul3A = arith.mulf %div3A_3, %div3A_3 : vector<1x256xf32>
    %sub3A = arith.subf %div3A_9, %mul3A : vector<1x256xf32>
    %get3A_10 = arith.constant 0 : index
    %get3A_11 = arith.constant 0 : index
    %get3A_12 = vector.load %arg3[%get3A_10, %get3A_11] : memref<1x256xf32, #tpu.memory_space<vmem>>, vector<1x256xf32>
    %add3A = arith.constant 9.99999974E-6 : f32
    %add3A_13 = vector.broadcast %add3A : f32 to vector<1x256xf32>
    %add3A_14 = arith.addf %sub3A, %add3A_13 : vector<1x256xf32>
    %rsqrt3A = math.rsqrt %add3A_14 : vector<1x256xf32>
    %mul3A_15 = arith.mulf %get3A_12, %rsqrt3A : vector<1x256xf32>
    %get3A_16 = arith.constant 0 : index
    %get3A_17 = arith.constant 0 : index
    %get3A_18 = vector.load %arg4[%get3A_16, %get3A_17] : memref<1x256xf32, #tpu.memory_space<vmem>>, vector<1x256xf32>
    %mul3A_19 = arith.mulf %mul3A_15, %div3A_3 : vector<1x256xf32>
    %sub3A_20 = arith.subf %get3A_18, %mul3A_19 : vector<1x256xf32>
    %mul3A_21 = arith.mulf %mul3A_15, %div3A_3 : vector<1x256xf32>
    %add3A_22 = arith.addf %mul3A_21, %sub3A_20 : vector<1x256xf32>
    %mul3A_23 = arith.mulf %mul3A_15, %mul3A_15 : vector<1x256xf32>
    %mul3A_24 = arith.mulf %mul3A_23, %sub3A : vector<1x256xf32>
    %get3A_25 = arith.constant 0 : index
    %get3A_26 = arith.constant 0 : index
    %get3A_27 = vector.load %arg5[%get3A_25, %get3A_26] : memref<1x256xf32, #tpu.memory_space<vmem>>, vector<1x256xf32>
    %add3A_28 = arith.constant 9.99999974E-6 : f32
    %add3A_29 = vector.broadcast %add3A_28 : f32 to vector<1x256xf32>
    %add3A_30 = arith.addf %mul3A_24, %add3A_29 : vector<1x256xf32>
    %rsqrt3A_31 = math.rsqrt %add3A_30 : vector<1x256xf32>
    %mul3A_32 = arith.mulf %get3A_27, %rsqrt3A_31 : vector<1x256xf32>
    %mul3A_33 = arith.mulf %mul3A_15, %mul3A_32 : vector<1x256xf32>
    %sub3A_34 = arith.subf %sub3A_20, %add3A_22 : vector<1x256xf32>
    %mul3A_35 = arith.mulf %sub3A_34, %mul3A_32 : vector<1x256xf32>
    %get3A_36 = arith.constant 0 : index
    %get3A_37 = arith.constant 0 : index
    %get3A_38 = vector.load %arg6[%get3A_36, %get3A_37] : memref<1x256xf32, #tpu.memory_space<vmem>>, vector<1x256xf32>
    %add3A_39 = arith.addf %mul3A_35, %get3A_38 : vector<1x256xf32>
    %get3A_40 = arith.constant 0 : index
    %get3A_41 = arith.constant 0 : index
    %get3A_42 = vector.load %arg1[%get3A_40, %get3A_41] : memref<1024x256xf32, #tpu.memory_space<vmem>>, vector<1024x256xf32>
    %mul3A_43 = vector.broadcast %mul3A_33 : vector<1x256xf32> to vector<1024x256xf32>
    %mul3A_44 = arith.mulf %get3A_42, %mul3A_43 : vector<1024x256xf32>
    %add3A_45 = vector.broadcast %add3A_39 : vector<1x256xf32> to vector<1024x256xf32>
    %add3A_46 = arith.addf %mul3A_44, %add3A_45 : vector<1024x256xf32>
    %get3A_47 = arith.constant 0 : index
    %get3A_48 = arith.constant 0 : index
    %get3A_49 = vector.load %arg7[%get3A_47, %get3A_48] : memref<256x64xf32, #tpu.memory_space<vmem>>, vector<256x64xf32>
    %dot_general3A = arith.constant dense<0.000000e+00> : vector<1024x64xf32>
    %dot_general3A_50 = tpu.matmul %add3A_46, %get3A_49, %dot_general3A {dimension_numbers = #tpu.dot_dimension_numbers<[1], [0], [0], [1], [0, 0, 1, 1], [], []>, precision = #tpu.contract_precision<fp32>, transpose_lhs_hint = false} : vector<1024x256xf32>, vector<256x64xf32>, vector<1024x64xf32> -> vector<1024x64xf32>
    %get3A_51 = arith.constant 0 : index
    %get3A_52 = arith.constant 0 : index
    %get3A_53 = vector.load %arg8[%get3A_51, %get3A_52] : memref<1x64xf32, #tpu.memory_space<vmem>>, vector<1x64xf32>
    %add3A_54 = vector.broadcast %get3A_53 : vector<1x64xf32> to vector<1024x64xf32>
    %add3A_55 = arith.addf %dot_general3A_50, %add3A_54 : vector<1024x64xf32>
    %swap3A = arith.constant 0 : index
    %swap3A_56 = arith.constant 0 : index
    %swap3A_57 = vector.load %arg9[%swap3A, %swap3A_56] : memref<1024x64xf32, #tpu.memory_space<vmem>>, vector<1024x64xf32>
    tpu.vector_store %arg9[%swap3A, %swap3A_56], %add3A_55 {strides = array<i32>} : memref<1024x64xf32, #tpu.memory_space<vmem>>, vector<1024x64xf32>,
    %mul3A_58 = arith.constant 1024 : i32
    %mul3A_59 = arith.muli %arg0, %mul3A_58 : i32
    %iota3A = tpu.iota {dimensions = array<i32: 0>} : vector<1024x1xi32>
    %add3A_60 = vector.broadcast %mul3A_59 : i32 to vector<1024x1xi32>
    %add3A_61 = arith.addi %add3A_60, %iota3A : vector<1024x1xi32>
    %lt3A = arith.constant 50515 : i32
    %lt3A_62 = vector.broadcast %lt3A : i32 to vector<1024x1xi32>
    %lt3A_63 = arith.cmpi slt, %add3A_61, %lt3A_62 : vector<1024x1xi32>
    %jit3A = arith.constant 0.000000e+00 : f32
    %broadcast_in_dim3A = vector.shape_cast %lt3A_63 : vector<1024x1xi1> to vector<1024x1xi1>
    %broadcast_in_dim3A_64 = vector.broadcast %broadcast_in_dim3A : vector<1024x1xi1> to vector<1024x64xi1>
    %broadcast_in_dim3A_65 = vector.broadcast %jit3A : f32 to vector<1024x64xf32>
    %select_n3A = arith.select %broadcast_in_dim3A_64, %add3A_55, %broadcast_in_dim3A_65 : vector<1024x64xi1>, vector<1024x64xf32>
    %reduce_sum3A = arith.constant dense<0.000000e+00> : vector<64xf32>
    %reduce_sum3A_66 = vector.multi_reduction <add>, %select_n3A, %reduce_sum3A [0] : vector<1024x64xf32> to vector<64xf32>
    %broadcast_in_dim3A_67 = vector.shape_cast %reduce_sum3A_66 : vector<64xf32> to vector<1x64xf32>
    %mul3A_68 = arith.mulf %select_n3A, %select_n3A : vector<1024x64xf32>
    %reduce_sum3A_69 = arith.constant dense<0.000000e+00> : vector<64xf32>
    %reduce_sum3A_70 = vector.multi_reduction <add>, %mul3A_68, %reduce_sum3A_69 [0] : vector<1024x64xf32> to vector<64xf32>
    %broadcast_in_dim3A_71 = vector.shape_cast %reduce_sum3A_70 : vector<64xf32> to vector<1x64xf32>
    %iota3A_72 = tpu.iota {dimensions = array<i32: 0>} : vector<8x64xi32>
    %eq3A = arith.constant 0 : i32
    %eq3A_73 = vector.broadcast %eq3A : i32 to vector<8x64xi32>
    %eq3A_74 = arith.cmpi eq, %iota3A_72, %eq3A_73 : vector<8x64xi32>
    %jit3A_75 = arith.constant 0.000000e+00 : f32
    %broadcast_in_dim3A_76 = vector.shape_cast %broadcast_in_dim3A_67 : vector<1x64xf32> to vector<1x64xf32>
    %broadcast_in_dim3A_77 = vector.broadcast %broadcast_in_dim3A_76 : vector<1x64xf32> to vector<8x64xf32>
    %broadcast_in_dim3A_78 = vector.broadcast %jit3A_75 : f32 to vector<8x64xf32>
    %select_n3A_79 = arith.select %eq3A_74, %broadcast_in_dim3A_77, %broadcast_in_dim3A_78 : vector<8x64xi1>, vector<8x64xf32>
    %eq3A_80 = arith.constant 1 : i32
    %eq3A_81 = vector.broadcast %eq3A_80 : i32 to vector<8x64xi32>
    %eq3A_82 = arith.cmpi eq, %iota3A_72, %eq3A_81 : vector<8x64xi32>
    %jit3A_83 = arith.constant 0.000000e+00 : f32
    %broadcast_in_dim3A_84 = vector.shape_cast %broadcast_in_dim3A_71 : vector<1x64xf32> to vector<1x64xf32>
    %broadcast_in_dim3A_85 = vector.broadcast %broadcast_in_dim3A_84 : vector<1x64xf32> to vector<8x64xf32>
    %broadcast_in_dim3A_86 = vector.broadcast %jit3A_83 : f32 to vector<8x64xf32>
    %select_n3A_87 = arith.select %eq3A_82, %broadcast_in_dim3A_85, %broadcast_in_dim3A_86 : vector<8x64xi1>, vector<8x64xf32>
    %add3A_88 = arith.addf %select_n3A_79, %select_n3A_87 : vector<8x64xf32>
    %eq3A_89 = arith.constant 0 : i32
    %eq3A_90 = arith.cmpi eq, %arg0, %eq3A_89 : i32
    %convert_element_type3A = arith.extui %eq3A_90 : i1 to i32
    %cond3A = arith.constant 0 : i32
    %cond3A_91 = arith.cmpi ne, %convert_element_type3A, %cond3A : i32
    scf.if %cond3A_91 {
      %broadcast_in_dim3A_99 = arith.constant 0.000000e+00 : f32
      %broadcast_in_dim3A_100 = vector.broadcast %broadcast_in_dim3A_99 : f32 to vector<8x64xf32>
      %swap3A_101 = arith.constant 0 : index
      %swap3A_102 = arith.constant 0 : index
      %swap3A_103 = vector.load %arg10[%swap3A_101, %swap3A_102] : memref<8x64xf32, #tpu.memory_space<vmem>>, vector<8x64xf32>
      tpu.vector_store %arg10[%swap3A_101, %swap3A_102], %broadcast_in_dim3A_100 {strides = array<i32>} : memref<8x64xf32, #tpu.memory_space<vmem>>, vector<8x64xf32>,
    } else {
    }
    %get3A_92 = arith.constant 0 : index
    %get3A_93 = arith.constant 0 : index
    %get3A_94 = vector.load %arg10[%get3A_92, %get3A_93] : memref<8x64xf32, #tpu.memory_space<vmem>>, vector<8x64xf32>
    %add3A_95 = arith.addf %get3A_94, %add3A_88 : vector<8x64xf32>
    %swap3A_96 = arith.constant 0 : index
    %swap3A_97 = arith.constant 0 : index
    %swap3A_98 = vector.load %arg10[%swap3A_96, %swap3A_97] : memref<8x64xf32, #tpu.memory_space<vmem>>, vector<8x64xf32>
    tpu.vector_store %arg10[%swap3A_96, %swap3A_97], %add3A_95 {strides = array<i32>} : memref<8x64xf32, #tpu.memory_space<vmem>>, vector<8x64xf32>,
    return
  }
  func.func @transform_0(%arg0: i32) -> (i32, i32) {
    %c0_i32 = arith.constant 0 : i32
    %c0_i32_0 = arith.constant 0 : i32
    return %arg0, %c0_i32 : i32, i32
  }
  func.func @transform_1(%arg0: i32) -> (i32, i32) {
    %c0_i32 = arith.constant 0 : i32
    %c0_i32_0 = arith.constant 0 : i32
    %c0_i32_1 = arith.constant 0 : i32
    return %c0_i32, %c0_i32_0 : i32, i32
  }
  func.func @transform_2(%arg0: i32) -> (i32, i32) {
    %c0_i32 = arith.constant 0 : i32
    %c0_i32_0 = arith.constant 0 : i32
    %c0_i32_1 = arith.constant 0 : i32
    return %c0_i32, %c0_i32_0 : i32, i32
  }
  func.func @transform_3(%arg0: i32) -> (i32, i32) {
    %c0_i32 = arith.constant 0 : i32
    %c0_i32_0 = arith.constant 0 : i32
    %c0_i32_1 = arith.constant 0 : i32
    return %c0_i32, %c0_i32_0 : i32, i32
  }
  func.func @transform_4(%arg0: i32) -> (i32, i32) {
    %c0_i32 = arith.constant 0 : i32
    %c0_i32_0 = arith.constant 0 : i32
    %c0_i32_1 = arith.constant 0 : i32
    return %c0_i32, %c0_i32_0 : i32, i32
  }
  func.func @transform_5(%arg0: i32) -> (i32, i32) {
    %c0_i32 = arith.constant 0 : i32
    %c0_i32_0 = arith.constant 0 : i32
    %c0_i32_1 = arith.constant 0 : i32
    return %c0_i32, %c0_i32_0 : i32, i32
  }
  func.func @transform_6(%arg0: i32) -> (i32, i32) {
    %c0_i32 = arith.constant 0 : i32
    %c0_i32_0 = arith.constant 0 : i32
    %c0_i32_1 = arith.constant 0 : i32
    return %c0_i32, %c0_i32_0 : i32, i32
  }
  func.func @transform_7(%arg0: i32) -> (i32, i32) {
    %c0_i32 = arith.constant 0 : i32
    %c0_i32_0 = arith.constant 0 : i32
    %c0_i32_1 = arith.constant 0 : i32
    return %c0_i32, %c0_i32_0 : i32, i32
  }
  func.func @transform_8(%arg0: i32) -> (i32, i32) {
    %c0_i32 = arith.constant 0 : i32
    %c0_i32_0 = arith.constant 0 : i32
    return %arg0, %c0_i32 : i32, i32
  }
  func.func @transform_9(%arg0: i32) -> (i32, i32) {
    %c0_i32 = arith.constant 0 : i32
    %c0_i32_0 = arith.constant 0 : i32
    %c0_i32_1 = arith.constant 0 : i32
    return %c0_i32, %c0_i32_0 : i32, i32
  }
}

module attributes {stable_mosaic.version = 14 : i64} {
  func.func @_final_kernel(%arg0: i32, %arg1: memref<1024x64xf32, #tpu.memory_space<vmem>>, %arg2: memref<1024x64xf32, #tpu.memory_space<vmem>>, %arg3: memref<8x64xf32, #tpu.memory_space<vmem>>, %arg4: memref<1x64xf32, #tpu.memory_space<vmem>>, %arg5: memref<1x64xf32, #tpu.memory_space<vmem>>, %arg6: memref<1024x64xf32, #tpu.memory_space<vmem>>) attributes {dimension_semantics = [#tpu.dimension_semantics<arbitrary>], iteration_bounds = array<i64: 52>, scalar_prefetch = 0 : i64, scratch_operands = 0 : i64, tpu.core_type = #tpu.core_type<tc>, window_params = [{transform_indices = @transform_0, window_bounds = array<i64: 1024, 64>}, {transform_indices = @transform_1, window_bounds = array<i64: 1024, 64>}, {pipeline_mode = #tpu.pipeline_mode<synchronous>, transform_indices = @transform_2, window_bounds = array<i64: 8, 64>}, {pipeline_mode = #tpu.pipeline_mode<synchronous>, transform_indices = @transform_3, window_bounds = array<i64: 1, 64>}, {pipeline_mode = #tpu.pipeline_mode<synchronous>, transform_indices = @transform_4, window_bounds = array<i64: 1, 64>}, {transform_indices = @transform_5, window_bounds = array<i64: 1024, 64>}]} {
    %get3A = arith.constant 0 : index
    %get3A_0 = arith.constant 0 : index
    %get3A_1 = vector.load %arg4[%get3A, %get3A_0] : memref<1x64xf32, #tpu.memory_space<vmem>>, vector<1x64xf32>
    %get3A_2 = arith.constant 0 : index
    %get3A_3 = arith.constant 0 : index
    %get3A_4 = vector.load %arg5[%get3A_2, %get3A_3] : memref<1x64xf32, #tpu.memory_space<vmem>>, vector<1x64xf32>
    %get3A_5 = arith.constant 0 : index
    %get3A_6 = arith.constant 0 : index
    %get3A_7 = vector.load %arg3[%get3A_5, %get3A_6] : memref<8x64xf32, #tpu.memory_space<vmem>>, vector<1x64xf32>
    %div3A = arith.constant 5.051500e+04 : f32
    %div3A_8 = vector.broadcast %div3A : f32 to vector<1x64xf32>
    %div3A_9 = arith.divf %get3A_7, %div3A_8 : vector<1x64xf32>
    %get3A_10 = arith.constant 1 : index
    %get3A_11 = arith.constant 0 : index
    %get3A_12 = vector.load %arg3[%get3A_10, %get3A_11] : memref<8x64xf32, #tpu.memory_space<vmem>>, vector<1x64xf32>
    %div3A_13 = arith.constant 5.051500e+04 : f32
    %div3A_14 = vector.broadcast %div3A_13 : f32 to vector<1x64xf32>
    %div3A_15 = arith.divf %get3A_12, %div3A_14 : vector<1x64xf32>
    %mul3A = arith.mulf %div3A_9, %div3A_9 : vector<1x64xf32>
    %sub3A = arith.subf %div3A_15, %mul3A : vector<1x64xf32>
    %add3A = arith.constant 9.99999974E-6 : f32
    %add3A_16 = vector.broadcast %add3A : f32 to vector<1x64xf32>
    %add3A_17 = arith.addf %sub3A, %add3A_16 : vector<1x64xf32>
    %sqrt3A = math.sqrt %add3A_17 : vector<1x64xf32>
    %div3A_18 = arith.divf %get3A_1, %sqrt3A : vector<1x64xf32>
    %mul3A_19 = arith.mulf %div3A_18, %div3A_9 : vector<1x64xf32>
    %sub3A_20 = arith.subf %get3A_4, %mul3A_19 : vector<1x64xf32>
    %get3A_21 = arith.constant 0 : index
    %get3A_22 = arith.constant 0 : index
    %get3A_23 = vector.load %arg1[%get3A_21, %get3A_22] : memref<1024x64xf32, #tpu.memory_space<vmem>>, vector<1024x64xf32>
    %mul3A_24 = vector.broadcast %div3A_18 : vector<1x64xf32> to vector<1024x64xf32>
    %mul3A_25 = arith.mulf %get3A_23, %mul3A_24 : vector<1024x64xf32>
    %add3A_26 = vector.broadcast %sub3A_20 : vector<1x64xf32> to vector<1024x64xf32>
    %add3A_27 = arith.addf %mul3A_25, %add3A_26 : vector<1024x64xf32>
    %get3A_28 = arith.constant 0 : index
    %get3A_29 = arith.constant 0 : index
    %get3A_30 = vector.load %arg2[%get3A_28, %get3A_29] : memref<1024x64xf32, #tpu.memory_space<vmem>>, vector<1024x64xf32>
    %add3A_31 = arith.addf %add3A_27, %get3A_30 : vector<1024x64xf32>
    %max3A = arith.constant 0.000000e+00 : f32
    %max3A_32 = vector.broadcast %max3A : f32 to vector<1024x64xf32>
    %max3A_33 = arith.maximumf %add3A_31, %max3A_32 : vector<1024x64xf32>
    %swap3A = arith.constant 0 : index
    %swap3A_34 = arith.constant 0 : index
    %swap3A_35 = vector.load %arg6[%swap3A, %swap3A_34] : memref<1024x64xf32, #tpu.memory_space<vmem>>, vector<1024x64xf32>
    tpu.vector_store %arg6[%swap3A, %swap3A_34], %max3A_33 {strides = array<i32>} : memref<1024x64xf32, #tpu.memory_space<vmem>>, vector<1024x64xf32>,
    return
  }
  func.func @transform_0(%arg0: i32) -> (i32, i32) {
    %c0_i32 = arith.constant 0 : i32
    %c0_i32_0 = arith.constant 0 : i32
    return %arg0, %c0_i32 : i32, i32
  }
  func.func @transform_1(%arg0: i32) -> (i32, i32) {
    %c0_i32 = arith.constant 0 : i32
    %c0_i32_0 = arith.constant 0 : i32
    return %arg0, %c0_i32 : i32, i32
  }
  func.func @transform_2(%arg0: i32) -> (i32, i32) {
    %c0_i32 = arith.constant 0 : i32
    %c0_i32_0 = arith.constant 0 : i32
    %c0_i32_1 = arith.constant 0 : i32
    return %c0_i32, %c0_i32_0 : i32, i32
  }
  func.func @transform_3(%arg0: i32) -> (i32, i32) {
    %c0_i32 = arith.constant 0 : i32
    %c0_i32_0 = arith.constant 0 : i32
    %c0_i32_1 = arith.constant 0 : i32
    return %c0_i32, %c0_i32_0 : i32, i32
  }
  func.func @transform_4(%arg0: i32) -> (i32, i32) {
    %c0_i32 = arith.constant 0 : i32
    %c0_i32_0 = arith.constant 0 : i32
    %c0_i32_1 = arith.constant 0 : i32
    return %c0_i32, %c0_i32_0 : i32, i32
  }
  func.func @transform_5(%arg0: i32) -> (i32, i32) {
    %c0_i32 = arith.constant 0 : i32
    %c0_i32_0 = arith.constant 0 : i32
    return %arg0, %c0_i32 : i32, i32
  }
}

</mosaic_0001>

<sc_bundles>
// kernel: kernel.11.cloned.1.call-start
scs
__scs_entry_jumppad:
0x0: {  	(pc) =	sbr.rel $0x88, $3  }
0x1: {  	(tag) =	ssettag $0x0;
	lr =	simm.s32 $0x1  }
0x2: {  	[smem:$0x3F73] =	sst lr;
	_ =	strace $0xD0000000  }
0x3: {  	_ = 	snop  }
0x4: {  	_ = 	snop  }
0x5: {  	_ = 	snop  }
0x6: {  	_ = 	snop  }
0x7: {  	_ = 	snop  }
__scs_overlays_trampoline_lowered:
0x8: {  	[smem:$0x3F82] =	sst s0  }
0x9: {  	[smem:$0x3F83] =	sst s1  }
0xa: {  	[smem:$0x3F84] =	sst s2  }
0xb: {  	[smem:$0x3F85] =	sst s3  }
0xc: {  	[smem:$0x3F86] =	sst s4  }
0xd: {  	[smem:$0x3F87] =	sst s5  }
0xe: {  	[smem:$0x3F88] =	sst s6  }
0xf: {  	[smem:$0x3F89] =	sst s7  }
0x10: {  	[smem:$0x3F8A] =	sst s8  }
0x11: {  	[smem:$0x3F8B] =	sst s9;
	s0 =	simm.s32 @!p0 $0x0  }
0x12: {  	s1 =	sld [smem:$0x3F71];
	s0 =	simm.s32 @p0 $0x1  }
0x13: {  	[smem:$0x3F8C] =	sst s0;
	s0 =	simm.s32 @!p1 $0x0  }
0x14: {  	s2 =	sld [smem:$0x3F70];
	s0 =	simm.s32 @p1 $0x1  }
0x15: {  	[smem:$0x3F8D] =	sst s0;
	s0 =	simm.s32 @!p2 $0x0  }
0x16: {  	s3 =	sld [smem:$0x3FDB];
	s0 =	simm.s32 @p2 $0x1  }
0x17: {  	s4 =	simm.s32 $0x1BF5;
	[smem:$0x3F8F] =	sst s0  }
0x18: {  	s0 =	sld [smem:$0x3F72];
	_ =	swait.ge [sflag:s4], $0x0  }
0x19: {  	s7 =	sld [smem:$0x3F73]  }
0x1a: {  	s8 =	sadd.s32 $0xFFFFE003, lr  }
0x1b: {  	s9 =	sadd.s32 $0xFFFFFEF7, lr;
	s5 =	simm.s32 $0xFFFFFFFF;
	p2 =	slt.u32 s8, $0xFFFFF086  }
0x1c: {  	p1 =	slt.u32 s9, $0xF7A;
	s5 =	simm.s32 @!p2 $0x0  }
0x1d: {  	s5 =	simm.s32 @p1 $0x1;
	p0 =	seq.s32 s7, s2  }
0x1e: {  	s7 =	smul.u32 @!p0 $0xF7A, s2;
	p2 =	seq.s32 @!p0 s5, $0x0  }
0x1f: {  	s9 =	smul.u32 $0xF7A, s1;
	s8 =	simm.s32 @!p0 $0x1BF5;
	p2 =	por !p2, p0  }
0x20: {  	[sflag:s8] =	ssyncset.s32 @!p0 $0xFFFFF086;
	s6 =	sadd.s32 @!p0 s3, s7;
	s7 =	simm.s32 @!p0 $0x108  }
0x21: {  	s3 =	sadd.s32 s3, s9;
	s6 =	sadd.s32 @!p0 $0x88, s6;
	s7 =	simm.s32 @p2 $0x1082  }
0x22: {  	[simem:s7], [sflag:s8] =	dma.local @!p0 [hbm:s6], $0xF7A  }
0x23: {  	s9 =	sor.u32 $0xD0000000, s2;
	s6 =	simm.s32 $0x108;
	_ =	swait.ge @!p0 [sflag:s8], $0x0  }
0x24: {  	s3 =	sadd.s32 $0x88, s3;
	s6 =	simm.s32 @!p1 $0x1082;
	[sflag:s4] =	ssyncset.s32 $0xFFFFF086  }
0x25: {  	[simem:s6], [sflag:s4] =	dma.local [hbm:s3], $0xF7A  }
0x26: {  	[smem:$0x3F73] =	sst s1;
	(tag) =	ssettag s2;
	_ =	strace s9  }
0x27: {  	s1 =	sld [smem:$0x3F83]  }
0x28: {  	s2 =	sld [smem:$0x3F84]  }
0x29: {  	s4 =	sld [smem:$0x3F86]  }
0x2a: {  	p0 =	seq.s32 s5, $0x0;
	s5 =	sld [smem:$0x3F87]  }
0x2b: {  	s6 =	sld [smem:$0x3F88]  }
0x2c: {  	s7 =	sld [smem:$0x3F89]  }
0x2d: {  	s3 =	simm.s32 $0x108;
	s8 =	sld [smem:$0x3F8A]  }
0x2e: {  	s3 =	simm.s32 @!p0 $0x1082;
	s9 =	sld [smem:$0x3F8B]  }
0x2f: {  	lr =	sadd.s32 s0, s3;
	s0 =	sld [smem:$0x3F82]  }
0x30: {  	s3 =	sld [smem:$0x3F85]  }
0x31: {  	[smem:$0x3F8E] =	sst s10  }
0x32: {  	s10 =	sld [smem:$0x3F8C];
	_ =	sdelay $0x3  }
0x33: {  	p0 =	seq.s32 s10, $0x1;
	s10 =	sld [smem:$0x3F8E];
	_ =	sdelay $0x3  }
0x34: {  	[smem:$0x3F8E] =	sst s10  }
0x35: {  	s10 =	sld [smem:$0x3F8D];
	_ =	sdelay $0x3  }
0x36: {  	p1 =	seq.s32 s10, $0x1;
	s10 =	sld [smem:$0x3F8E];
	_ =	sdelay $0x3  }
0x37: {  	[smem:$0x3F8E] =	sst s10  }
0x38: {  	s10 =	sld [smem:$0x3F8F]  }
0x39: {  	_ = 	snop;
	(pc) =	sbr.ind lr, $3  }
0x3a: {  	_ = 	snop  }
0x3b: {  	_ = 	snop  }
0x3c: {  	p2 =	seq.s32 s10, $0x1;
	s10 =	sld [smem:$0x3F8E]  }
0x3d: {  	_ =	shalt  }
0x3e: {  	_ =	shalt  }
0x3f: {  	_ =	shalt  }
0x40: {  	_ =	shalt  }
0x41: {  	_ =	shalt  }
0x42: {  	_ =	shalt  }
0x43: {  	_ =	shalt  }
0x44: {  	_ =	shalt  }
0x45: {  	_ =	shalt  }
0x46: {  	_ =	shalt  }
0x47: {  	_ =	shalt  }
0x48: {  	_ =	shalt  }
0x49: {  	_ =	shalt  }
0x4a: {  	_ =	shalt  }
0x4b: {  	_ =	shalt  }
0x4c: {  	_ =	shalt  }
0x4d: {  	_ =	shalt  }
0x4e: {  	_ =	shalt  }
0x4f: {  	_ =	shalt  }
0x50: {  	_ =	shalt  }
0x51: {  	_ =	shalt  }
0x52: {  	_ =	shalt  }
0x53: {  	_ =	shalt  }
0x54: {  	_ =	shalt  }
0x55: {  	_ =	shalt  }
0x56: {  	_ =	shalt  }
0x57: {  	_ =	shalt  }
0x58: {  	_ =	shalt  }
0x59: {  	_ =	shalt  }
0x5a: {  	_ =	shalt  }
0x5b: {  	_ =	shalt  }
0x5c: {  	_ =	shalt  }
0x5d: {  	_ =	shalt  }
0x5e: {  	_ =	shalt  }
0x5f: {  	_ =	shalt  }
0x60: {  	_ =	shalt  }
0x61: {  	_ =	shalt  }
0x62: {  	_ =	shalt  }
0x63: {  	_ =	shalt  }
0x64: {  	_ =	shalt  }
0x65: {  	_ =	shalt  }
0x66: {  	_ =	shalt  }
0x67: {  	_ =	shalt  }
0x68: {  	_ =	shalt  }
0x69: {  	_ =	shalt  }
0x6a: {  	_ =	shalt  }
0x6b: {  	_ =	shalt  }
0x6c: {  	_ =	shalt  }
0x6d: {  	_ =	shalt  }
0x6e: {  	_ =	shalt  }
0x6f: {  	_ =	shalt  }
0x70: {  	_ =	shalt  }
0x71: {  	_ =	shalt  }
0x72: {  	_ =	shalt  }
0x73: {  	_ =	shalt  }
0x74: {  	_ =	shalt  }
0x75: {  	_ =	shalt  }
0x76: {  	_ =	shalt  }
0x77: {  	_ =	shalt  }
0x78: {  	_ =	shalt  }
0x79: {  	_ =	shalt  }
0x7a: {  	_ =	shalt  }
0x7b: {  	_ =	shalt  }
0x7c: {  	_ =	shalt  }
0x7d: {  	_ =	shalt  }
0x7e: {  	_ =	shalt  }
0x7f: {  	_ =	shalt  }
0x80: {  	_ =	shalt  }
0x81: {  	_ =	shalt  }
0x82: {  	_ =	shalt  }
0x83: {  	_ =	shalt  }
0x84: {  	_ =	shalt  }
0x85: {  	_ =	shalt  }
0x86: {  	_ =	shalt  }
0x87: {  	_ =	shalt  }
.Lfunc_end0:
.L_simem_size_0:
called_computation_lowered:
.L_overlay_start_0:
0x88: {  	s2 =	sld [smem:$0x3FD9]  }
0x89: {  	s3 =	sld [smem:$0x3FFE];
	_ =	sdelay $0x1  }
0x8a: {  	s1 =	srdreg.scid  }
0x8b: {  	s0 =	sand.u32 $0x1, s1  }
0x8c: {  	s14 =	sshll.u32 s0, $0xA;
	s2 =	sadd.s32 s3, s2  }
0x8d: {  	s2 =	sadd.s32 s2, s14  }
0x8e: {  	[smem:$0x3F9A] =	sst s2  }
0x8f: {  	_ = 	snop  }
0x90: {  	s2 =	sld [smem:$0x3FD0];
	_ =	sdelay $0x2  }
0x91: {  	s15 =	simm.s32 $0xA;
	s4 =	simm.s32 $0x10  }
0x92: {  	[smem:s4], [sflag:s15] =	dma.local [hbm:s2], $0x1  }
0x93: {  	_ =	swait.eq [sflag:s15], $0x1  }
0x94: {  	[sflag:s15] =	ssyncset.done $0x0  }
0x95: {  	[sflag:s15] =	ssyncadd.s32 $0xFFFFFFFF  }
0x96: {  	s16 =	sld [smem:$0x10];
	(tm) =	ssettm $0x1  }
0x97: {  	s17 =	sld [smem:$0x3FFB];
	_ =	sdelay $0x3  }
0x98: {  	_ =	strace s17  }
0x99: {  	s3 =	sld [smem:$0x3FFC];
	_ =	sdelay $0x3  }
0x9a: {  	_ =	strace s3  }
0x9b: {  	s3 =	sld [smem:$0x3FFD];
	_ =	sdelay $0x3  }
0x9c: {  	_ =	strace s3  }
0x9d: {  	_ =	strace $0x8FFFFFFF  }
0x9e: {  	s18 =	sld [smem:$0x3FDB];
	_ =	sdelay $0x1  }
0x9f: {  	s19 =	simm.s32 $_scs_section_size  }
0xa0: {  	s5 =	simm.s32 $_size__tile_overlayer_lowered;
	s6 =	simm.s32 $_tile_overlayer_lowered  }
0xa1: {  	s22 =	simm.s32 $0x1BFF;
	s21 =	sshll.u32 s6, $0x1;
	s3 =	sadd.s32 s19, s18  }
0xa2: {  	s7 =	simm.s32 $0x0;
	s20 =	sshll.u32 s5, $0x1;
	s5 =	sadd.s32 s21, s3  }
0xa3: {  	[timem:s7], [sflag:s22] =	dma.local [hbm:s5], s20  }
0xa4: {  	_ =	swait.ge [sflag:s22], s20  }
0xa5: {  	s4 =	ssub.s32 $0x0, s20;
	[sflag:s22] =	ssyncset.done $0x0  }
0xa6: {  	[sflag:s22] =	ssyncadd.s32 s4;
	_ =	sdelay $0x1  }
0xa7: {  	s23 =	simm.s32 $0x1B8B  }
0xa8: {  	_ =	swait.ge [sflag:s23], $0x1  }
0xa9: {  	[sflag:s23] =	ssyncset.done $0x0  }
0xaa: {  	s25 =	simm.s32 $0x1B8E;
	s24 =	sld [smem:$0x3FFE];
	[sflag:s23] =	ssyncadd.s32 $0xFFFFFFFF  }
0xab: {  	s26 =	simm.s32 $execute0_lowered;
	[smem:$0x3FD2] =	sst s25  }
0xac: {  	s5 =	sshll.u32 s26, $0x1;
	_ =	strace $0x80000046;
	[dreg:$0x1] =	wrdreg $0xFFFFFFFF  }
0xad: {  	s28 =	simm.s32 $_size_execute0_lowered;
	s3 =	sadd.s32 s3, s5;
	[dreg:$0x0] =	wrdreg $0x0  }
0xae: {  	s5 =	sshll.u32 s28, $0x1;
	[dreg:$0x2] =	wrdreg s3  }
0xaf: {  	[dreg:$0x3] =	wrdreg s5  }
0xb0: {  	[dreg:$0x4] =	wrdreg $0xC0  }
0xb1: {  	_ =	task [dreg:s7], $0x5FFFF  }
0xb2: {  	[dreg:$0x1] =	wrdreg $0xFFFFFFFF  }
0xb3: {  	[dreg:$0x0] =	wrdreg $0x60  }
0xb4: {  	[dreg:$0x2] =	wrdreg s16  }
0xb5: {  	[dreg:$0x3] =	wrdreg s24  }
0xb6: {  	[dreg:$0x4] =	wrdreg $0x9  }
0xb7: {  	_ =	task.clear_ibuf [dreg:s7], $0x5FFFF;
	_ =	strace $0x90000046  }
0xb8: {  	s29 =	simm.s32 $0x9;
	_ =	strace $0x80000048  }
0xb9: {  	_ =	swait.ge [sflag:s29], $0x1  }
0xba: {  	[sflag:s29] =	ssyncadd.s32 $0xFFFFFFFF  }
0xbb: {  	_ =	strace $0x90000048  }
0xbc: {  	_ =	sfence  }
0xbd: {  	s30 =	sld [smem:$0x0];
	_ =	sdelay $0x2  }
0xbe: {  	s31 =	sshll.u32 s1, $0xD;
	s1 =	sshrl.u32 s1, $0x2  }
0xbf: {  	s3 =	sand.u32 $0x4000, s31;
	s1 =	sadd.s32 s1, s30  }
0xc0: {  	s0 =	sor.u32 s3, s0;
	s1 =	sshll.u32 s1, $0x11  }
0xc1: {  	s0 =	sor.u32 s1, s0  }
0xc2: {  	s0 =	sadd.s32 $0x8F2B, s0  }
0xc3: {  	[sflag:s0] =	ssyncadd.remote.s32 $0x1  }
0xc4: {  	_ =	sfence.sel $0xFFFF  }
0xc5: {  	[dreg:$0x0] =	wrdreg $0xFFFFFFFF;
	(pc) =	sbr.abs _section_cstart, $3  }
0xc6: {  	[dreg:$0x1] =	wrdreg $0xFFFFFFFF  }
0xc7: {  	_ =	task.clear_ibuf [dreg:s7], $0x2FFFF;
	_ =	strace $0x9FFFFFFF  }
0xc8: {  	(tm) =	ssettm $0x7FFFFFFF  }
0xc9: {  	_ =	shalt  }
tec
execute0_lowered:
.L_overlay_start_1:
0x0: {  	(tag) =	ssettag $0x1  }
0x1: {  	s0 =	srdreg.scid;
	s2 =	rddreg [dreg:$0x0]  }
0x2: {  	s8 =	stileid.u32;
	s5 =	rddreg [dreg:$0x1]  }
0x3: {  	s3 =	simm.s32 $0x0;
	s11 =	simm.s32 $0x2;
	s12 =	simm.s32 $0x80  }
0x4: {  	s13 =	simm.s32 $0x8A80;
	s19 =	simm.s32 $0x1;
	s20 =	simm.s32 $0x400  }
0x5: {  	s21 =	simm.s32 $0x1400;
	s22 =	simm.s32 $0x100;
	s23 =	simm.s32 $0x2400  }
0x6: {  	s24 =	simm.s32 $0x180;
	s28 =	simm.s32 $0x4400;
	s29 =	simm.s32 $0x280  }
0x7: {  	s30 =	simm.s32 $0x5400;
	s31 =	simm.s32 $0x300;
	s1 =	smul.u32 $0xD000, s8  }
0x8: {  	s0 =	sand.u32 $0x1, s0;
	s6 =	sshll.u32 s8, $0x1;
	s8 =	smul.u32 $0x34000, s8  }
0x9: {  	s14 =	simm.s32 $0x7400;
	[smem:$0x7FF] =	sst s3;
	s4 =	smul.u32 $0x6800, s0  }
0xa: {  	s6 =	sor.u32 s0, s6;
	s9 =	ssub.s32 $0x2, s0;
	s0 =	smul.u32 $0x1A000, s0  }
0xb: {  	s15 =	simm.s32 $0x0;
	_ =	strace $0x80000047;
	s7 =	smul.u32 $0xD0, s6  }
0xc: {  	s6 =	smul.u32 $0x680, s6;
	s8 =	sadd.s32 s8, s5;
	s25 =	sshrl.u32 s9, $0x1  }
0xd: {  	s1 =	sadd.s32 s4, s1;
	s4 =	sadd.s32 $0x49B600, s5;
	s9 =	ssub.s32 s9, s25  }
0xe: {  	s0 =	sadd.s32 s0, s8;
	s25 =	simm.s32 $0x3400;
	s1 =	sshrl.u32 s1, $0x3  }
0xf: {  	s7 =	sadd.s32 s7, s5;
	s8 =	sadd.s32 $0x30000, s0;
	s0 =	simm.s32 $0x380  }
0x10: {  	s1 =	sadd.s32 s1, s5;
	s5 =	sadd.s32 s6, s5;
	s26 =	sadd.s32 $0x21600, s7  }
0x11: {  	s7 =	smax.u32 s9, $0x1;
	[dreg:$0x3] =	wrdreg s26;
	s6 =	sadd.s32 $0x23000, s5  }
0x12: {  	s9 =	sadd.s32 $0x7600, s1;
	s26 =	simm.s32 $0x200;
	s1 =	simm.s32 $0x6400  }
.LBB2_1:
0x13: {  	s5 =	rddreg [dreg:$0x3];
	s10 =	simm.s32 $0x8400  }
0x14: {  	[tilespmem:s10], [sflag:$0x2] =	stream.linear.gather [hbm4b:s5+s3], $0x680, $0x38;
	[tilespmem:$0xBE80] =	vst v63  }
0x15: {  	_ =	swait.ge [sflag:s11], $0x680  }
0x16: {  	[sflag:s11] =	ssyncset.done $0x0  }
0x17: {  	[sflag:s11] =	ssyncadd.s32 $0xFFFFF980  }
0x18: {  	[tilespmem:s13], [sflag:$0x1] =	stream.indirect.gather [hbm4b:s4+s12], $0x8, s10, s12, $0xb8;
	[tilespmem:$0xBE80] =	vst v63  }
0x19: {  	s17 =	simm.s32 $0x8480;
	s18 =	simm.s32 $0x8E80  }
0x1a: {  	[tilespmem:s18], [sflag:$0x1] =	stream.indirect.gather [hbm4b:s4+s12], $0x8, s17, s12, $0xb8;
	[tilespmem:$0xBE80] =	vst v63  }
0x1b: {  	s16 =	simm.s32 $0x9280;
	s10 =	simm.s32 $0x8500  }
0x1c: {  	[tilespmem:s16], [sflag:$0x1] =	stream.indirect.gather [hbm4b:s4+s12], $0x8, s10, s12, $0xb8;
	[tilespmem:$0xBE80] =	vst v63  }
0x1d: {  	s17 =	simm.s32 $0x8580;
	s18 =	simm.s32 $0x9680  }
0x1e: {  	[tilespmem:s18], [sflag:$0x1] =	stream.indirect.gather [hbm4b:s4+s12], $0x8, s17, s12, $0xb8;
	[tilespmem:$0xBE80] =	vst v63  }
0x1f: {  	s10 =	simm.s32 $0x8600;
	s16 =	simm.s32 $0x9A80  }
0x20: {  	[tilespmem:s16], [sflag:$0x1] =	stream.indirect.gather [hbm4b:s4+s12], $0x8, s10, s12, $0xb8;
	[tilespmem:$0xBE80] =	vst v63  }
0x21: {  	s17 =	simm.s32 $0x8680;
	s18 =	simm.s32 $0x9E80  }
0x22: {  	[tilespmem:s18], [sflag:$0x1] =	stream.indirect.gather [hbm4b:s4+s12], $0x8, s17, s12, $0xb8;
	[tilespmem:$0xBE80] =	vst v63  }
0x23: {  	s10 =	simm.s32 $0x8700;
	s16 =	simm.s32 $0xA280  }
0x24: {  	[tilespmem:s16], [sflag:$0x1] =	stream.indirect.gather [hbm4b:s4+s12], $0x8, s10, s12, $0xb8;
	[tilespmem:$0xBE80] =	vst v63  }
0x25: {  	s17 =	simm.s32 $0x8780;
	s18 =	simm.s32 $0xA680  }
0x26: {  	[tilespmem:s18], [sflag:$0x1] =	stream.indirect.gather [hbm4b:s4+s12], $0x8, s17, s12, $0xb8;
	[tilespmem:$0xBE80] =	vst v63  }
0x27: {  	s10 =	simm.s32 $0x8800;
	s16 =	simm.s32 $0xAA80  }
0x28: {  	[tilespmem:s16], [sflag:$0x1] =	stream.indirect.gather [hbm4b:s4+s12], $0x8, s10, s12, $0xb8;
	[tilespmem:$0xBE80] =	vst v63  }
0x29: {  	s17 =	simm.s32 $0x8880;
	s18 =	simm.s32 $0xAE80  }
0x2a: {  	[tilespmem:s18], [sflag:$0x1] =	stream.indirect.gather [hbm4b:s4+s12], $0x8, s17, s12, $0xb8;
	[tilespmem:$0xBE80] =	vst v63  }
0x2b: {  	s10 =	simm.s32 $0x8900;
	s16 =	simm.s32 $0xB280  }
0x2c: {  	[tilespmem:s16], [sflag:$0x1] =	stream.indirect.gather [hbm4b:s4+s12], $0x8, s10, s12, $0xb8;
	[tilespmem:$0xBE80] =	vst v63  }
0x2d: {  	s17 =	simm.s32 $0x8980;
	s18 =	simm.s32 $0xB680  }
0x2e: {  	[tilespmem:s18], [sflag:$0x1] =	stream.indirect.gather [hbm4b:s4+s12], $0x8, s17, s12, $0xb8;
	[tilespmem:$0xBE80] =	vst v63  }
0x2f: {  	s16 =	simm.s32 $0x8A00;
	s17 =	simm.s32 $0xBA80  }
0x30: {  	[tilespmem:s17], [sflag:$0x1] =	stream.indirect.gather [hbm4b:s4+s12], $0x8, s16, s12, $0xb8;
	[tilespmem:$0xBE80] =	vst v63  }
0x31: {  	_ =	swait.ge [sflag:s19], $0x400  }
0x32: {  	[sflag:s19] =	ssyncset.done $0x0  }
0x33: {  	[sflag:s19] =	ssyncadd.s32 $0xFFFFFC00  }
0x34: {  	_ =	swait.ge [sflag:s19], $0x400  }
0x35: {  	[sflag:s19] =	ssyncset.done $0x0  }
0x36: {  	[sflag:s19] =	ssyncadd.s32 $0xFFFFFC00  }
0x37: {  	_ =	swait.ge [sflag:s19], $0x400  }
0x38: {  	[sflag:s19] =	ssyncset.done $0x0  }
0x39: {  	[sflag:s19] =	ssyncadd.s32 $0xFFFFFC00  }
0x3a: {  	_ =	swait.ge [sflag:s19], $0x400  }
0x3b: {  	[sflag:s19] =	ssyncset.done $0x0  }
0x3c: {  	[sflag:s19] =	ssyncadd.s32 $0xFFFFFC00  }
0x3d: {  	_ =	swait.ge [sflag:s19], $0x400  }
0x3e: {  	[sflag:s19] =	ssyncset.done $0x0  }
0x3f: {  	[sflag:s19] =	ssyncadd.s32 $0xFFFFFC00  }
0x40: {  	_ =	swait.ge [sflag:s19], $0x400  }
0x41: {  	[sflag:s19] =	ssyncset.done $0x0  }
0x42: {  	[sflag:s19] =	ssyncadd.s32 $0xFFFFFC00  }
0x43: {  	_ =	swait.ge [sflag:s19], $0x400  }
0x44: {  	[sflag:s19] =	ssyncset.done $0x0  }
0x45: {  	[sflag:s19] =	ssyncadd.s32 $0xFFFFFC00  }
0x46: {  	_ =	swait.ge [sflag:s19], $0x400  }
0x47: {  	[sflag:s19] =	ssyncset.done $0x0  }
0x48: {  	[sflag:s19] =	ssyncadd.s32 $0xFFFFFC00  }
0x49: {  	_ =	swait.ge [sflag:s19], $0x400  }
0x4a: {  	[sflag:s19] =	ssyncset.done $0x0  }
0x4b: {  	[sflag:s19] =	ssyncadd.s32 $0xFFFFFC00  }
0x4c: {  	_ =	swait.ge [sflag:s19], $0x400  }
0x4d: {  	[sflag:s19] =	ssyncset.done $0x0  }
0x4e: {  	[sflag:s19] =	ssyncadd.s32 $0xFFFFFC00  }
0x4f: {  	_ =	swait.ge [sflag:s19], $0x400  }
0x50: {  	[sflag:s19] =	ssyncset.done $0x0  }
0x51: {  	[sflag:s19] =	ssyncadd.s32 $0xFFFFFC00  }
0x52: {  	_ =	swait.ge [sflag:s19], $0x400  }
0x53: {  	[sflag:s19] =	ssyncset.done $0x0  }
0x54: {  	[sflag:s19] =	ssyncadd.s32 $0xFFFFFC00  }
0x55: {  	_ =	swait.ge [sflag:s19], $0x400  }
0x56: {  	[sflag:s19] =	ssyncset.done $0x0  }
0x57: {  	[sflag:s19] =	ssyncadd.s32 $0xFFFFFC00  }
0x58: {  	[hbm4b:s6+s3] =	stream.linear.scatter [tilespmem:s13], [sflag:$0x2], $0x3400, $0x38;
	[tilespmem:$0xBE80] =	vst v63  }
0x59: {  	_ =	swait.ge [sflag:s11], $0x3400  }
0x5a: {  	[sflag:s11] =	ssyncset.done $0x0  }
0x5b: {  	s18 =	sadd.s32 $0x0, s9;
	[sflag:s11] =	ssyncadd.s32 $0xFFFFCC00  }
0x5c: {  	[tilespmem:s3], [sflag:$0x2] =	stream.linear.gather [hbm4b:s18+s3], $0x400, $0x38;
	[tilespmem:$0xBE80] =	vst v63  }
0x5d: {  	_ =	swait.ge [sflag:s11], $0x400  }
0x5e: {  	[sflag:s11] =	ssyncset.done $0x0  }
0x5f: {  	[sflag:s11] =	ssyncadd.s32 $0xFFFFFC00  }
0x60: {  	[tilespmem:s20], [sflag:$0x1] =	stream.indirect.gather [hbm4b:s2+s12], $0x20, s3, s12, $0xb8;
	[tilespmem:$0xBE80] =	vst v63  }
0x61: {  	_ = 	snop  }
0x62: {  	[tilespmem:s21], [sflag:$0x1] =	stream.indirect.gather [hbm4b:s2+s12], $0x20, s12, s12, $0xb8;
	[tilespmem:$0xBE80] =	vst v63  }
0x63: {  	_ = 	snop  }
0x64: {  	[tilespmem:s23], [sflag:$0x1] =	stream.indirect.gather [hbm4b:s2+s12], $0x20, s22, s12, $0xb8;
	[tilespmem:$0xBE80] =	vst v63  }
0x65: {  	_ = 	snop  }
0x66: {  	[tilespmem:s25], [sflag:$0x1] =	stream.indirect.gather [hbm4b:s2+s12], $0x20, s24, s12, $0xb8;
	[tilespmem:$0xBE80] =	vst v63  }
0x67: {  	_ = 	snop  }
0x68: {  	[tilespmem:s28], [sflag:$0x1] =	stream.indirect.gather [hbm4b:s2+s12], $0x20, s26, s12, $0xb8;
	[tilespmem:$0xBE80] =	vst v63  }
0x69: {  	_ = 	snop  }
0x6a: {  	[tilespmem:s30], [sflag:$0x1] =	stream.indirect.gather [hbm4b:s2+s12], $0x20, s29, s12, $0xb8;
	[tilespmem:$0xBE80] =	vst v63  }
0x6b: {  	_ = 	snop  }
0x6c: {  	[tilespmem:s1], [sflag:$0x1] =	stream.indirect.gather [hbm4b:s2+s12], $0x20, s31, s12, $0xb8;
	[tilespmem:$0xBE80] =	vst v63  }
0x6d: {  	_ = 	snop  }
0x6e: {  	[tilespmem:s14], [sflag:$0x1] =	stream.indirect.gather [hbm4b:s2+s12], $0x20, s0, s12, $0xb8;
	[tilespmem:$0xBE80] =	vst v63  }
0x6f: {  	_ =	swait.ge [sflag:s19], $0x1000  }
0x70: {  	[sflag:s19] =	ssyncset.done $0x0  }
0x71: {  	[sflag:s19] =	ssyncadd.s32 $0xFFFFF000  }
0x72: {  	_ =	swait.ge [sflag:s19], $0x1000  }
0x73: {  	[sflag:s19] =	ssyncset.done $0x0  }
0x74: {  	[sflag:s19] =	ssyncadd.s32 $0xFFFFF000  }
0x75: {  	_ =	swait.ge [sflag:s19], $0x1000  }
0x76: {  	[sflag:s19] =	ssyncset.done $0x0  }
0x77: {  	[sflag:s19] =	ssyncadd.s32 $0xFFFFF000  }
0x78: {  	_ =	swait.ge [sflag:s19], $0x1000  }
0x79: {  	[sflag:s19] =	ssyncset.done $0x0  }
0x7a: {  	[sflag:s19] =	ssyncadd.s32 $0xFFFFF000  }
0x7b: {  	_ =	swait.ge [sflag:s19], $0x1000  }
0x7c: {  	[sflag:s19] =	ssyncset.done $0x0  }
0x7d: {  	[sflag:s19] =	ssyncadd.s32 $0xFFFFF000  }
0x7e: {  	_ =	swait.ge [sflag:s19], $0x1000  }
0x7f: {  	[sflag:s19] =	ssyncset.done $0x0  }
0x80: {  	[sflag:s19] =	ssyncadd.s32 $0xFFFFF000  }
0x81: {  	_ =	swait.ge [sflag:s19], $0x1000  }
0x82: {  	[sflag:s19] =	ssyncset.done $0x0  }
0x83: {  	[sflag:s19] =	ssyncadd.s32 $0xFFFFF000  }
0x84: {  	_ =	swait.ge [sflag:s19], $0x1000  }
0x85: {  	[sflag:s19] =	ssyncset.done $0x0  }
0x86: {  	[sflag:s19] =	ssyncadd.s32 $0xFFFFF000  }
0x87: {  	[hbm4b:s8+s3] =	stream.linear.scatter [tilespmem:s20], [sflag:$0x2], $0x8000, $0x38;
	[tilespmem:$0xBE80] =	vst v63  }
0x88: {  	s17 =	simm.s32 $0x80;
	_ =	swait.ge [sflag:s11], $0x8000  }
0x89: {  	s16 =	sadd.s32 $0x1000, s8;
	s18 =	simm.s32 $0x100;
	[sflag:s11] =	ssyncset.done $0x0  }
.LBB2_2:
0x8a: {  	s10 =	sadd.s32 s17, s9  }
0x8b: {  	[sflag:s11] =	ssyncadd.s32 $0xFFFF8000;
	s17 =	smov.u32 s18;
	s5 =	sadd.s32 $0x80, s18  }
0x8c: {  	[tilespmem:s3], [sflag:$0x2] =	stream.linear.gather [hbm4b:s10+s3], $0x400, $0x38;
	[tilespmem:$0xBE80] =	vst v63  }
0x8d: {  	p0 =	sne.s32 s18, $0xC80;
	_ =	swait.ge [sflag:s11], $0x400  }
0x8e: {  	[sflag:s11] =	ssyncset.done $0x0  }
0x8f: {  	[sflag:s11] =	ssyncadd.s32 $0xFFFFFC00  }
0x90: {  	[tilespmem:s20], [sflag:$0x1] =	stream.indirect.gather [hbm4b:s2+s12], $0x20, s3, s12, $0xb8;
	[tilespmem:$0xBE80] =	vst v63  }
0x91: {  	_ = 	snop  }
0x92: {  	[tilespmem:s21], [sflag:$0x1] =	stream.indirect.gather [hbm4b:s2+s12], $0x20, s12, s12, $0xb8;
	[tilespmem:$0xBE80] =	vst v63  }
0x93: {  	_ = 	snop  }
0x94: {  	[tilespmem:s23], [sflag:$0x1] =	stream.indirect.gather [hbm4b:s2+s12], $0x20, s22, s12, $0xb8;
	[tilespmem:$0xBE80] =	vst v63  }
0x95: {  	_ = 	snop  }
0x96: {  	[tilespmem:s25], [sflag:$0x1] =	stream.indirect.gather [hbm4b:s2+s12], $0x20, s24, s12, $0xb8;
	[tilespmem:$0xBE80] =	vst v63  }
0x97: {  	_ = 	snop  }
0x98: {  	[tilespmem:s28], [sflag:$0x1] =	stream.indirect.gather [hbm4b:s2+s12], $0x20, s26, s12, $0xb8;
	[tilespmem:$0xBE80] =	vst v63  }
0x99: {  	_ = 	snop  }
0x9a: {  	[tilespmem:s30], [sflag:$0x1] =	stream.indirect.gather [hbm4b:s2+s12], $0x20, s29, s12, $0xb8;
	[tilespmem:$0xBE80] =	vst v63  }
0x9b: {  	_ = 	snop  }
0x9c: {  	[tilespmem:s1], [sflag:$0x1] =	stream.indirect.gather [hbm4b:s2+s12], $0x20, s31, s12, $0xb8;
	[tilespmem:$0xBE80] =	vst v63  }
0x9d: {  	_ = 	snop  }
0x9e: {  	[tilespmem:s14], [sflag:$0x1] =	stream.indirect.gather [hbm4b:s2+s12], $0x20, s0, s12, $0xb8;
	[tilespmem:$0xBE80] =	vst v63  }
0x9f: {  	_ =	swait.ge [sflag:s19], $0x1000  }
0xa0: {  	[sflag:s19] =	ssyncset.done $0x0  }
0xa1: {  	[sflag:s19] =	ssyncadd.s32 $0xFFFFF000  }
0xa2: {  	_ =	swait.ge [sflag:s19], $0x1000  }
0xa3: {  	[sflag:s19] =	ssyncset.done $0x0  }
0xa4: {  	[sflag:s19] =	ssyncadd.s32 $0xFFFFF000  }
0xa5: {  	_ =	swait.ge [sflag:s19], $0x1000  }
0xa6: {  	[sflag:s19] =	ssyncset.done $0x0  }
0xa7: {  	[sflag:s19] =	ssyncadd.s32 $0xFFFFF000  }
0xa8: {  	_ =	swait.ge [sflag:s19], $0x1000  }
0xa9: {  	[sflag:s19] =	ssyncset.done $0x0  }
0xaa: {  	[sflag:s19] =	ssyncadd.s32 $0xFFFFF000  }
0xab: {  	_ =	swait.ge [sflag:s19], $0x1000  }
0xac: {  	[sflag:s19] =	ssyncset.done $0x0  }
0xad: {  	[sflag:s19] =	ssyncadd.s32 $0xFFFFF000  }
0xae: {  	_ =	swait.ge [sflag:s19], $0x1000  }
0xaf: {  	[sflag:s19] =	ssyncset.done $0x0  }
0xb0: {  	[sflag:s19] =	ssyncadd.s32 $0xFFFFF000  }
0xb1: {  	_ =	swait.ge [sflag:s19], $0x1000  }
0xb2: {  	[sflag:s19] =	ssyncset.done $0x0  }
0xb3: {  	[sflag:s19] =	ssyncadd.s32 $0xFFFFF000  }
0xb4: {  	_ =	swait.ge [sflag:s19], $0x1000  }
.Ltmp0:
0xb5: {  	[sflag:s19] =	ssyncset.done $0x0;
	(pc) =	sbr.rel @p0 .LBB2_2-.Ltmp0, $4  }
0xb6: {  	[sflag:s19] =	ssyncadd.s32 $0xFFFFF000  }
0xb7: {  	[hbm4b:s16+s3] =	stream.linear.scatter [tilespmem:s20], [sflag:$0x2], $0x8000, $0x38;
	[tilespmem:$0xBE80] =	vst v63  }
0xb8: {  	_ =	swait.ge [sflag:s11], $0x8000  }
0xb9: {  	s18 =	smov.u32 s5;
	s16 =	sadd.s32 $0x1000, s16;
	[sflag:s11] =	ssyncset.done $0x0  }
0xba: {  	s5 =	sadd.s32 s17, s9;
	[sflag:s11] =	ssyncadd.s32 $0xFFFF8000  }
0xbb: {  	[tilespmem:s3], [sflag:$0x2] =	stream.linear.gather [hbm4b:s5+s3], $0x400, $0x38;
	[tilespmem:$0xBE80] =	vst v63  }
0xbc: {  	_ =	swait.ge [sflag:s11], $0x400  }
0xbd: {  	[sflag:s11] =	ssyncset.done $0x0  }
0xbe: {  	[sflag:s11] =	ssyncadd.s32 $0xFFFFFC00  }
0xbf: {  	[tilespmem:s20], [sflag:$0x1] =	stream.indirect.gather [hbm4b:s2+s12], $0x20, s3, s12, $0xb8;
	[tilespmem:$0xBE80] =	vst v63  }
0xc0: {  	_ = 	snop  }
0xc1: {  	[tilespmem:s21], [sflag:$0x1] =	stream.indirect.gather [hbm4b:s2+s12], $0x20, s12, s12, $0xb8;
	[tilespmem:$0xBE80] =	vst v63  }
0xc2: {  	_ = 	snop  }
0xc3: {  	[tilespmem:s23], [sflag:$0x1] =	stream.indirect.gather [hbm4b:s2+s12], $0x20, s22, s12, $0xb8;
	[tilespmem:$0xBE80] =	vst v63  }
0xc4: {  	_ = 	snop  }
0xc5: {  	[tilespmem:s25], [sflag:$0x1] =	stream.indirect.gather [hbm4b:s2+s12], $0x20, s24, s12, $0xb8;
	[tilespmem:$0xBE80] =	vst v63  }
0xc6: {  	_ = 	snop  }
0xc7: {  	[tilespmem:s28], [sflag:$0x1] =	stream.indirect.gather [hbm4b:s2+s12], $0x20, s26, s12, $0xb8;
	[tilespmem:$0xBE80] =	vst v63  }
0xc8: {  	_ = 	snop  }
0xc9: {  	[tilespmem:s30], [sflag:$0x1] =	stream.indirect.gather [hbm4b:s2+s12], $0x20, s29, s12, $0xb8;
	[tilespmem:$0xBE80] =	vst v63  }
0xca: {  	_ = 	snop  }
0xcb: {  	[tilespmem:s1], [sflag:$0x1] =	stream.indirect.gather [hbm4b:s2+s12], $0x20, s31, s12, $0xb8;
	[tilespmem:$0xBE80] =	vst v63  }
0xcc: {  	_ = 	snop  }
0xcd: {  	[tilespmem:s14], [sflag:$0x1] =	stream.indirect.gather [hbm4b:s2+s12], $0x20, s0, s12, $0xb8;
	[tilespmem:$0xBE80] =	vst v63  }
0xce: {  	_ =	swait.ge [sflag:s19], $0x1000  }
0xcf: {  	[sflag:s19] =	ssyncset.done $0x0  }
0xd0: {  	[sflag:s19] =	ssyncadd.s32 $0xFFFFF000  }
0xd1: {  	_ =	swait.ge [sflag:s19], $0x1000  }
0xd2: {  	[sflag:s19] =	ssyncset.done $0x0  }
0xd3: {  	[sflag:s19] =	ssyncadd.s32 $0xFFFFF000  }
0xd4: {  	_ =	swait.ge [sflag:s19], $0x1000  }
0xd5: {  	[sflag:s19] =	ssyncset.done $0x0  }
0xd6: {  	[sflag:s19] =	ssyncadd.s32 $0xFFFFF000  }
0xd7: {  	_ =	swait.ge [sflag:s19], $0x1000  }
0xd8: {  	[sflag:s19] =	ssyncset.done $0x0  }
0xd9: {  	[sflag:s19] =	ssyncadd.s32 $0xFFFFF000  }
0xda: {  	_ =	swait.ge [sflag:s19], $0x1000  }
0xdb: {  	[sflag:s19] =	ssyncset.done $0x0  }
0xdc: {  	[sflag:s19] =	ssyncadd.s32 $0xFFFFF000  }
0xdd: {  	_ =	swait.ge [sflag:s19], $0x1000  }
0xde: {  	[sflag:s19] =	ssyncset.done $0x0  }
0xdf: {  	[sflag:s19] =	ssyncadd.s32 $0xFFFFF000  }
0xe0: {  	_ =	swait.ge [sflag:s19], $0x1000  }
0xe1: {  	[sflag:s19] =	ssyncset.done $0x0  }
0xe2: {  	[sflag:s19] =	ssyncadd.s32 $0xFFFFF000  }
0xe3: {  	s15 =	sadd.s32 $0x1, s15;
	_ =	swait.ge [sflag:s19], $0x1000  }
0xe4: {  	p0 =	sne.s32 s15, s7;
	[sflag:s19] =	ssyncset.done $0x0  }
.Ltmp1:
0xe5: {  	[sflag:s19] =	ssyncadd.s32 $0xFFFFF000;
	(pc) =	sbr.rel @p0 .LBB2_1-.Ltmp1, $4  }
0xe6: {  	[hbm4b:s16+s3] =	stream.linear.scatter [tilespmem:s20], [sflag:$0x2], $0x8000, $0x38;
	[tilespmem:$0xBE80] =	vst v63  }
0xe7: {  	_ =	swait.ge [sflag:s11], $0x8000  }
0xe8: {  	[sflag:s11] =	ssyncset.done $0x0  }
0xe9: {  	[sflag:s11] =	ssyncadd.s32 $0xFFFF8000  }
0xea: {  	_ =	sfence.sel $0x180000  }
0xeb: {  	[bflag:$0x0] =	sbarrier.arrive $0xFFFF  }
0xec: {  	_ =	strace $0x90000047  }
0xed: {  	s0 =	stileid.u32;
	[bflag:$0x2] =	sbarrier.arrive $0xFFFF  }
0xee: {  	p0 =	sne.s32 s0, $0x0;
	s0 =	rddreg [dreg:$0x2]  }
0xef: {  	s0 =	sadd.s32 @!p0 $0x100000, s0  }
0xf0: {  	[sflag:s0] =	ssyncadd.tile.s32 @!p0 $0x1;
	_ =	shalt  }
.Lfunc_end2:
_tile_overlayer_lowered:
.L_overlay_start_2:
0xf1: {  	(tag) =	ssettag $0x2  }
0xf2: {  	s0 =	rddreg [dreg:$0x0];
	s2 =	stileid.u32  }
0xf3: {  	s1 =	rddreg [dreg:$0x1];
	p0 =	sne.s32 s2, $0x0  }
0xf4: {  	s3 =	rddreg [dreg:$0x2];
	[bflag:$0x3] =	sbarrier.arrive $0xFFFF;
	s2 =	simm.s32 @!p0 $0x1C02  }
0xf5: {  	[timem:s3], [sflag:s2] =	dma.local @!p0 [hbm:s0], s1  }
0xf6: {  	s0 =	simm.s32 @!p0 $0x2  }
0xf7: {  	_ =	swait.ge @!p0 [sflag:s0], s1  }
0xf8: {  	s1 =	ssub.s32 @!p0 $0x0, s1;
	[sflag:s0] =	ssyncset.done @!p0 $0x0  }
0xf9: {  	[sflag:s0] =	ssyncadd.s32 @!p0 s1  }
0xfa: {  	[bflag:$0x3] =	sbarrier.arrive $0xFFFF  }
0xfb: {  	_ =	shalt  }

</sc_bundles>
